<compile_context>
chip_gen: v7x
topology: tpu7x:2x2x1
jax: 0.10.2.dev20260603
libtpu: 0.0.44.dev20260713+nightly
codegen_flags: <defaults>
</compile_context>

<pallas_src>
import functools

import jax
import jax.numpy as jnp
from jax import lax
from jax.experimental import pallas as pl
from jax.experimental.pallas import tpu as pltpu
from jax.experimental.pallas import tpu_sc as plsc

N = 10000
E = 320000
D = 128
P = 16384

NC = 2
NS = 16
NW = NC * NS
L = 16

EW = E // NW
CB = 125
CS = 128
CH = EW // CB
ACC_ROWS = 10240
HR = ACC_ROWS // 128
DUMMY = N
NB = 2

_mesh = plsc.VectorSubcoreMesh(
    core_axis_name="c", subcore_axis_name="s", num_cores=NC, num_subcores=NS)
_sc_params = pltpu.CompilerParams(needs_layout_passes=False)


def _seg_body(table_h, pidx_h, part_h,
              pidx_v, r0, r1, si0, si1, di0, di1, acc_s, g0, g1, s0, s1):
    c = lax.axis_index("c")
    s = lax.axis_index("s")
    wid = s * NC + c
    rows = (r0, r1)
    sib = (si0, si1)
    dib = (di0, di1)
    gsem = (g0, g1)
    ssem = (s0, s1)
    zeros16 = jnp.zeros((L,), jnp.float32)

    pltpu.sync_copy(pidx_h.at[wid], pidx_v)

    def unpack(j, b):
        for k in range(8):
            pk = pidx_v[j, pl.ds(k * L, L)]
            sib[b][pl.ds(k * L, L)] = lax.bitwise_and(pk, 0x3FFF)
            dib[b][pl.ds(k * L, L)] = lax.shift_right_logical(pk, 14)

    def zrow(i, _):
        for k in range(8):
            r0[i, pl.ds(k * L, L)] = zeros16
        return 0
    lax.fori_loop(0, CS, zrow, 0)
    for j in range(5):
        pltpu.sync_copy(r0, acc_s.at[pl.ds(s * 640 + j * CS, CS)])
    plsc.subcore_barrier()

    for b in range(NB):
        unpack(jnp.int32(b), b)
        pltpu.async_copy(table_h.at[sib[b]], rows[b], gsem[b])

    def group(g, _):
        base = g * NB
        for b in range(NB):
            pltpu.make_async_copy(table_h.at[sib[b]], rows[b], gsem[b]).wait()
            pltpu.async_copy(rows[b], acc_s.at[dib[b]], ssem[b], add=True)
        for b in range(NB):
            j = base + b
            pltpu.make_async_copy(rows[b], acc_s.at[dib[b]], ssem[b]).wait()
            jn = j + NB

            @pl.when(jn < CH)
            def _():
                unpack(jn, b)
                pltpu.async_copy(table_h.at[sib[b]], rows[b], gsem[b])
        return 0
    lax.fori_loop(0, CH // NB, group, 0)
    plsc.subcore_barrier()

    pltpu.sync_copy(acc_s.at[pl.ds(s * 640, 640)], part_h.at[c, pl.ds(s * 640, 640)])


_segsum = pl.kernel(
    _seg_body,
    out_type=jax.ShapeDtypeStruct((NC, ACC_ROWS, D), jnp.float32),
    mesh=_mesh,
    scratch_types=[
        pltpu.VMEM((CH, CS), jnp.int32),
        pltpu.VMEM((CS, D), jnp.float32),
        pltpu.VMEM((CS, D), jnp.float32),
        pltpu.VMEM((CS,), jnp.int32),
        pltpu.VMEM((CS,), jnp.int32),
        pltpu.VMEM((CS,), jnp.int32),
        pltpu.VMEM((CS,), jnp.int32),
        pltpu.VMEM_SHARED((ACC_ROWS, D), jnp.float32),
        pltpu.SemaphoreType.DMA,
        pltpu.SemaphoreType.DMA,
        pltpu.SemaphoreType.DMA,
        pltpu.SemaphoreType.DMA,
    ],
    compiler_params=_sc_params,
    name="sc_segsum")


def _hist_body(didx_h, cnt_h, didx_v, hist_v):
    c = lax.axis_index("c")
    s = lax.axis_index("s")
    wid = s * NC + c
    zeros16 = jnp.zeros((L,), jnp.float32)
    ones16 = jnp.ones((L,), jnp.float32)

    pltpu.sync_copy(didx_h.at[wid], didx_v)

    def zh(i, _):
        hist_v[pl.ds(i * L, L)] = zeros16
        return 0
    lax.fori_loop(0, ACC_ROWS // L, zh, 0)

    def step(i, _):
        di = didx_v[pl.ds(i * L, L)]
        plsc.addupdate_scatter(hist_v, [di], ones16)
        return 0
    lax.fori_loop(0, (CH * CS) // L, step, 0)

    pltpu.sync_copy(hist_v, cnt_h.at[pl.ds(wid * ACC_ROWS, ACC_ROWS)])


_hist = pl.kernel(
    _hist_body,
    out_type=jax.ShapeDtypeStruct((NW * ACC_ROWS,), jnp.float32),
    mesh=_mesh,
    scratch_types=[
        pltpu.VMEM((CH * CS,), jnp.int32),
        pltpu.VMEM((ACC_ROWS,), jnp.float32),
    ],
    compiler_params=_sc_params,
    name="sc_hist")


def _pair_body(h_h, pidx_h, out_h, pidx_v, rows_v, sem):
    c = lax.axis_index("c")
    s = lax.axis_index("s")
    wid = s * NC + c
    pltpu.sync_copy(pidx_h.at[wid], pidx_v)
    base = wid * (P // NW)
    for j in range(8):
        pltpu.async_copy(h_h.at[pidx_v.at[j]], rows_v, sem).wait()
        pltpu.sync_copy(
            rows_v, out_h.at[j // 4, pl.ds(base + (j % 4) * 128, 128)])


_pair_gather = pl.kernel(
    _pair_body,
    out_type=jax.ShapeDtypeStruct((2, P, D), jnp.float32),
    mesh=_mesh,
    scratch_types=[
        pltpu.VMEM((8, 128), jnp.int32),
        pltpu.VMEM((128, D), jnp.float32),
        pltpu.SemaphoreType.DMA,
    ],
    compiler_params=_sc_params,
    name="sc_pair_gather")


def _cnt_body(cnt_ref, inv_ref):
    tot = jnp.sum(cnt_ref[...], axis=0)
    inv_ref[...] = 1.0 / jnp.maximum(tot, 1.0)


def _cnt_reduce(cnts):
    return pl.pallas_call(
        _cnt_body,
        out_shape=jax.ShapeDtypeStruct((HR, 128), jnp.float32),
    )(cnts)


def _layer_tc_body(x_ref, p_ref, inv_ref, wr_ref, wn_ref, b_ref, o_ref, *, relu):
    agg = (p_ref[0] + p_ref[1]) * inv_ref[...]
    out = (jnp.dot(x_ref[...], wr_ref[...], preferred_element_type=jnp.float32)
           + jnp.dot(agg, wn_ref[...], preferred_element_type=jnp.float32)
           + b_ref[...])
    o_ref[...] = jnp.maximum(out, 0.0) if relu else out


def _layer_tc(x, parts, inv, wr, wn, b, relu):
    R = 2000
    grid = (N // R,)
    return pl.pallas_call(
        functools.partial(_layer_tc_body, relu=relu),
        grid=grid,
        in_specs=[
            pl.BlockSpec((R, D), lambda i: (i, 0)),
            pl.BlockSpec((NC, R, D), lambda i: (0, i, 0)),
            pl.BlockSpec((R, 1), lambda i: (i, 0)),
            pl.BlockSpec((D, D), lambda i: (0, 0)),
            pl.BlockSpec((D, D), lambda i: (0, 0)),
            pl.BlockSpec((1, D), lambda i: (0, 0)),
        ],
        out_specs=pl.BlockSpec((R, D), lambda i: (i, 0)),
        out_shape=jax.ShapeDtypeStruct((N, D), jnp.float32),
    )(x, parts, inv, wr, wn, b.reshape(1, D))


def _pred_body(hs_ref, hd_ref, w0_ref, b0_ref, w1_ref, b1_ref, w2_ref, b2_ref, o_ref):
    z = hs_ref[...] * hd_ref[...]
    z = jnp.maximum(jnp.dot(z, w0_ref[...], preferred_element_type=jnp.float32)
                    + b0_ref[...], 0.0)
    z = jnp.maximum(jnp.dot(z, w1_ref[...], preferred_element_type=jnp.float32)
                    + b1_ref[...], 0.0)
    logit = jnp.sum(z * w2_ref[...], axis=1, keepdims=True) + b2_ref[0, 0]
    o_ref[...] = 1.0 / (1.0 + jnp.exp(-logit))


def _predictor_tc(hs, hd, p0w, p0b, p1w, p1b, p2w, p2b):
    R = 2048
    grid = (P // R,)
    return pl.pallas_call(
        _pred_body,
        grid=grid,
        in_specs=[
            pl.BlockSpec((R, D), lambda i: (i, 0)),
            pl.BlockSpec((R, D), lambda i: (i, 0)),
            pl.BlockSpec((D, D), lambda i: (0, 0)),
            pl.BlockSpec((1, D), lambda i: (0, 0)),
            pl.BlockSpec((D, D), lambda i: (0, 0)),
            pl.BlockSpec((1, D), lambda i: (0, 0)),
            pl.BlockSpec((1, D), lambda i: (0, 0)),
            pl.BlockSpec((1, 1), lambda i: (0, 0)),
        ],
        out_specs=pl.BlockSpec((R, 1), lambda i: (i, 0)),
        out_shape=jax.ShapeDtypeStruct((P, 1), jnp.float32),
    )(hs, hd, p0w, p0b.reshape(1, D), p1w, p1b.reshape(1, D),
      p2w.reshape(1, D), p2b.reshape(1, 1))


def kernel(x, edge_index, pairs, W_root0, W_neigh0, b0, W_root1, W_neigh1, b1,
           P0_w, P0_b, P1_w, P1_b, P2_w, P2_b):
    src = edge_index[0].reshape(NW, CH, CB)
    dst = edge_index[1].reshape(NW, CH, CB)
    src_p = jnp.pad(src, ((0, 0), (0, 0), (0, CS - CB)))
    dst_p = jnp.pad(dst, ((0, 0), (0, 0), (0, CS - CB)), constant_values=DUMMY)
    packed = jnp.bitwise_or(src_p, jnp.left_shift(dst_p, 14))

    cnts = _hist(dst_p.reshape(NW, CH * CS))
    inv = _cnt_reduce(cnts.reshape(NW, HR, 128)).reshape(ACC_ROWS, 1)

    parts0 = _segsum(x, packed)
    h = _layer_tc(x, parts0, inv, W_root0, W_neigh0, b0, relu=True)

    parts1 = _segsum(h, packed)
    h1 = _layer_tc(h, parts1, inv, W_root1, W_neigh1, b1, relu=False)

    pidx = pairs.reshape(2, NW, 4, 128).transpose(1, 0, 2, 3).reshape(NW, 8, 128)
    hp = _pair_gather(h1, pidx)

    return _predictor_tc(hp[0], hp[1], P0_w, P0_b, P1_w, P1_b, P2_w, P2_b)

# --- scband reference (transcript-rebuilt; emitter-appended) ---
"""Pipeline reference for scband-link-prediction-wg-gnnmodel-39986145526067 (READ-ONLY COPY).

The authoritative reference and input builder live on the scoring server;
editing this copy changes nothing except your own understanding.
"""

import jax, jax.numpy as jnp
import numpy as np

N = 10000
E = 320000
D = 128
H = 128
P = 16384


def setup_inputs(seed: int = 0):
    key = jax.random.key(seed)
    ks = jax.random.split(key, 16)
    x = jax.random.normal(ks[0], (N, D), dtype=jnp.float32)
    edge_index = jax.random.randint(ks[1], (2, E), 0, N, dtype=jnp.int32)
    pairs = jax.random.randint(ks[2], (2, P), 0, N, dtype=jnp.int32)

    def w(k, shape, fan):
        return jax.random.normal(k, shape, dtype=jnp.float32) * (1.0 / np.sqrt(fan))

    W_root0 = w(ks[3], (D, H), D)
    W_neigh0 = w(ks[4], (D, H), D)
    b0 = jnp.zeros((H,), dtype=jnp.float32)
    W_root1 = w(ks[5], (H, H), H)
    W_neigh1 = w(ks[6], (H, H), H)
    b1 = jnp.zeros((H,), dtype=jnp.float32)
    P0_w = w(ks[7], (H, H), H)
    P0_b = jnp.zeros((H,), dtype=jnp.float32)
    P1_w = w(ks[8], (H, H), H)
    P1_b = jnp.zeros((H,), dtype=jnp.float32)
    P2_w = w(ks[9], (H, 1), H)
    P2_b = jnp.zeros((1,), dtype=jnp.float32)
    return {
        'x': x, 'edge_index': edge_index, 'pairs': pairs,
        'W_root0': W_root0, 'W_neigh0': W_neigh0, 'b0': b0,
        'W_root1': W_root1, 'W_neigh1': W_neigh1, 'b1': b1,
        'P0_w': P0_w, 'P0_b': P0_b, 'P1_w': P1_w, 'P1_b': P1_b,
        'P2_w': P2_w, 'P2_b': P2_b,
    }


def _sage_layer(x, src, dst, Wr, Wn, b, n):
    # SAGEConv with mean aggregation: gather src feats, scatter-mean to dst
    msgs = jnp.take(x, src, axis=0)
    agg = jax.ops.segment_sum(msgs, dst, num_segments=n)
    cnt = jax.ops.segment_sum(jnp.ones((src.shape[0],), jnp.float32), dst, num_segments=n)
    agg = agg / jnp.maximum(cnt, 1.0)[:, None]
    return x @ Wr + agg @ Wn + b


def reference(x, edge_index, pairs, W_root0, W_neigh0, b0, W_root1, W_neigh1, b1,
              P0_w, P0_b, P1_w, P1_b, P2_w, P2_b):
    src = edge_index[0]
    dst = edge_index[1]
    n = x.shape[0]
    # layer 0 + ReLU (not last layer)
    h = jax.nn.relu(_sage_layer(x, src, dst, W_root0, W_neigh0, b0, n))
    # layer 1 (last layer, no ReLU)
    h = _sage_layer(h, src, dst, W_root1, W_neigh1, b1, n)
    # link prediction: predictor(h_src * h_dst)
    h_src = jnp.take(h, pairs[0], axis=0)
    h_dst = jnp.take(h, pairs[1], axis=0)
    z = h_src * h_dst
    z = jax.nn.relu(z @ P0_w + P0_b)
    z = jax.nn.relu(z @ P1_w + P1_b)
    scores = jax.nn.sigmoid(z @ P2_w + P2_b)
    return scores

if __name__ == "__main__":
    import jax
    _d = setup_inputs()
    print(jax.jit(kernel)(*tuple(_d.values())))

</pallas_src>

<mosaic_0001>
#map = affine_map<(d0, d1) -> (0, 0)>
#map1 = affine_map<(d0, d1) -> (0)>
module attributes {stable_mosaic.version = 14 : i64} {
  func.func @sc_hist(%arg0: i32, %arg1: i32, %arg2: memref<32x10240xi32, #tpu.memory_space<hbm>>, %arg3: memref<327680xf32, #tpu.memory_space<hbm>>, %arg4: memref<10240xi32, #tpu.memory_space<vmem>>, %arg5: memref<10240xf32, #tpu.memory_space<vmem>>) attributes {dimension_semantics = [#tpu.dimension_semantics<core_parallel>, #tpu.dimension_semantics<subcore_parallel>], iteration_bounds = array<i64: 2, 16>, scalar_prefetch = 0 : i64, scratch_operands = 2 : i64, tpu.core_type = #tpu.core_type<sc_vector_subcore>, window_params = [{transform_indices = #map}, {transform_indices = #map1}]} {
    %mul3A = arith.constant 2 : i32
    %mul3A_0 = arith.muli %arg1, %mul3A : i32
    %add3A = arith.addi %mul3A_0, %arg0 : i32
    %broadcast_in_dim3A = arith.constant 0.000000e+00 : f32
    %broadcast_in_dim3A_1 = vector.broadcast %broadcast_in_dim3A : f32 to vector<16xf32>
    %broadcast_in_dim3A_2 = arith.constant 1.000000e+00 : f32
    %broadcast_in_dim3A_3 = vector.broadcast %broadcast_in_dim3A_2 : f32 to vector<16xf32>
    "tpu.region"() ({
      %run_scoped3A = tpu.sem_alloc : memref<!tpu.dma_semaphore, #tpu.memory_space<semaphore_mem>>
      %dma_start3A = arith.constant 0 : i32
      %dma_start3A_19 = tpu.memref_slice %arg2[%add3A, %dma_start3A] : memref<32x10240xi32, #tpu.memory_space<hbm>> -> memref<1x10240xi32, #tpu.memory_space<hbm>>
      %dma_start3A_20 = tpu.memref_squeeze %dma_start3A_19 : memref<1x10240xi32, #tpu.memory_space<hbm>> -> memref<10240xi32, #tpu.memory_space<hbm>>
      %dma_start3A_21 = arith.constant 0 : i32
      %dma_start3A_22 = tpu.memref_slice %arg2[%add3A, %dma_start3A_21] : memref<32x10240xi32, #tpu.memory_space<hbm>> -> memref<1x10240xi32, #tpu.memory_space<hbm>>
      %dma_start3A_23 = tpu.memref_squeeze %dma_start3A_22 : memref<1x10240xi32, #tpu.memory_space<hbm>> -> memref<10240xi32, #tpu.memory_space<hbm>>
      tpu.enqueue_dma source(%dma_start3A_23 : memref<10240xi32, #tpu.memory_space<hbm>>) target(%arg4 : memref<10240xi32, #tpu.memory_space<vmem>>) target_semaphore(%run_scoped3A : memref<!tpu.dma_semaphore, #tpu.memory_space<semaphore_mem>>)
      %dma_wait3A = arith.constant 0 : i32
      %dma_wait3A_24 = tpu.memref_slice %arg2[%add3A, %dma_wait3A] : memref<32x10240xi32, #tpu.memory_space<hbm>> -> memref<1x10240xi32, #tpu.memory_space<hbm>>
      %dma_wait3A_25 = tpu.memref_squeeze %dma_wait3A_24 : memref<1x10240xi32, #tpu.memory_space<hbm>> -> memref<10240xi32, #tpu.memory_space<hbm>>
      %dma_wait3A_26 = arith.constant 0 : i32
      %dma_wait3A_27 = tpu.memref_slice %arg2[%add3A, %dma_wait3A_26] : memref<32x10240xi32, #tpu.memory_space<hbm>> -> memref<1x10240xi32, #tpu.memory_space<hbm>>
      %dma_wait3A_28 = tpu.memref_squeeze %dma_wait3A_27 : memref<1x10240xi32, #tpu.memory_space<hbm>> -> memref<10240xi32, #tpu.memory_space<hbm>>
      tpu.wait_dma2 semaphore(%run_scoped3A : memref<!tpu.dma_semaphore, #tpu.memory_space<semaphore_mem>>) src(%dma_wait3A_28 : memref<10240xi32, #tpu.memory_space<hbm>>) dst(%arg4 : memref<10240xi32, #tpu.memory_space<vmem>>)
      tpu.yield
    }) : () -> ()
    %scan3A = arith.constant 0 : i32
    %scan3A_4 = arith.constant 0 : i32
    %scan3A_5 = arith.constant 640 : i32
    %scan3A_6 = arith.addi %scan3A_4, %scan3A_5 : i32
    %scan3A_7 = arith.constant 1 : i32
    %scan3A_8 = scf.for %scan3A_19 = %scan3A_4 to %scan3A_6 step %scan3A_7 iter_args(%scan3A_20 = %scan3A) -> (i32)  : i32 {
      %mul3A_21 = arith.constant 16 : i32
      %mul3A_22 = arith.muli %scan3A_19, %mul3A_21 : i32
      %swap3A = arith.index_cast %mul3A_22 : i32 to index
      %swap3A_23 = tpu.vector_load %arg5[%swap3A] {strides = array<i32>} : memref<10240xf32, #tpu.memory_space<vmem>>, vector<16xf32>,
      tpu.vector_store %arg5[%swap3A], %broadcast_in_dim3A_1 {strides = array<i32>} : memref<10240xf32, #tpu.memory_space<vmem>>, vector<16xf32>,
      %scan3A_24 = arith.constant 0 : i32
      scf.yield %scan3A_24 : i32
    }
    %scan3A_9 = arith.constant 640 : i32
    %scan3A_10 = arith.constant 0 : i32
    %scan3A_11 = arith.constant 0 : i32
    %scan3A_12 = arith.constant 640 : i32
    %scan3A_13 = arith.addi %scan3A_11, %scan3A_12 : i32
    %scan3A_14 = arith.constant 1 : i32
    %scan3A_15 = scf.for %scan3A_19 = %scan3A_11 to %scan3A_13 step %scan3A_14 iter_args(%scan3A_20 = %scan3A_10) -> (i32)  : i32 {
      %mul3A_21 = arith.constant 16 : i32
      %mul3A_22 = arith.muli %scan3A_19, %mul3A_21 : i32
      %get3A = arith.index_cast %mul3A_22 : i32 to index
      %get3A_23 = tpu.vector_load %arg4[%get3A] {strides = array<i32>} : memref<10240xi32, #tpu.memory_space<vmem>>, vector<16xi32>,
      tpu.vector_store_idx %arg5[%get3A_23], %broadcast_in_dim3A_3 {add = true} : memref<10240xf32, #tpu.memory_space<vmem>>[vector<16xi32>], vector<16xf32>,
      %scan3A_24 = arith.constant 0 : i32
      scf.yield %scan3A_24 : i32
    }
    %scan3A_16 = arith.constant 640 : i32
    %mul3A_17 = arith.constant 10240 : i32
    %mul3A_18 = arith.muli %add3A, %mul3A_17 : i32
    "tpu.region"() ({
      %run_scoped3A = tpu.sem_alloc : memref<!tpu.dma_semaphore, #tpu.memory_space<semaphore_mem>>
      %dma_start3A = tpu.memref_slice %arg3[%mul3A_18] : memref<327680xf32, #tpu.memory_space<hbm>> -> memref<10240xf32, #tpu.memory_space<hbm>>
      %dma_start3A_19 = tpu.memref_slice %arg3[%mul3A_18] : memref<327680xf32, #tpu.memory_space<hbm>> -> memref<10240xf32, #tpu.memory_space<hbm>>
      tpu.enqueue_dma source(%arg5 : memref<10240xf32, #tpu.memory_space<vmem>>) target(%dma_start3A_19 : memref<10240xf32, #tpu.memory_space<hbm>>) target_semaphore(%run_scoped3A : memref<!tpu.dma_semaphore, #tpu.memory_space<semaphore_mem>>)
      %dma_wait3A = tpu.memref_slice %arg3[%mul3A_18] : memref<327680xf32, #tpu.memory_space<hbm>> -> memref<10240xf32, #tpu.memory_space<hbm>>
      %dma_wait3A_20 = tpu.memref_slice %arg3[%mul3A_18] : memref<327680xf32, #tpu.memory_space<hbm>> -> memref<10240xf32, #tpu.memory_space<hbm>>
      tpu.wait_dma2 semaphore(%run_scoped3A : memref<!tpu.dma_semaphore, #tpu.memory_space<semaphore_mem>>) src(%arg5 : memref<10240xf32, #tpu.memory_space<vmem>>) dst(%dma_wait3A_20 : memref<10240xf32, #tpu.memory_space<hbm>>)
      tpu.yield
    }) : () -> ()
    return
  }
}

#map = affine_map<(d0, d1) -> (0, 0)>
#map1 = affine_map<(d0, d1) -> (0, 0, 0)>
module attributes {stable_mosaic.version = 14 : i64} {
  func.func @sc_segsum(%arg0: i32, %arg1: i32, %arg2: memref<10000x128xf32, #tpu.memory_space<hbm>>, %arg3: memref<32x80x128xi32, #tpu.memory_space<hbm>>, %arg4: memref<2x10240x128xf32, #tpu.memory_space<hbm>>, %arg5: memref<80x128xi32, #tpu.memory_space<vmem>>, %arg6: memref<128x128xf32, #tpu.memory_space<vmem>>, %arg7: memref<128x128xf32, #tpu.memory_space<vmem>>, %arg8: memref<128xi32, #tpu.memory_space<vmem>>, %arg9: memref<128xi32, #tpu.memory_space<vmem>>, %arg10: memref<128xi32, #tpu.memory_space<vmem>>, %arg11: memref<128xi32, #tpu.memory_space<vmem>>, %arg12: memref<10240x128xf32, #tpu.memory_space<vmem_shared>>, %arg13: memref<!tpu.dma_semaphore, #tpu.memory_space<semaphore_mem>>, %arg14: memref<!tpu.dma_semaphore, #tpu.memory_space<semaphore_mem>>, %arg15: memref<!tpu.dma_semaphore, #tpu.memory_space<semaphore_mem>>, %arg16: memref<!tpu.dma_semaphore, #tpu.memory_space<semaphore_mem>>) attributes {dimension_semantics = [#tpu.dimension_semantics<core_parallel>, #tpu.dimension_semantics<subcore_parallel>], iteration_bounds = array<i64: 2, 16>, scalar_prefetch = 0 : i64, scratch_operands = 12 : i64, tpu.core_type = #tpu.core_type<sc_vector_subcore>, window_params = [{transform_indices = #map}, {transform_indices = #map1}, {transform_indices = #map1}]} {
    %mul3A = arith.constant 2 : i32
    %mul3A_0 = arith.muli %arg1, %mul3A : i32
    %add3A = arith.addi %mul3A_0, %arg0 : i32
    %broadcast_in_dim3A = arith.constant 0.000000e+00 : f32
    %broadcast_in_dim3A_1 = vector.broadcast %broadcast_in_dim3A : f32 to vector<16xf32>
    "tpu.region"() ({
      %run_scoped3A = tpu.sem_alloc : memref<!tpu.dma_semaphore, #tpu.memory_space<semaphore_mem>>
      %dma_start3A_265 = arith.constant 0 : i32
      %dma_start3A_266 = arith.constant 0 : i32
      %dma_start3A_267 = tpu.memref_slice %arg3[%add3A, %dma_start3A_265, %dma_start3A_266] : memref<32x80x128xi32, #tpu.memory_space<hbm>> -> memref<1x80x128xi32, #tpu.memory_space<hbm>>
      %dma_start3A_268 = tpu.memref_squeeze %dma_start3A_267 : memref<1x80x128xi32, #tpu.memory_space<hbm>> -> memref<80x128xi32, #tpu.memory_space<hbm>>
      %dma_start3A_269 = arith.constant 0 : i32
      %dma_start3A_270 = arith.constant 0 : i32
      %dma_start3A_271 = tpu.memref_slice %arg3[%add3A, %dma_start3A_269, %dma_start3A_270] : memref<32x80x128xi32, #tpu.memory_space<hbm>> -> memref<1x80x128xi32, #tpu.memory_space<hbm>>
      %dma_start3A_272 = tpu.memref_squeeze %dma_start3A_271 : memref<1x80x128xi32, #tpu.memory_space<hbm>> -> memref<80x128xi32, #tpu.memory_space<hbm>>
      tpu.enqueue_dma source(%dma_start3A_272 : memref<80x128xi32, #tpu.memory_space<hbm>>) target(%arg5 : memref<80x128xi32, #tpu.memory_space<vmem>>) target_semaphore(%run_scoped3A : memref<!tpu.dma_semaphore, #tpu.memory_space<semaphore_mem>>)
      %dma_wait3A = arith.constant 0 : i32
      %dma_wait3A_273 = arith.constant 0 : i32
      %dma_wait3A_274 = tpu.memref_slice %arg3[%add3A, %dma_wait3A, %dma_wait3A_273] : memref<32x80x128xi32, #tpu.memory_space<hbm>> -> memref<1x80x128xi32, #tpu.memory_space<hbm>>
      %dma_wait3A_275 = tpu.memref_squeeze %dma_wait3A_274 : memref<1x80x128xi32, #tpu.memory_space<hbm>> -> memref<80x128xi32, #tpu.memory_space<hbm>>
      %dma_wait3A_276 = arith.constant 0 : i32
      %dma_wait3A_277 = arith.constant 0 : i32
      %dma_wait3A_278 = tpu.memref_slice %arg3[%add3A, %dma_wait3A_276, %dma_wait3A_277] : memref<32x80x128xi32, #tpu.memory_space<hbm>> -> memref<1x80x128xi32, #tpu.memory_space<hbm>>
      %dma_wait3A_279 = tpu.memref_squeeze %dma_wait3A_278 : memref<1x80x128xi32, #tpu.memory_space<hbm>> -> memref<80x128xi32, #tpu.memory_space<hbm>>
      tpu.wait_dma2 semaphore(%run_scoped3A : memref<!tpu.dma_semaphore, #tpu.memory_space<semaphore_mem>>) src(%dma_wait3A_279 : memref<80x128xi32, #tpu.memory_space<hbm>>) dst(%arg5 : memref<80x128xi32, #tpu.memory_space<vmem>>)
      tpu.yield
    }) : () -> ()
    %scan3A = arith.constant 0 : i32
    %scan3A_2 = arith.constant 0 : i32
    %scan3A_3 = arith.constant 128 : i32
    %scan3A_4 = arith.addi %scan3A_2, %scan3A_3 : i32
    %scan3A_5 = arith.constant 1 : i32
    %scan3A_6 = scf.for %scan3A_265 = %scan3A_2 to %scan3A_4 step %scan3A_5 iter_args(%scan3A_266 = %scan3A) -> (i32)  : i32 {
      %swap3A_267 = arith.index_cast %scan3A_265 : i32 to index
      %swap3A_268 = arith.constant 0 : index
      %swap3A_269 = tpu.vector_load %arg6[%swap3A_267, %swap3A_268] {strides = array<i32>} : memref<128x128xf32, #tpu.memory_space<vmem>>, vector<16xf32>,
      tpu.vector_store %arg6[%swap3A_267, %swap3A_268], %broadcast_in_dim3A_1 {strides = array<i32>} : memref<128x128xf32, #tpu.memory_space<vmem>>, vector<16xf32>,
      %swap3A_270 = arith.index_cast %scan3A_265 : i32 to index
      %swap3A_271 = arith.constant 16 : index
      %swap3A_272 = tpu.vector_load %arg6[%swap3A_270, %swap3A_271] {strides = array<i32>} : memref<128x128xf32, #tpu.memory_space<vmem>>, vector<16xf32>,
      tpu.vector_store %arg6[%swap3A_270, %swap3A_271], %broadcast_in_dim3A_1 {strides = array<i32>} : memref<128x128xf32, #tpu.memory_space<vmem>>, vector<16xf32>,
      %swap3A_273 = arith.index_cast %scan3A_265 : i32 to index
      %swap3A_274 = arith.constant 32 : index
      %swap3A_275 = tpu.vector_load %arg6[%swap3A_273, %swap3A_274] {strides = array<i32>} : memref<128x128xf32, #tpu.memory_space<vmem>>, vector<16xf32>,
      tpu.vector_store %arg6[%swap3A_273, %swap3A_274], %broadcast_in_dim3A_1 {strides = array<i32>} : memref<128x128xf32, #tpu.memory_space<vmem>>, vector<16xf32>,
      %swap3A_276 = arith.index_cast %scan3A_265 : i32 to index
      %swap3A_277 = arith.constant 48 : index
      %swap3A_278 = tpu.vector_load %arg6[%swap3A_276, %swap3A_277] {strides = array<i32>} : memref<128x128xf32, #tpu.memory_space<vmem>>, vector<16xf32>,
      tpu.vector_store %arg6[%swap3A_276, %swap3A_277], %broadcast_in_dim3A_1 {strides = array<i32>} : memref<128x128xf32, #tpu.memory_space<vmem>>, vector<16xf32>,
      %swap3A_279 = arith.index_cast %scan3A_265 : i32 to index
      %swap3A_280 = arith.constant 64 : index
      %swap3A_281 = tpu.vector_load %arg6[%swap3A_279, %swap3A_280] {strides = array<i32>} : memref<128x128xf32, #tpu.memory_space<vmem>>, vector<16xf32>,
      tpu.vector_store %arg6[%swap3A_279, %swap3A_280], %broadcast_in_dim3A_1 {strides = array<i32>} : memref<128x128xf32, #tpu.memory_space<vmem>>, vector<16xf32>,
      %swap3A_282 = arith.index_cast %scan3A_265 : i32 to index
      %swap3A_283 = arith.constant 80 : index
      %swap3A_284 = tpu.vector_load %arg6[%swap3A_282, %swap3A_283] {strides = array<i32>} : memref<128x128xf32, #tpu.memory_space<vmem>>, vector<16xf32>,
      tpu.vector_store %arg6[%swap3A_282, %swap3A_283], %broadcast_in_dim3A_1 {strides = array<i32>} : memref<128x128xf32, #tpu.memory_space<vmem>>, vector<16xf32>,
      %swap3A_285 = arith.index_cast %scan3A_265 : i32 to index
      %swap3A_286 = arith.constant 96 : index
      %swap3A_287 = tpu.vector_load %arg6[%swap3A_285, %swap3A_286] {strides = array<i32>} : memref<128x128xf32, #tpu.memory_space<vmem>>, vector<16xf32>,
      tpu.vector_store %arg6[%swap3A_285, %swap3A_286], %broadcast_in_dim3A_1 {strides = array<i32>} : memref<128x128xf32, #tpu.memory_space<vmem>>, vector<16xf32>,
      %swap3A_288 = arith.index_cast %scan3A_265 : i32 to index
      %swap3A_289 = arith.constant 112 : index
      %swap3A_290 = tpu.vector_load %arg6[%swap3A_288, %swap3A_289] {strides = array<i32>} : memref<128x128xf32, #tpu.memory_space<vmem>>, vector<16xf32>,
      tpu.vector_store %arg6[%swap3A_288, %swap3A_289], %broadcast_in_dim3A_1 {strides = array<i32>} : memref<128x128xf32, #tpu.memory_space<vmem>>, vector<16xf32>,
      %scan3A_291 = arith.constant 0 : i32
      scf.yield %scan3A_291 : i32
    }
    %scan3A_7 = arith.constant 128 : i32
    %mul3A_8 = arith.constant 640 : i32
    %mul3A_9 = arith.muli %arg1, %mul3A_8 : i32
    %add3A_10 = arith.constant 0 : i32
    %add3A_11 = arith.addi %mul3A_9, %add3A_10 : i32
    "tpu.region"() ({
      %run_scoped3A = tpu.sem_alloc : memref<!tpu.dma_semaphore, #tpu.memory_space<semaphore_mem>>
      %dma_start3A_265 = arith.constant 0 : i32
      %dma_start3A_266 = tpu.memref_slice %arg12[%add3A_11, %dma_start3A_265] : memref<10240x128xf32, #tpu.memory_space<vmem_shared>> -> memref<128x128xf32, #tpu.memory_space<vmem_shared>>
      %dma_start3A_267 = arith.constant 0 : i32
      %dma_start3A_268 = tpu.memref_slice %arg12[%add3A_11, %dma_start3A_267] : memref<10240x128xf32, #tpu.memory_space<vmem_shared>> -> memref<128x128xf32, #tpu.memory_space<vmem_shared>>
      tpu.enqueue_dma source(%arg6 : memref<128x128xf32, #tpu.memory_space<vmem>>) target(%dma_start3A_268 : memref<128x128xf32, #tpu.memory_space<vmem_shared>>) target_semaphore(%run_scoped3A : memref<!tpu.dma_semaphore, #tpu.memory_space<semaphore_mem>>)
      %dma_wait3A = arith.constant 0 : i32
      %dma_wait3A_269 = tpu.memref_slice %arg12[%add3A_11, %dma_wait3A] : memref<10240x128xf32, #tpu.memory_space<vmem_shared>> -> memref<128x128xf32, #tpu.memory_space<vmem_shared>>
      %dma_wait3A_270 = arith.constant 0 : i32
      %dma_wait3A_271 = tpu.memref_slice %arg12[%add3A_11, %dma_wait3A_270] : memref<10240x128xf32, #tpu.memory_space<vmem_shared>> -> memref<128x128xf32, #tpu.memory_space<vmem_shared>>
      tpu.wait_dma2 semaphore(%run_scoped3A : memref<!tpu.dma_semaphore, #tpu.memory_space<semaphore_mem>>) src(%arg6 : memref<128x128xf32, #tpu.memory_space<vmem>>) dst(%dma_wait3A_271 : memref<128x128xf32, #tpu.memory_space<vmem_shared>>)
      tpu.yield
    }) : () -> ()
    %mul3A_12 = arith.constant 640 : i32
    %mul3A_13 = arith.muli %arg1, %mul3A_12 : i32
    %add3A_14 = arith.constant 128 : i32
    %add3A_15 = arith.addi %mul3A_13, %add3A_14 : i32
    "tpu.region"() ({
      %run_scoped3A = tpu.sem_alloc : memref<!tpu.dma_semaphore, #tpu.memory_space<semaphore_mem>>
      %dma_start3A_265 = arith.constant 0 : i32
      %dma_start3A_266 = tpu.memref_slice %arg12[%add3A_15, %dma_start3A_265] : memref<10240x128xf32, #tpu.memory_space<vmem_shared>> -> memref<128x128xf32, #tpu.memory_space<vmem_shared>>
      %dma_start3A_267 = arith.constant 0 : i32
      %dma_start3A_268 = tpu.memref_slice %arg12[%add3A_15, %dma_start3A_267] : memref<10240x128xf32, #tpu.memory_space<vmem_shared>> -> memref<128x128xf32, #tpu.memory_space<vmem_shared>>
      tpu.enqueue_dma source(%arg6 : memref<128x128xf32, #tpu.memory_space<vmem>>) target(%dma_start3A_268 : memref<128x128xf32, #tpu.memory_space<vmem_shared>>) target_semaphore(%run_scoped3A : memref<!tpu.dma_semaphore, #tpu.memory_space<semaphore_mem>>)
      %dma_wait3A = arith.constant 0 : i32
      %dma_wait3A_269 = tpu.memref_slice %arg12[%add3A_15, %dma_wait3A] : memref<10240x128xf32, #tpu.memory_space<vmem_shared>> -> memref<128x128xf32, #tpu.memory_space<vmem_shared>>
      %dma_wait3A_270 = arith.constant 0 : i32
      %dma_wait3A_271 = tpu.memref_slice %arg12[%add3A_15, %dma_wait3A_270] : memref<10240x128xf32, #tpu.memory_space<vmem_shared>> -> memref<128x128xf32, #tpu.memory_space<vmem_shared>>
      tpu.wait_dma2 semaphore(%run_scoped3A : memref<!tpu.dma_semaphore, #tpu.memory_space<semaphore_mem>>) src(%arg6 : memref<128x128xf32, #tpu.memory_space<vmem>>) dst(%dma_wait3A_271 : memref<128x128xf32, #tpu.memory_space<vmem_shared>>)
      tpu.yield
    }) : () -> ()
    %mul3A_16 = arith.constant 640 : i32
    %mul3A_17 = arith.muli %arg1, %mul3A_16 : i32
    %add3A_18 = arith.constant 256 : i32
    %add3A_19 = arith.addi %mul3A_17, %add3A_18 : i32
    "tpu.region"() ({
      %run_scoped3A = tpu.sem_alloc : memref<!tpu.dma_semaphore, #tpu.memory_space<semaphore_mem>>
      %dma_start3A_265 = arith.constant 0 : i32
      %dma_start3A_266 = tpu.memref_slice %arg12[%add3A_19, %dma_start3A_265] : memref<10240x128xf32, #tpu.memory_space<vmem_shared>> -> memref<128x128xf32, #tpu.memory_space<vmem_shared>>
      %dma_start3A_267 = arith.constant 0 : i32
      %dma_start3A_268 = tpu.memref_slice %arg12[%add3A_19, %dma_start3A_267] : memref<10240x128xf32, #tpu.memory_space<vmem_shared>> -> memref<128x128xf32, #tpu.memory_space<vmem_shared>>
      tpu.enqueue_dma source(%arg6 : memref<128x128xf32, #tpu.memory_space<vmem>>) target(%dma_start3A_268 : memref<128x128xf32, #tpu.memory_space<vmem_shared>>) target_semaphore(%run_scoped3A : memref<!tpu.dma_semaphore, #tpu.memory_space<semaphore_mem>>)
      %dma_wait3A = arith.constant 0 : i32
      %dma_wait3A_269 = tpu.memref_slice %arg12[%add3A_19, %dma_wait3A] : memref<10240x128xf32, #tpu.memory_space<vmem_shared>> -> memref<128x128xf32, #tpu.memory_space<vmem_shared>>
      %dma_wait3A_270 = arith.constant 0 : i32
      %dma_wait3A_271 = tpu.memref_slice %arg12[%add3A_19, %dma_wait3A_270] : memref<10240x128xf32, #tpu.memory_space<vmem_shared>> -> memref<128x128xf32, #tpu.memory_space<vmem_shared>>
      tpu.wait_dma2 semaphore(%run_scoped3A : memref<!tpu.dma_semaphore, #tpu.memory_space<semaphore_mem>>) src(%arg6 : memref<128x128xf32, #tpu.memory_space<vmem>>) dst(%dma_wait3A_271 : memref<128x128xf32, #tpu.memory_space<vmem_shared>>)
      tpu.yield
    }) : () -> ()
    %mul3A_20 = arith.constant 640 : i32
    %mul3A_21 = arith.muli %arg1, %mul3A_20 : i32
    %add3A_22 = arith.constant 384 : i32
    %add3A_23 = arith.addi %mul3A_21, %add3A_22 : i32
    "tpu.region"() ({
      %run_scoped3A = tpu.sem_alloc : memref<!tpu.dma_semaphore, #tpu.memory_space<semaphore_mem>>
      %dma_start3A_265 = arith.constant 0 : i32
      %dma_start3A_266 = tpu.memref_slice %arg12[%add3A_23, %dma_start3A_265] : memref<10240x128xf32, #tpu.memory_space<vmem_shared>> -> memref<128x128xf32, #tpu.memory_space<vmem_shared>>
      %dma_start3A_267 = arith.constant 0 : i32
      %dma_start3A_268 = tpu.memref_slice %arg12[%add3A_23, %dma_start3A_267] : memref<10240x128xf32, #tpu.memory_space<vmem_shared>> -> memref<128x128xf32, #tpu.memory_space<vmem_shared>>
      tpu.enqueue_dma source(%arg6 : memref<128x128xf32, #tpu.memory_space<vmem>>) target(%dma_start3A_268 : memref<128x128xf32, #tpu.memory_space<vmem_shared>>) target_semaphore(%run_scoped3A : memref<!tpu.dma_semaphore, #tpu.memory_space<semaphore_mem>>)
      %dma_wait3A = arith.constant 0 : i32
      %dma_wait3A_269 = tpu.memref_slice %arg12[%add3A_23, %dma_wait3A] : memref<10240x128xf32, #tpu.memory_space<vmem_shared>> -> memref<128x128xf32, #tpu.memory_space<vmem_shared>>
      %dma_wait3A_270 = arith.constant 0 : i32
      %dma_wait3A_271 = tpu.memref_slice %arg12[%add3A_23, %dma_wait3A_270] : memref<10240x128xf32, #tpu.memory_space<vmem_shared>> -> memref<128x128xf32, #tpu.memory_space<vmem_shared>>
      tpu.wait_dma2 semaphore(%run_scoped3A : memref<!tpu.dma_semaphore, #tpu.memory_space<semaphore_mem>>) src(%arg6 : memref<128x128xf32, #tpu.memory_space<vmem>>) dst(%dma_wait3A_271 : memref<128x128xf32, #tpu.memory_space<vmem_shared>>)
      tpu.yield
    }) : () -> ()
    %mul3A_24 = arith.constant 640 : i32
    %mul3A_25 = arith.muli %arg1, %mul3A_24 : i32
    %add3A_26 = arith.constant 512 : i32
    %add3A_27 = arith.addi %mul3A_25, %add3A_26 : i32
    "tpu.region"() ({
      %run_scoped3A = tpu.sem_alloc : memref<!tpu.dma_semaphore, #tpu.memory_space<semaphore_mem>>
      %dma_start3A_265 = arith.constant 0 : i32
      %dma_start3A_266 = tpu.memref_slice %arg12[%add3A_27, %dma_start3A_265] : memref<10240x128xf32, #tpu.memory_space<vmem_shared>> -> memref<128x128xf32, #tpu.memory_space<vmem_shared>>
      %dma_start3A_267 = arith.constant 0 : i32
      %dma_start3A_268 = tpu.memref_slice %arg12[%add3A_27, %dma_start3A_267] : memref<10240x128xf32, #tpu.memory_space<vmem_shared>> -> memref<128x128xf32, #tpu.memory_space<vmem_shared>>
      tpu.enqueue_dma source(%arg6 : memref<128x128xf32, #tpu.memory_space<vmem>>) target(%dma_start3A_268 : memref<128x128xf32, #tpu.memory_space<vmem_shared>>) target_semaphore(%run_scoped3A : memref<!tpu.dma_semaphore, #tpu.memory_space<semaphore_mem>>)
      %dma_wait3A = arith.constant 0 : i32
      %dma_wait3A_269 = tpu.memref_slice %arg12[%add3A_27, %dma_wait3A] : memref<10240x128xf32, #tpu.memory_space<vmem_shared>> -> memref<128x128xf32, #tpu.memory_space<vmem_shared>>
      %dma_wait3A_270 = arith.constant 0 : i32
      %dma_wait3A_271 = tpu.memref_slice %arg12[%add3A_27, %dma_wait3A_270] : memref<10240x128xf32, #tpu.memory_space<vmem_shared>> -> memref<128x128xf32, #tpu.memory_space<vmem_shared>>
      tpu.wait_dma2 semaphore(%run_scoped3A : memref<!tpu.dma_semaphore, #tpu.memory_space<semaphore_mem>>) src(%arg6 : memref<128x128xf32, #tpu.memory_space<vmem>>) dst(%dma_wait3A_271 : memref<128x128xf32, #tpu.memory_space<vmem_shared>>)
      tpu.yield
    }) : () -> ()
    %barrier3A = arith.constant 0 : index
    tpu.barrier barrier_id(%barrier3A)
    %get3A = arith.constant 0 : i32
    %get3A_28 = arith.index_cast %get3A : i32 to index
    %get3A_29 = arith.constant 0 : index
    %get3A_30 = tpu.vector_load %arg5[%get3A_28, %get3A_29] {strides = array<i32>} : memref<80x128xi32, #tpu.memory_space<vmem>>, vector<16xi32>,
    %and3A = arith.constant 16383 : i32
    %and3A_31 = vector.broadcast %and3A : i32 to vector<16xi32>
    %and3A_32 = arith.andi %get3A_30, %and3A_31 : vector<16xi32>
    %swap3A = arith.constant 0 : index
    %swap3A_33 = tpu.vector_load %arg8[%swap3A] {strides = array<i32>} : memref<128xi32, #tpu.memory_space<vmem>>, vector<16xi32>,
    tpu.vector_store %arg8[%swap3A], %and3A_32 {strides = array<i32>} : memref<128xi32, #tpu.memory_space<vmem>>, vector<16xi32>,
    %shift_right_logical3A = arith.constant 14 : i32
    %shift_right_logical3A_34 = vector.broadcast %shift_right_logical3A : i32 to vector<16xi32>
    %shift_right_logical3A_35 = arith.shrui %get3A_30, %shift_right_logical3A_34 : vector<16xi32>
    %swap3A_36 = arith.constant 0 : index
    %swap3A_37 = tpu.vector_load %arg10[%swap3A_36] {strides = array<i32>} : memref<128xi32, #tpu.memory_space<vmem>>, vector<16xi32>,
    tpu.vector_store %arg10[%swap3A_36], %shift_right_logical3A_35 {strides = array<i32>} : memref<128xi32, #tpu.memory_space<vmem>>, vector<16xi32>,
    %get3A_38 = arith.constant 0 : i32
    %get3A_39 = arith.index_cast %get3A_38 : i32 to index
    %get3A_40 = arith.constant 16 : index
    %get3A_41 = tpu.vector_load %arg5[%get3A_39, %get3A_40] {strides = array<i32>} : memref<80x128xi32, #tpu.memory_space<vmem>>, vector<16xi32>,
    %and3A_42 = arith.constant 16383 : i32
    %and3A_43 = vector.broadcast %and3A_42 : i32 to vector<16xi32>
    %and3A_44 = arith.andi %get3A_41, %and3A_43 : vector<16xi32>
    %swap3A_45 = arith.constant 16 : index
    %swap3A_46 = tpu.vector_load %arg8[%swap3A_45] {strides = array<i32>} : memref<128xi32, #tpu.memory_space<vmem>>, vector<16xi32>,
    tpu.vector_store %arg8[%swap3A_45], %and3A_44 {strides = array<i32>} : memref<128xi32, #tpu.memory_space<vmem>>, vector<16xi32>,
    %shift_right_logical3A_47 = arith.constant 14 : i32
    %shift_right_logical3A_48 = vector.broadcast %shift_right_logical3A_47 : i32 to vector<16xi32>
    %shift_right_logical3A_49 = arith.shrui %get3A_41, %shift_right_logical3A_48 : vector<16xi32>
    %swap3A_50 = arith.constant 16 : index
    %swap3A_51 = tpu.vector_load %arg10[%swap3A_50] {strides = array<i32>} : memref<128xi32, #tpu.memory_space<vmem>>, vector<16xi32>,
    tpu.vector_store %arg10[%swap3A_50], %shift_right_logical3A_49 {strides = array<i32>} : memref<128xi32, #tpu.memory_space<vmem>>, vector<16xi32>,
    %get3A_52 = arith.constant 0 : i32
    %get3A_53 = arith.index_cast %get3A_52 : i32 to index
    %get3A_54 = arith.constant 32 : index
    %get3A_55 = tpu.vector_load %arg5[%get3A_53, %get3A_54] {strides = array<i32>} : memref<80x128xi32, #tpu.memory_space<vmem>>, vector<16xi32>,
    %and3A_56 = arith.constant 16383 : i32
    %and3A_57 = vector.broadcast %and3A_56 : i32 to vector<16xi32>
    %and3A_58 = arith.andi %get3A_55, %and3A_57 : vector<16xi32>
    %swap3A_59 = arith.constant 32 : index
    %swap3A_60 = tpu.vector_load %arg8[%swap3A_59] {strides = array<i32>} : memref<128xi32, #tpu.memory_space<vmem>>, vector<16xi32>,
    tpu.vector_store %arg8[%swap3A_59], %and3A_58 {strides = array<i32>} : memref<128xi32, #tpu.memory_space<vmem>>, vector<16xi32>,
    %shift_right_logical3A_61 = arith.constant 14 : i32
    %shift_right_logical3A_62 = vector.broadcast %shift_right_logical3A_61 : i32 to vector<16xi32>
    %shift_right_logical3A_63 = arith.shrui %get3A_55, %shift_right_logical3A_62 : vector<16xi32>
    %swap3A_64 = arith.constant 32 : index
    %swap3A_65 = tpu.vector_load %arg10[%swap3A_64] {strides = array<i32>} : memref<128xi32, #tpu.memory_space<vmem>>, vector<16xi32>,
    tpu.vector_store %arg10[%swap3A_64], %shift_right_logical3A_63 {strides = array<i32>} : memref<128xi32, #tpu.memory_space<vmem>>, vector<16xi32>,
    %get3A_66 = arith.constant 0 : i32
    %get3A_67 = arith.index_cast %get3A_66 : i32 to index
    %get3A_68 = arith.constant 48 : index
    %get3A_69 = tpu.vector_load %arg5[%get3A_67, %get3A_68] {strides = array<i32>} : memref<80x128xi32, #tpu.memory_space<vmem>>, vector<16xi32>,
    %and3A_70 = arith.constant 16383 : i32
    %and3A_71 = vector.broadcast %and3A_70 : i32 to vector<16xi32>
    %and3A_72 = arith.andi %get3A_69, %and3A_71 : vector<16xi32>
    %swap3A_73 = arith.constant 48 : index
    %swap3A_74 = tpu.vector_load %arg8[%swap3A_73] {strides = array<i32>} : memref<128xi32, #tpu.memory_space<vmem>>, vector<16xi32>,
    tpu.vector_store %arg8[%swap3A_73], %and3A_72 {strides = array<i32>} : memref<128xi32, #tpu.memory_space<vmem>>, vector<16xi32>,
    %shift_right_logical3A_75 = arith.constant 14 : i32
    %shift_right_logical3A_76 = vector.broadcast %shift_right_logical3A_75 : i32 to vector<16xi32>
    %shift_right_logical3A_77 = arith.shrui %get3A_69, %shift_right_logical3A_76 : vector<16xi32>
    %swap3A_78 = arith.constant 48 : index
    %swap3A_79 = tpu.vector_load %arg10[%swap3A_78] {strides = array<i32>} : memref<128xi32, #tpu.memory_space<vmem>>, vector<16xi32>,
    tpu.vector_store %arg10[%swap3A_78], %shift_right_logical3A_77 {strides = array<i32>} : memref<128xi32, #tpu.memory_space<vmem>>, vector<16xi32>,
    %get3A_80 = arith.constant 0 : i32
    %get3A_81 = arith.index_cast %get3A_80 : i32 to index
    %get3A_82 = arith.constant 64 : index
    %get3A_83 = tpu.vector_load %arg5[%get3A_81, %get3A_82] {strides = array<i32>} : memref<80x128xi32, #tpu.memory_space<vmem>>, vector<16xi32>,
    %and3A_84 = arith.constant 16383 : i32
    %and3A_85 = vector.broadcast %and3A_84 : i32 to vector<16xi32>
    %and3A_86 = arith.andi %get3A_83, %and3A_85 : vector<16xi32>
    %swap3A_87 = arith.constant 64 : index
    %swap3A_88 = tpu.vector_load %arg8[%swap3A_87] {strides = array<i32>} : memref<128xi32, #tpu.memory_space<vmem>>, vector<16xi32>,
    tpu.vector_store %arg8[%swap3A_87], %and3A_86 {strides = array<i32>} : memref<128xi32, #tpu.memory_space<vmem>>, vector<16xi32>,
    %shift_right_logical3A_89 = arith.constant 14 : i32
    %shift_right_logical3A_90 = vector.broadcast %shift_right_logical3A_89 : i32 to vector<16xi32>
    %shift_right_logical3A_91 = arith.shrui %get3A_83, %shift_right_logical3A_90 : vector<16xi32>
    %swap3A_92 = arith.constant 64 : index
    %swap3A_93 = tpu.vector_load %arg10[%swap3A_92] {strides = array<i32>} : memref<128xi32, #tpu.memory_space<vmem>>, vector<16xi32>,
    tpu.vector_store %arg10[%swap3A_92], %shift_right_logical3A_91 {strides = array<i32>} : memref<128xi32, #tpu.memory_space<vmem>>, vector<16xi32>,
    %get3A_94 = arith.constant 0 : i32
    %get3A_95 = arith.index_cast %get3A_94 : i32 to index
    %get3A_96 = arith.constant 80 : index
    %get3A_97 = tpu.vector_load %arg5[%get3A_95, %get3A_96] {strides = array<i32>} : memref<80x128xi32, #tpu.memory_space<vmem>>, vector<16xi32>,
    %and3A_98 = arith.constant 16383 : i32
    %and3A_99 = vector.broadcast %and3A_98 : i32 to vector<16xi32>
    %and3A_100 = arith.andi %get3A_97, %and3A_99 : vector<16xi32>
    %swap3A_101 = arith.constant 80 : index
    %swap3A_102 = tpu.vector_load %arg8[%swap3A_101] {strides = array<i32>} : memref<128xi32, #tpu.memory_space<vmem>>, vector<16xi32>,
    tpu.vector_store %arg8[%swap3A_101], %and3A_100 {strides = array<i32>} : memref<128xi32, #tpu.memory_space<vmem>>, vector<16xi32>,
    %shift_right_logical3A_103 = arith.constant 14 : i32
    %shift_right_logical3A_104 = vector.broadcast %shift_right_logical3A_103 : i32 to vector<16xi32>
    %shift_right_logical3A_105 = arith.shrui %get3A_97, %shift_right_logical3A_104 : vector<16xi32>
    %swap3A_106 = arith.constant 80 : index
    %swap3A_107 = tpu.vector_load %arg10[%swap3A_106] {strides = array<i32>} : memref<128xi32, #tpu.memory_space<vmem>>, vector<16xi32>,
    tpu.vector_store %arg10[%swap3A_106], %shift_right_logical3A_105 {strides = array<i32>} : memref<128xi32, #tpu.memory_space<vmem>>, vector<16xi32>,
    %get3A_108 = arith.constant 0 : i32
    %get3A_109 = arith.index_cast %get3A_108 : i32 to index
    %get3A_110 = arith.constant 96 : index
    %get3A_111 = tpu.vector_load %arg5[%get3A_109, %get3A_110] {strides = array<i32>} : memref<80x128xi32, #tpu.memory_space<vmem>>, vector<16xi32>,
    %and3A_112 = arith.constant 16383 : i32
    %and3A_113 = vector.broadcast %and3A_112 : i32 to vector<16xi32>
    %and3A_114 = arith.andi %get3A_111, %and3A_113 : vector<16xi32>
    %swap3A_115 = arith.constant 96 : index
    %swap3A_116 = tpu.vector_load %arg8[%swap3A_115] {strides = array<i32>} : memref<128xi32, #tpu.memory_space<vmem>>, vector<16xi32>,
    tpu.vector_store %arg8[%swap3A_115], %and3A_114 {strides = array<i32>} : memref<128xi32, #tpu.memory_space<vmem>>, vector<16xi32>,
    %shift_right_logical3A_117 = arith.constant 14 : i32
    %shift_right_logical3A_118 = vector.broadcast %shift_right_logical3A_117 : i32 to vector<16xi32>
    %shift_right_logical3A_119 = arith.shrui %get3A_111, %shift_right_logical3A_118 : vector<16xi32>
    %swap3A_120 = arith.constant 96 : index
    %swap3A_121 = tpu.vector_load %arg10[%swap3A_120] {strides = array<i32>} : memref<128xi32, #tpu.memory_space<vmem>>, vector<16xi32>,
    tpu.vector_store %arg10[%swap3A_120], %shift_right_logical3A_119 {strides = array<i32>} : memref<128xi32, #tpu.memory_space<vmem>>, vector<16xi32>,
    %get3A_122 = arith.constant 0 : i32
    %get3A_123 = arith.index_cast %get3A_122 : i32 to index
    %get3A_124 = arith.constant 112 : index
    %get3A_125 = tpu.vector_load %arg5[%get3A_123, %get3A_124] {strides = array<i32>} : memref<80x128xi32, #tpu.memory_space<vmem>>, vector<16xi32>,
    %and3A_126 = arith.constant 16383 : i32
    %and3A_127 = vector.broadcast %and3A_126 : i32 to vector<16xi32>
    %and3A_128 = arith.andi %get3A_125, %and3A_127 : vector<16xi32>
    %swap3A_129 = arith.constant 112 : index
    %swap3A_130 = tpu.vector_load %arg8[%swap3A_129] {strides = array<i32>} : memref<128xi32, #tpu.memory_space<vmem>>, vector<16xi32>,
    tpu.vector_store %arg8[%swap3A_129], %and3A_128 {strides = array<i32>} : memref<128xi32, #tpu.memory_space<vmem>>, vector<16xi32>,
    %shift_right_logical3A_131 = arith.constant 14 : i32
    %shift_right_logical3A_132 = vector.broadcast %shift_right_logical3A_131 : i32 to vector<16xi32>
    %shift_right_logical3A_133 = arith.shrui %get3A_125, %shift_right_logical3A_132 : vector<16xi32>
    %swap3A_134 = arith.constant 112 : index
    %swap3A_135 = tpu.vector_load %arg10[%swap3A_134] {strides = array<i32>} : memref<128xi32, #tpu.memory_space<vmem>>, vector<16xi32>,
    tpu.vector_store %arg10[%swap3A_134], %shift_right_logical3A_133 {strides = array<i32>} : memref<128xi32, #tpu.memory_space<vmem>>, vector<16xi32>,
    %dma_start3A = arith.constant 0 : i32
    %dma_start3A_136 = arith.constant 0 : i32
    %dma_start3A_137 = tpu.memref_slice %arg2[%dma_start3A, %dma_start3A_136] : memref<10000x128xf32, #tpu.memory_space<hbm>> -> memref<10000x128xf32, #tpu.memory_space<hbm>>
    tpu.enqueue_indirect_dma source(%dma_start3A_137 : memref<10000x128xf32, #tpu.memory_space<hbm>>) target(%arg6 : memref<128x128xf32, #tpu.memory_space<vmem>>) offsets(%arg8 : memref<128xi32, #tpu.memory_space<vmem>>) semaphore(%arg13 : memref<!tpu.dma_semaphore, #tpu.memory_space<semaphore_mem>>)
    %get3A_138 = arith.constant 1 : i32
    %get3A_139 = arith.index_cast %get3A_138 : i32 to index
    %get3A_140 = arith.constant 0 : index
    %get3A_141 = tpu.vector_load %arg5[%get3A_139, %get3A_140] {strides = array<i32>} : memref<80x128xi32, #tpu.memory_space<vmem>>, vector<16xi32>,
    %and3A_142 = arith.constant 16383 : i32
    %and3A_143 = vector.broadcast %and3A_142 : i32 to vector<16xi32>
    %and3A_144 = arith.andi %get3A_141, %and3A_143 : vector<16xi32>
    %swap3A_145 = arith.constant 0 : index
    %swap3A_146 = tpu.vector_load %arg9[%swap3A_145] {strides = array<i32>} : memref<128xi32, #tpu.memory_space<vmem>>, vector<16xi32>,
    tpu.vector_store %arg9[%swap3A_145], %and3A_144 {strides = array<i32>} : memref<128xi32, #tpu.memory_space<vmem>>, vector<16xi32>,
    %shift_right_logical3A_147 = arith.constant 14 : i32
    %shift_right_logical3A_148 = vector.broadcast %shift_right_logical3A_147 : i32 to vector<16xi32>
    %shift_right_logical3A_149 = arith.shrui %get3A_141, %shift_right_logical3A_148 : vector<16xi32>
    %swap3A_150 = arith.constant 0 : index
    %swap3A_151 = tpu.vector_load %arg11[%swap3A_150] {strides = array<i32>} : memref<128xi32, #tpu.memory_space<vmem>>, vector<16xi32>,
    tpu.vector_store %arg11[%swap3A_150], %shift_right_logical3A_149 {strides = array<i32>} : memref<128xi32, #tpu.memory_space<vmem>>, vector<16xi32>,
    %get3A_152 = arith.constant 1 : i32
    %get3A_153 = arith.index_cast %get3A_152 : i32 to index
    %get3A_154 = arith.constant 16 : index
    %get3A_155 = tpu.vector_load %arg5[%get3A_153, %get3A_154] {strides = array<i32>} : memref<80x128xi32, #tpu.memory_space<vmem>>, vector<16xi32>,
    %and3A_156 = arith.constant 16383 : i32
    %and3A_157 = vector.broadcast %and3A_156 : i32 to vector<16xi32>
    %and3A_158 = arith.andi %get3A_155, %and3A_157 : vector<16xi32>
    %swap3A_159 = arith.constant 16 : index
    %swap3A_160 = tpu.vector_load %arg9[%swap3A_159] {strides = array<i32>} : memref<128xi32, #tpu.memory_space<vmem>>, vector<16xi32>,
    tpu.vector_store %arg9[%swap3A_159], %and3A_158 {strides = array<i32>} : memref<128xi32, #tpu.memory_space<vmem>>, vector<16xi32>,
    %shift_right_logical3A_161 = arith.constant 14 : i32
    %shift_right_logical3A_162 = vector.broadcast %shift_right_logical3A_161 : i32 to vector<16xi32>
    %shift_right_logical3A_163 = arith.shrui %get3A_155, %shift_right_logical3A_162 : vector<16xi32>
    %swap3A_164 = arith.constant 16 : index
    %swap3A_165 = tpu.vector_load %arg11[%swap3A_164] {strides = array<i32>} : memref<128xi32, #tpu.memory_space<vmem>>, vector<16xi32>,
    tpu.vector_store %arg11[%swap3A_164], %shift_right_logical3A_163 {strides = array<i32>} : memref<128xi32, #tpu.memory_space<vmem>>, vector<16xi32>,
    %get3A_166 = arith.constant 1 : i32
    %get3A_167 = arith.index_cast %get3A_166 : i32 to index
    %get3A_168 = arith.constant 32 : index
    %get3A_169 = tpu.vector_load %arg5[%get3A_167, %get3A_168] {strides = array<i32>} : memref<80x128xi32, #tpu.memory_space<vmem>>, vector<16xi32>,
    %and3A_170 = arith.constant 16383 : i32
    %and3A_171 = vector.broadcast %and3A_170 : i32 to vector<16xi32>
    %and3A_172 = arith.andi %get3A_169, %and3A_171 : vector<16xi32>
    %swap3A_173 = arith.constant 32 : index
    %swap3A_174 = tpu.vector_load %arg9[%swap3A_173] {strides = array<i32>} : memref<128xi32, #tpu.memory_space<vmem>>, vector<16xi32>,
    tpu.vector_store %arg9[%swap3A_173], %and3A_172 {strides = array<i32>} : memref<128xi32, #tpu.memory_space<vmem>>, vector<16xi32>,
    %shift_right_logical3A_175 = arith.constant 14 : i32
    %shift_right_logical3A_176 = vector.broadcast %shift_right_logical3A_175 : i32 to vector<16xi32>
    %shift_right_logical3A_177 = arith.shrui %get3A_169, %shift_right_logical3A_176 : vector<16xi32>
    %swap3A_178 = arith.constant 32 : index
    %swap3A_179 = tpu.vector_load %arg11[%swap3A_178] {strides = array<i32>} : memref<128xi32, #tpu.memory_space<vmem>>, vector<16xi32>,
    tpu.vector_store %arg11[%swap3A_178], %shift_right_logical3A_177 {strides = array<i32>} : memref<128xi32, #tpu.memory_space<vmem>>, vector<16xi32>,
    %get3A_180 = arith.constant 1 : i32
    %get3A_181 = arith.index_cast %get3A_180 : i32 to index
    %get3A_182 = arith.constant 48 : index
    %get3A_183 = tpu.vector_load %arg5[%get3A_181, %get3A_182] {strides = array<i32>} : memref<80x128xi32, #tpu.memory_space<vmem>>, vector<16xi32>,
    %and3A_184 = arith.constant 16383 : i32
    %and3A_185 = vector.broadcast %and3A_184 : i32 to vector<16xi32>
    %and3A_186 = arith.andi %get3A_183, %and3A_185 : vector<16xi32>
    %swap3A_187 = arith.constant 48 : index
    %swap3A_188 = tpu.vector_load %arg9[%swap3A_187] {strides = array<i32>} : memref<128xi32, #tpu.memory_space<vmem>>, vector<16xi32>,
    tpu.vector_store %arg9[%swap3A_187], %and3A_186 {strides = array<i32>} : memref<128xi32, #tpu.memory_space<vmem>>, vector<16xi32>,
    %shift_right_logical3A_189 = arith.constant 14 : i32
    %shift_right_logical3A_190 = vector.broadcast %shift_right_logical3A_189 : i32 to vector<16xi32>
    %shift_right_logical3A_191 = arith.shrui %get3A_183, %shift_right_logical3A_190 : vector<16xi32>
    %swap3A_192 = arith.constant 48 : index
    %swap3A_193 = tpu.vector_load %arg11[%swap3A_192] {strides = array<i32>} : memref<128xi32, #tpu.memory_space<vmem>>, vector<16xi32>,
    tpu.vector_store %arg11[%swap3A_192], %shift_right_logical3A_191 {strides = array<i32>} : memref<128xi32, #tpu.memory_space<vmem>>, vector<16xi32>,
    %get3A_194 = arith.constant 1 : i32
    %get3A_195 = arith.index_cast %get3A_194 : i32 to index
    %get3A_196 = arith.constant 64 : index
    %get3A_197 = tpu.vector_load %arg5[%get3A_195, %get3A_196] {strides = array<i32>} : memref<80x128xi32, #tpu.memory_space<vmem>>, vector<16xi32>,
    %and3A_198 = arith.constant 16383 : i32
    %and3A_199 = vector.broadcast %and3A_198 : i32 to vector<16xi32>
    %and3A_200 = arith.andi %get3A_197, %and3A_199 : vector<16xi32>
    %swap3A_201 = arith.constant 64 : index
    %swap3A_202 = tpu.vector_load %arg9[%swap3A_201] {strides = array<i32>} : memref<128xi32, #tpu.memory_space<vmem>>, vector<16xi32>,
    tpu.vector_store %arg9[%swap3A_201], %and3A_200 {strides = array<i32>} : memref<128xi32, #tpu.memory_space<vmem>>, vector<16xi32>,
    %shift_right_logical3A_203 = arith.constant 14 : i32
    %shift_right_logical3A_204 = vector.broadcast %shift_right_logical3A_203 : i32 to vector<16xi32>
    %shift_right_logical3A_205 = arith.shrui %get3A_197, %shift_right_logical3A_204 : vector<16xi32>
    %swap3A_206 = arith.constant 64 : index
    %swap3A_207 = tpu.vector_load %arg11[%swap3A_206] {strides = array<i32>} : memref<128xi32, #tpu.memory_space<vmem>>, vector<16xi32>,
    tpu.vector_store %arg11[%swap3A_206], %shift_right_logical3A_205 {strides = array<i32>} : memref<128xi32, #tpu.memory_space<vmem>>, vector<16xi32>,
    %get3A_208 = arith.constant 1 : i32
    %get3A_209 = arith.index_cast %get3A_208 : i32 to index
    %get3A_210 = arith.constant 80 : index
    %get3A_211 = tpu.vector_load %arg5[%get3A_209, %get3A_210] {strides = array<i32>} : memref<80x128xi32, #tpu.memory_space<vmem>>, vector<16xi32>,
    %and3A_212 = arith.constant 16383 : i32
    %and3A_213 = vector.broadcast %and3A_212 : i32 to vector<16xi32>
    %and3A_214 = arith.andi %get3A_211, %and3A_213 : vector<16xi32>
    %swap3A_215 = arith.constant 80 : index
    %swap3A_216 = tpu.vector_load %arg9[%swap3A_215] {strides = array<i32>} : memref<128xi32, #tpu.memory_space<vmem>>, vector<16xi32>,
    tpu.vector_store %arg9[%swap3A_215], %and3A_214 {strides = array<i32>} : memref<128xi32, #tpu.memory_space<vmem>>, vector<16xi32>,
    %shift_right_logical3A_217 = arith.constant 14 : i32
    %shift_right_logical3A_218 = vector.broadcast %shift_right_logical3A_217 : i32 to vector<16xi32>
    %shift_right_logical3A_219 = arith.shrui %get3A_211, %shift_right_logical3A_218 : vector<16xi32>
    %swap3A_220 = arith.constant 80 : index
    %swap3A_221 = tpu.vector_load %arg11[%swap3A_220] {strides = array<i32>} : memref<128xi32, #tpu.memory_space<vmem>>, vector<16xi32>,
    tpu.vector_store %arg11[%swap3A_220], %shift_right_logical3A_219 {strides = array<i32>} : memref<128xi32, #tpu.memory_space<vmem>>, vector<16xi32>,
    %get3A_222 = arith.constant 1 : i32
    %get3A_223 = arith.index_cast %get3A_222 : i32 to index
    %get3A_224 = arith.constant 96 : index
    %get3A_225 = tpu.vector_load %arg5[%get3A_223, %get3A_224] {strides = array<i32>} : memref<80x128xi32, #tpu.memory_space<vmem>>, vector<16xi32>,
    %and3A_226 = arith.constant 16383 : i32
    %and3A_227 = vector.broadcast %and3A_226 : i32 to vector<16xi32>
    %and3A_228 = arith.andi %get3A_225, %and3A_227 : vector<16xi32>
    %swap3A_229 = arith.constant 96 : index
    %swap3A_230 = tpu.vector_load %arg9[%swap3A_229] {strides = array<i32>} : memref<128xi32, #tpu.memory_space<vmem>>, vector<16xi32>,
    tpu.vector_store %arg9[%swap3A_229], %and3A_228 {strides = array<i32>} : memref<128xi32, #tpu.memory_space<vmem>>, vector<16xi32>,
    %shift_right_logical3A_231 = arith.constant 14 : i32
    %shift_right_logical3A_232 = vector.broadcast %shift_right_logical3A_231 : i32 to vector<16xi32>
    %shift_right_logical3A_233 = arith.shrui %get3A_225, %shift_right_logical3A_232 : vector<16xi32>
    %swap3A_234 = arith.constant 96 : index
    %swap3A_235 = tpu.vector_load %arg11[%swap3A_234] {strides = array<i32>} : memref<128xi32, #tpu.memory_space<vmem>>, vector<16xi32>,
    tpu.vector_store %arg11[%swap3A_234], %shift_right_logical3A_233 {strides = array<i32>} : memref<128xi32, #tpu.memory_space<vmem>>, vector<16xi32>,
    %get3A_236 = arith.constant 1 : i32
    %get3A_237 = arith.index_cast %get3A_236 : i32 to index
    %get3A_238 = arith.constant 112 : index
    %get3A_239 = tpu.vector_load %arg5[%get3A_237, %get3A_238] {strides = array<i32>} : memref<80x128xi32, #tpu.memory_space<vmem>>, vector<16xi32>,
    %and3A_240 = arith.constant 16383 : i32
    %and3A_241 = vector.broadcast %and3A_240 : i32 to vector<16xi32>
    %and3A_242 = arith.andi %get3A_239, %and3A_241 : vector<16xi32>
    %swap3A_243 = arith.constant 112 : index
    %swap3A_244 = tpu.vector_load %arg9[%swap3A_243] {strides = array<i32>} : memref<128xi32, #tpu.memory_space<vmem>>, vector<16xi32>,
    tpu.vector_store %arg9[%swap3A_243], %and3A_242 {strides = array<i32>} : memref<128xi32, #tpu.memory_space<vmem>>, vector<16xi32>,
    %shift_right_logical3A_245 = arith.constant 14 : i32
    %shift_right_logical3A_246 = vector.broadcast %shift_right_logical3A_245 : i32 to vector<16xi32>
    %shift_right_logical3A_247 = arith.shrui %get3A_239, %shift_right_logical3A_246 : vector<16xi32>
    %swap3A_248 = arith.constant 112 : index
    %swap3A_249 = tpu.vector_load %arg11[%swap3A_248] {strides = array<i32>} : memref<128xi32, #tpu.memory_space<vmem>>, vector<16xi32>,
    tpu.vector_store %arg11[%swap3A_248], %shift_right_logical3A_247 {strides = array<i32>} : memref<128xi32, #tpu.memory_space<vmem>>, vector<16xi32>,
    %dma_start3A_250 = arith.constant 0 : i32
    %dma_start3A_251 = arith.constant 0 : i32
    %dma_start3A_252 = tpu.memref_slice %arg2[%dma_start3A_250, %dma_start3A_251] : memref<10000x128xf32, #tpu.memory_space<hbm>> -> memref<10000x128xf32, #tpu.memory_space<hbm>>
    tpu.enqueue_indirect_dma source(%dma_start3A_252 : memref<10000x128xf32, #tpu.memory_space<hbm>>) target(%arg7 : memref<128x128xf32, #tpu.memory_space<vmem>>) offsets(%arg9 : memref<128xi32, #tpu.memory_space<vmem>>) semaphore(%arg14 : memref<!tpu.dma_semaphore, #tpu.memory_space<semaphore_mem>>)
    %scan3A_253 = arith.constant 0 : i32
    %scan3A_254 = arith.constant 0 : i32
    %scan3A_255 = arith.constant 40 : i32
    %scan3A_256 = arith.addi %scan3A_254, %scan3A_255 : i32
    %scan3A_257 = arith.constant 1 : i32
    %scan3A_258 = scf.for %scan3A_265 = %scan3A_254 to %scan3A_256 step %scan3A_257 iter_args(%scan3A_266 = %scan3A_253) -> (i32)  : i32 {
      %mul3A_267 = arith.constant 2 : i32
      %mul3A_268 = arith.muli %scan3A_265, %mul3A_267 : i32
      %dma_wait3A = arith.constant 0 : i32
      %dma_wait3A_269 = arith.constant 0 : i32
      %dma_wait3A_270 = tpu.memref_slice %arg2[%dma_wait3A, %dma_wait3A_269] : memref<10000x128xf32, #tpu.memory_space<hbm>> -> memref<10000x128xf32, #tpu.memory_space<hbm>>
      tpu.wait_indirect_dma semaphore(%arg13 : memref<!tpu.dma_semaphore, #tpu.memory_space<semaphore_mem>>) src(%dma_wait3A_270 : memref<10000x128xf32, #tpu.memory_space<hbm>>) dst(%arg6 : memref<128x128xf32, #tpu.memory_space<vmem>>)
      %dma_start3A_271 = arith.constant 0 : i32
      %dma_start3A_272 = arith.constant 0 : i32
      %dma_start3A_273 = tpu.memref_slice %arg12[%dma_start3A_271, %dma_start3A_272] : memref<10240x128xf32, #tpu.memory_space<vmem_shared>> -> memref<10240x128xf32, #tpu.memory_space<vmem_shared>>
      tpu.enqueue_indirect_dma source(%arg6 : memref<128x128xf32, #tpu.memory_space<vmem>>) target(%dma_start3A_273 : memref<10240x128xf32, #tpu.memory_space<vmem_shared>>) offsets(%arg10 : memref<128xi32, #tpu.memory_space<vmem>>) semaphore(%arg15 : memref<!tpu.dma_semaphore, #tpu.memory_space<semaphore_mem>>) {add = true}
      %dma_wait3A_274 = arith.constant 0 : i32
      %dma_wait3A_275 = arith.constant 0 : i32
      %dma_wait3A_276 = tpu.memref_slice %arg2[%dma_wait3A_274, %dma_wait3A_275] : memref<10000x128xf32, #tpu.memory_space<hbm>> -> memref<10000x128xf32, #tpu.memory_space<hbm>>
      tpu.wait_indirect_dma semaphore(%arg14 : memref<!tpu.dma_semaphore, #tpu.memory_space<semaphore_mem>>) src(%dma_wait3A_276 : memref<10000x128xf32, #tpu.memory_space<hbm>>) dst(%arg7 : memref<128x128xf32, #tpu.memory_space<vmem>>)
      %dma_start3A_277 = arith.constant 0 : i32
      %dma_start3A_278 = arith.constant 0 : i32
      %dma_start3A_279 = tpu.memref_slice %arg12[%dma_start3A_277, %dma_start3A_278] : memref<10240x128xf32, #tpu.memory_space<vmem_shared>> -> memref<10240x128xf32, #tpu.memory_space<vmem_shared>>
      tpu.enqueue_indirect_dma source(%arg7 : memref<128x128xf32, #tpu.memory_space<vmem>>) target(%dma_start3A_279 : memref<10240x128xf32, #tpu.memory_space<vmem_shared>>) offsets(%arg11 : memref<128xi32, #tpu.memory_space<vmem>>) semaphore(%arg16 : memref<!tpu.dma_semaphore, #tpu.memory_space<semaphore_mem>>) {add = true}
      %add3A_280 = arith.constant 0 : i32
      %add3A_281 = arith.addi %mul3A_268, %add3A_280 : i32
      %dma_wait3A_282 = arith.constant 0 : i32
      %dma_wait3A_283 = arith.constant 0 : i32
      %dma_wait3A_284 = tpu.memref_slice %arg12[%dma_wait3A_282, %dma_wait3A_283] : memref<10240x128xf32, #tpu.memory_space<vmem_shared>> -> memref<10240x128xf32, #tpu.memory_space<vmem_shared>>
      tpu.wait_indirect_dma semaphore(%arg15 : memref<!tpu.dma_semaphore, #tpu.memory_space<semaphore_mem>>) src(%arg6 : memref<128x128xf32, #tpu.memory_space<vmem>>) dst(%dma_wait3A_284 : memref<10240x128xf32, #tpu.memory_space<vmem_shared>>)
      %add3A_285 = arith.constant 2 : i32
      %add3A_286 = arith.addi %add3A_281, %add3A_285 : i32
      %lt3A = arith.constant 80 : i32
      %lt3A_287 = arith.cmpi slt, %add3A_286, %lt3A : i32
      %convert_element_type3A = arith.extui %lt3A_287 : i1 to i32
      %cond3A = arith.constant 0 : i32
      %cond3A_288 = arith.cmpi ne, %convert_element_type3A, %cond3A : i32
      scf.if %cond3A_288 {
        %get3A_302 = arith.index_cast %add3A_286 : i32 to index
        %get3A_303 = arith.constant 0 : index
        %get3A_304 = tpu.vector_load %arg5[%get3A_302, %get3A_303] {strides = array<i32>} : memref<80x128xi32, #tpu.memory_space<vmem>>, vector<16xi32>,
        %and3A_305 = arith.constant 16383 : i32
        %and3A_306 = vector.broadcast %and3A_305 : i32 to vector<16xi32>
        %and3A_307 = arith.andi %get3A_304, %and3A_306 : vector<16xi32>
        %swap3A_308 = arith.constant 0 : index
        %swap3A_309 = tpu.vector_load %arg8[%swap3A_308] {strides = array<i32>} : memref<128xi32, #tpu.memory_space<vmem>>, vector<16xi32>,
        tpu.vector_store %arg8[%swap3A_308], %and3A_307 {strides = array<i32>} : memref<128xi32, #tpu.memory_space<vmem>>, vector<16xi32>,
        %shift_right_logical3A_310 = arith.constant 14 : i32
        %shift_right_logical3A_311 = vector.broadcast %shift_right_logical3A_310 : i32 to vector<16xi32>
        %shift_right_logical3A_312 = arith.shrui %get3A_304, %shift_right_logical3A_311 : vector<16xi32>
        %swap3A_313 = arith.constant 0 : index
        %swap3A_314 = tpu.vector_load %arg10[%swap3A_313] {strides = array<i32>} : memref<128xi32, #tpu.memory_space<vmem>>, vector<16xi32>,
        tpu.vector_store %arg10[%swap3A_313], %shift_right_logical3A_312 {strides = array<i32>} : memref<128xi32, #tpu.memory_space<vmem>>, vector<16xi32>,
        %get3A_315 = arith.index_cast %add3A_286 : i32 to index
        %get3A_316 = arith.constant 16 : index
        %get3A_317 = tpu.vector_load %arg5[%get3A_315, %get3A_316] {strides = array<i32>} : memref<80x128xi32, #tpu.memory_space<vmem>>, vector<16xi32>,
        %and3A_318 = arith.constant 16383 : i32
        %and3A_319 = vector.broadcast %and3A_318 : i32 to vector<16xi32>
        %and3A_320 = arith.andi %get3A_317, %and3A_319 : vector<16xi32>
        %swap3A_321 = arith.constant 16 : index
        %swap3A_322 = tpu.vector_load %arg8[%swap3A_321] {strides = array<i32>} : memref<128xi32, #tpu.memory_space<vmem>>, vector<16xi32>,
        tpu.vector_store %arg8[%swap3A_321], %and3A_320 {strides = array<i32>} : memref<128xi32, #tpu.memory_space<vmem>>, vector<16xi32>,
        %shift_right_logical3A_323 = arith.constant 14 : i32
        %shift_right_logical3A_324 = vector.broadcast %shift_right_logical3A_323 : i32 to vector<16xi32>
        %shift_right_logical3A_325 = arith.shrui %get3A_317, %shift_right_logical3A_324 : vector<16xi32>
        %swap3A_326 = arith.constant 16 : index
        %swap3A_327 = tpu.vector_load %arg10[%swap3A_326] {strides = array<i32>} : memref<128xi32, #tpu.memory_space<vmem>>, vector<16xi32>,
        tpu.vector_store %arg10[%swap3A_326], %shift_right_logical3A_325 {strides = array<i32>} : memref<128xi32, #tpu.memory_space<vmem>>, vector<16xi32>,
        %get3A_328 = arith.index_cast %add3A_286 : i32 to index
        %get3A_329 = arith.constant 32 : index
        %get3A_330 = tpu.vector_load %arg5[%get3A_328, %get3A_329] {strides = array<i32>} : memref<80x128xi32, #tpu.memory_space<vmem>>, vector<16xi32>,
        %and3A_331 = arith.constant 16383 : i32
        %and3A_332 = vector.broadcast %and3A_331 : i32 to vector<16xi32>
        %and3A_333 = arith.andi %get3A_330, %and3A_332 : vector<16xi32>
        %swap3A_334 = arith.constant 32 : index
        %swap3A_335 = tpu.vector_load %arg8[%swap3A_334] {strides = array<i32>} : memref<128xi32, #tpu.memory_space<vmem>>, vector<16xi32>,
        tpu.vector_store %arg8[%swap3A_334], %and3A_333 {strides = array<i32>} : memref<128xi32, #tpu.memory_space<vmem>>, vector<16xi32>,
        %shift_right_logical3A_336 = arith.constant 14 : i32
        %shift_right_logical3A_337 = vector.broadcast %shift_right_logical3A_336 : i32 to vector<16xi32>
        %shift_right_logical3A_338 = arith.shrui %get3A_330, %shift_right_logical3A_337 : vector<16xi32>
        %swap3A_339 = arith.constant 32 : index
        %swap3A_340 = tpu.vector_load %arg10[%swap3A_339] {strides = array<i32>} : memref<128xi32, #tpu.memory_space<vmem>>, vector<16xi32>,
        tpu.vector_store %arg10[%swap3A_339], %shift_right_logical3A_338 {strides = array<i32>} : memref<128xi32, #tpu.memory_space<vmem>>, vector<16xi32>,
        %get3A_341 = arith.index_cast %add3A_286 : i32 to index
        %get3A_342 = arith.constant 48 : index
        %get3A_343 = tpu.vector_load %arg5[%get3A_341, %get3A_342] {strides = array<i32>} : memref<80x128xi32, #tpu.memory_space<vmem>>, vector<16xi32>,
        %and3A_344 = arith.constant 16383 : i32
        %and3A_345 = vector.broadcast %and3A_344 : i32 to vector<16xi32>
        %and3A_346 = arith.andi %get3A_343, %and3A_345 : vector<16xi32>
        %swap3A_347 = arith.constant 48 : index
        %swap3A_348 = tpu.vector_load %arg8[%swap3A_347] {strides = array<i32>} : memref<128xi32, #tpu.memory_space<vmem>>, vector<16xi32>,
        tpu.vector_store %arg8[%swap3A_347], %and3A_346 {strides = array<i32>} : memref<128xi32, #tpu.memory_space<vmem>>, vector<16xi32>,
        %shift_right_logical3A_349 = arith.constant 14 : i32
        %shift_right_logical3A_350 = vector.broadcast %shift_right_logical3A_349 : i32 to vector<16xi32>
        %shift_right_logical3A_351 = arith.shrui %get3A_343, %shift_right_logical3A_350 : vector<16xi32>
        %swap3A_352 = arith.constant 48 : index
        %swap3A_353 = tpu.vector_load %arg10[%swap3A_352] {strides = array<i32>} : memref<128xi32, #tpu.memory_space<vmem>>, vector<16xi32>,
        tpu.vector_store %arg10[%swap3A_352], %shift_right_logical3A_351 {strides = array<i32>} : memref<128xi32, #tpu.memory_space<vmem>>, vector<16xi32>,
        %get3A_354 = arith.index_cast %add3A_286 : i32 to index
        %get3A_355 = arith.constant 64 : index
        %get3A_356 = tpu.vector_load %arg5[%get3A_354, %get3A_355] {strides = array<i32>} : memref<80x128xi32, #tpu.memory_space<vmem>>, vector<16xi32>,
        %and3A_357 = arith.constant 16383 : i32
        %and3A_358 = vector.broadcast %and3A_357 : i32 to vector<16xi32>
        %and3A_359 = arith.andi %get3A_356, %and3A_358 : vector<16xi32>
        %swap3A_360 = arith.constant 64 : index
        %swap3A_361 = tpu.vector_load %arg8[%swap3A_360] {strides = array<i32>} : memref<128xi32, #tpu.memory_space<vmem>>, vector<16xi32>,
        tpu.vector_store %arg8[%swap3A_360], %and3A_359 {strides = array<i32>} : memref<128xi32, #tpu.memory_space<vmem>>, vector<16xi32>,
        %shift_right_logical3A_362 = arith.constant 14 : i32
        %shift_right_logical3A_363 = vector.broadcast %shift_right_logical3A_362 : i32 to vector<16xi32>
        %shift_right_logical3A_364 = arith.shrui %get3A_356, %shift_right_logical3A_363 : vector<16xi32>
        %swap3A_365 = arith.constant 64 : index
        %swap3A_366 = tpu.vector_load %arg10[%swap3A_365] {strides = array<i32>} : memref<128xi32, #tpu.memory_space<vmem>>, vector<16xi32>,
        tpu.vector_store %arg10[%swap3A_365], %shift_right_logical3A_364 {strides = array<i32>} : memref<128xi32, #tpu.memory_space<vmem>>, vector<16xi32>,
        %get3A_367 = arith.index_cast %add3A_286 : i32 to index
        %get3A_368 = arith.constant 80 : index
        %get3A_369 = tpu.vector_load %arg5[%get3A_367, %get3A_368] {strides = array<i32>} : memref<80x128xi32, #tpu.memory_space<vmem>>, vector<16xi32>,
        %and3A_370 = arith.constant 16383 : i32
        %and3A_371 = vector.broadcast %and3A_370 : i32 to vector<16xi32>
        %and3A_372 = arith.andi %get3A_369, %and3A_371 : vector<16xi32>
        %swap3A_373 = arith.constant 80 : index
        %swap3A_374 = tpu.vector_load %arg8[%swap3A_373] {strides = array<i32>} : memref<128xi32, #tpu.memory_space<vmem>>, vector<16xi32>,
        tpu.vector_store %arg8[%swap3A_373], %and3A_372 {strides = array<i32>} : memref<128xi32, #tpu.memory_space<vmem>>, vector<16xi32>,
        %shift_right_logical3A_375 = arith.constant 14 : i32
        %shift_right_logical3A_376 = vector.broadcast %shift_right_logical3A_375 : i32 to vector<16xi32>
        %shift_right_logical3A_377 = arith.shrui %get3A_369, %shift_right_logical3A_376 : vector<16xi32>
        %swap3A_378 = arith.constant 80 : index
        %swap3A_379 = tpu.vector_load %arg10[%swap3A_378] {strides = array<i32>} : memref<128xi32, #tpu.memory_space<vmem>>, vector<16xi32>,
        tpu.vector_store %arg10[%swap3A_378], %shift_right_logical3A_377 {strides = array<i32>} : memref<128xi32, #tpu.memory_space<vmem>>, vector<16xi32>,
        %get3A_380 = arith.index_cast %add3A_286 : i32 to index
        %get3A_381 = arith.constant 96 : index
        %get3A_382 = tpu.vector_load %arg5[%get3A_380, %get3A_381] {strides = array<i32>} : memref<80x128xi32, #tpu.memory_space<vmem>>, vector<16xi32>,
        %and3A_383 = arith.constant 16383 : i32
        %and3A_384 = vector.broadcast %and3A_383 : i32 to vector<16xi32>
        %and3A_385 = arith.andi %get3A_382, %and3A_384 : vector<16xi32>
        %swap3A_386 = arith.constant 96 : index
        %swap3A_387 = tpu.vector_load %arg8[%swap3A_386] {strides = array<i32>} : memref<128xi32, #tpu.memory_space<vmem>>, vector<16xi32>,
        tpu.vector_store %arg8[%swap3A_386], %and3A_385 {strides = array<i32>} : memref<128xi32, #tpu.memory_space<vmem>>, vector<16xi32>,
        %shift_right_logical3A_388 = arith.constant 14 : i32
        %shift_right_logical3A_389 = vector.broadcast %shift_right_logical3A_388 : i32 to vector<16xi32>
        %shift_right_logical3A_390 = arith.shrui %get3A_382, %shift_right_logical3A_389 : vector<16xi32>
        %swap3A_391 = arith.constant 96 : index
        %swap3A_392 = tpu.vector_load %arg10[%swap3A_391] {strides = array<i32>} : memref<128xi32, #tpu.memory_space<vmem>>, vector<16xi32>,
        tpu.vector_store %arg10[%swap3A_391], %shift_right_logical3A_390 {strides = array<i32>} : memref<128xi32, #tpu.memory_space<vmem>>, vector<16xi32>,
        %get3A_393 = arith.index_cast %add3A_286 : i32 to index
        %get3A_394 = arith.constant 112 : index
        %get3A_395 = tpu.vector_load %arg5[%get3A_393, %get3A_394] {strides = array<i32>} : memref<80x128xi32, #tpu.memory_space<vmem>>, vector<16xi32>,
        %and3A_396 = arith.constant 16383 : i32
        %and3A_397 = vector.broadcast %and3A_396 : i32 to vector<16xi32>
        %and3A_398 = arith.andi %get3A_395, %and3A_397 : vector<16xi32>
        %swap3A_399 = arith.constant 112 : index
        %swap3A_400 = tpu.vector_load %arg8[%swap3A_399] {strides = array<i32>} : memref<128xi32, #tpu.memory_space<vmem>>, vector<16xi32>,
        tpu.vector_store %arg8[%swap3A_399], %and3A_398 {strides = array<i32>} : memref<128xi32, #tpu.memory_space<vmem>>, vector<16xi32>,
        %shift_right_logical3A_401 = arith.constant 14 : i32
        %shift_right_logical3A_402 = vector.broadcast %shift_right_logical3A_401 : i32 to vector<16xi32>
        %shift_right_logical3A_403 = arith.shrui %get3A_395, %shift_right_logical3A_402 : vector<16xi32>
        %swap3A_404 = arith.constant 112 : index
        %swap3A_405 = tpu.vector_load %arg10[%swap3A_404] {strides = array<i32>} : memref<128xi32, #tpu.memory_space<vmem>>, vector<16xi32>,
        tpu.vector_store %arg10[%swap3A_404], %shift_right_logical3A_403 {strides = array<i32>} : memref<128xi32, #tpu.memory_space<vmem>>, vector<16xi32>,
        %dma_start3A_406 = arith.constant 0 : i32
        %dma_start3A_407 = arith.constant 0 : i32
        %dma_start3A_408 = tpu.memref_slice %arg2[%dma_start3A_406, %dma_start3A_407] : memref<10000x128xf32, #tpu.memory_space<hbm>> -> memref<10000x128xf32, #tpu.memory_space<hbm>>
        tpu.enqueue_indirect_dma source(%dma_start3A_408 : memref<10000x128xf32, #tpu.memory_space<hbm>>) target(%arg6 : memref<128x128xf32, #tpu.memory_space<vmem>>) offsets(%arg8 : memref<128xi32, #tpu.memory_space<vmem>>) semaphore(%arg13 : memref<!tpu.dma_semaphore, #tpu.memory_space<semaphore_mem>>)
      } else {
      }
      %add3A_289 = arith.constant 1 : i32
      %add3A_290 = arith.addi %mul3A_268, %add3A_289 : i32
      %dma_wait3A_291 = arith.constant 0 : i32
      %dma_wait3A_292 = arith.constant 0 : i32
      %dma_wait3A_293 = tpu.memref_slice %arg12[%dma_wait3A_291, %dma_wait3A_292] : memref<10240x128xf32, #tpu.memory_space<vmem_shared>> -> memref<10240x128xf32, #tpu.memory_space<vmem_shared>>
      tpu.wait_indirect_dma semaphore(%arg16 : memref<!tpu.dma_semaphore, #tpu.memory_space<semaphore_mem>>) src(%arg7 : memref<128x128xf32, #tpu.memory_space<vmem>>) dst(%dma_wait3A_293 : memref<10240x128xf32, #tpu.memory_space<vmem_shared>>)
      %add3A_294 = arith.constant 2 : i32
      %add3A_295 = arith.addi %add3A_290, %add3A_294 : i32
      %lt3A_296 = arith.constant 80 : i32
      %lt3A_297 = arith.cmpi slt, %add3A_295, %lt3A_296 : i32
      %convert_element_type3A_298 = arith.extui %lt3A_297 : i1 to i32
      %cond3A_299 = arith.constant 0 : i32
      %cond3A_300 = arith.cmpi ne, %convert_element_type3A_298, %cond3A_299 : i32
      scf.if %cond3A_300 {
        %get3A_302 = arith.index_cast %add3A_295 : i32 to index
        %get3A_303 = arith.constant 0 : index
        %get3A_304 = tpu.vector_load %arg5[%get3A_302, %get3A_303] {strides = array<i32>} : memref<80x128xi32, #tpu.memory_space<vmem>>, vector<16xi32>,
        %and3A_305 = arith.constant 16383 : i32
        %and3A_306 = vector.broadcast %and3A_305 : i32 to vector<16xi32>
        %and3A_307 = arith.andi %get3A_304, %and3A_306 : vector<16xi32>
        %swap3A_308 = arith.constant 0 : index
        %swap3A_309 = tpu.vector_load %arg9[%swap3A_308] {strides = array<i32>} : memref<128xi32, #tpu.memory_space<vmem>>, vector<16xi32>,
        tpu.vector_store %arg9[%swap3A_308], %and3A_307 {strides = array<i32>} : memref<128xi32, #tpu.memory_space<vmem>>, vector<16xi32>,
        %shift_right_logical3A_310 = arith.constant 14 : i32
        %shift_right_logical3A_311 = vector.broadcast %shift_right_logical3A_310 : i32 to vector<16xi32>
        %shift_right_logical3A_312 = arith.shrui %get3A_304, %shift_right_logical3A_311 : vector<16xi32>
        %swap3A_313 = arith.constant 0 : index
        %swap3A_314 = tpu.vector_load %arg11[%swap3A_313] {strides = array<i32>} : memref<128xi32, #tpu.memory_space<vmem>>, vector<16xi32>,
        tpu.vector_store %arg11[%swap3A_313], %shift_right_logical3A_312 {strides = array<i32>} : memref<128xi32, #tpu.memory_space<vmem>>, vector<16xi32>,
        %get3A_315 = arith.index_cast %add3A_295 : i32 to index
        %get3A_316 = arith.constant 16 : index
        %get3A_317 = tpu.vector_load %arg5[%get3A_315, %get3A_316] {strides = array<i32>} : memref<80x128xi32, #tpu.memory_space<vmem>>, vector<16xi32>,
        %and3A_318 = arith.constant 16383 : i32
        %and3A_319 = vector.broadcast %and3A_318 : i32 to vector<16xi32>
        %and3A_320 = arith.andi %get3A_317, %and3A_319 : vector<16xi32>
        %swap3A_321 = arith.constant 16 : index
        %swap3A_322 = tpu.vector_load %arg9[%swap3A_321] {strides = array<i32>} : memref<128xi32, #tpu.memory_space<vmem>>, vector<16xi32>,
        tpu.vector_store %arg9[%swap3A_321], %and3A_320 {strides = array<i32>} : memref<128xi32, #tpu.memory_space<vmem>>, vector<16xi32>,
        %shift_right_logical3A_323 = arith.constant 14 : i32
        %shift_right_logical3A_324 = vector.broadcast %shift_right_logical3A_323 : i32 to vector<16xi32>
        %shift_right_logical3A_325 = arith.shrui %get3A_317, %shift_right_logical3A_324 : vector<16xi32>
        %swap3A_326 = arith.constant 16 : index
        %swap3A_327 = tpu.vector_load %arg11[%swap3A_326] {strides = array<i32>} : memref<128xi32, #tpu.memory_space<vmem>>, vector<16xi32>,
        tpu.vector_store %arg11[%swap3A_326], %shift_right_logical3A_325 {strides = array<i32>} : memref<128xi32, #tpu.memory_space<vmem>>, vector<16xi32>,
        %get3A_328 = arith.index_cast %add3A_295 : i32 to index
        %get3A_329 = arith.constant 32 : index
        %get3A_330 = tpu.vector_load %arg5[%get3A_328, %get3A_329] {strides = array<i32>} : memref<80x128xi32, #tpu.memory_space<vmem>>, vector<16xi32>,
        %and3A_331 = arith.constant 16383 : i32
        %and3A_332 = vector.broadcast %and3A_331 : i32 to vector<16xi32>
        %and3A_333 = arith.andi %get3A_330, %and3A_332 : vector<16xi32>
        %swap3A_334 = arith.constant 32 : index
        %swap3A_335 = tpu.vector_load %arg9[%swap3A_334] {strides = array<i32>} : memref<128xi32, #tpu.memory_space<vmem>>, vector<16xi32>,
        tpu.vector_store %arg9[%swap3A_334], %and3A_333 {strides = array<i32>} : memref<128xi32, #tpu.memory_space<vmem>>, vector<16xi32>,
        %shift_right_logical3A_336 = arith.constant 14 : i32
        %shift_right_logical3A_337 = vector.broadcast %shift_right_logical3A_336 : i32 to vector<16xi32>
        %shift_right_logical3A_338 = arith.shrui %get3A_330, %shift_right_logical3A_337 : vector<16xi32>
        %swap3A_339 = arith.constant 32 : index
        %swap3A_340 = tpu.vector_load %arg11[%swap3A_339] {strides = array<i32>} : memref<128xi32, #tpu.memory_space<vmem>>, vector<16xi32>,
        tpu.vector_store %arg11[%swap3A_339], %shift_right_logical3A_338 {strides = array<i32>} : memref<128xi32, #tpu.memory_space<vmem>>, vector<16xi32>,
        %get3A_341 = arith.index_cast %add3A_295 : i32 to index
        %get3A_342 = arith.constant 48 : index
        %get3A_343 = tpu.vector_load %arg5[%get3A_341, %get3A_342] {strides = array<i32>} : memref<80x128xi32, #tpu.memory_space<vmem>>, vector<16xi32>,
        %and3A_344 = arith.constant 16383 : i32
        %and3A_345 = vector.broadcast %and3A_344 : i32 to vector<16xi32>
        %and3A_346 = arith.andi %get3A_343, %and3A_345 : vector<16xi32>
        %swap3A_347 = arith.constant 48 : index
        %swap3A_348 = tpu.vector_load %arg9[%swap3A_347] {strides = array<i32>} : memref<128xi32, #tpu.memory_space<vmem>>, vector<16xi32>,
        tpu.vector_store %arg9[%swap3A_347], %and3A_346 {strides = array<i32>} : memref<128xi32, #tpu.memory_space<vmem>>, vector<16xi32>,
        %shift_right_logical3A_349 = arith.constant 14 : i32
        %shift_right_logical3A_350 = vector.broadcast %shift_right_logical3A_349 : i32 to vector<16xi32>
        %shift_right_logical3A_351 = arith.shrui %get3A_343, %shift_right_logical3A_350 : vector<16xi32>
        %swap3A_352 = arith.constant 48 : index
        %swap3A_353 = tpu.vector_load %arg11[%swap3A_352] {strides = array<i32>} : memref<128xi32, #tpu.memory_space<vmem>>, vector<16xi32>,
        tpu.vector_store %arg11[%swap3A_352], %shift_right_logical3A_351 {strides = array<i32>} : memref<128xi32, #tpu.memory_space<vmem>>, vector<16xi32>,
        %get3A_354 = arith.index_cast %add3A_295 : i32 to index
        %get3A_355 = arith.constant 64 : index
        %get3A_356 = tpu.vector_load %arg5[%get3A_354, %get3A_355] {strides = array<i32>} : memref<80x128xi32, #tpu.memory_space<vmem>>, vector<16xi32>,
        %and3A_357 = arith.constant 16383 : i32
        %and3A_358 = vector.broadcast %and3A_357 : i32 to vector<16xi32>
        %and3A_359 = arith.andi %get3A_356, %and3A_358 : vector<16xi32>
        %swap3A_360 = arith.constant 64 : index
        %swap3A_361 = tpu.vector_load %arg9[%swap3A_360] {strides = array<i32>} : memref<128xi32, #tpu.memory_space<vmem>>, vector<16xi32>,
        tpu.vector_store %arg9[%swap3A_360], %and3A_359 {strides = array<i32>} : memref<128xi32, #tpu.memory_space<vmem>>, vector<16xi32>,
        %shift_right_logical3A_362 = arith.constant 14 : i32
        %shift_right_logical3A_363 = vector.broadcast %shift_right_logical3A_362 : i32 to vector<16xi32>
        %shift_right_logical3A_364 = arith.shrui %get3A_356, %shift_right_logical3A_363 : vector<16xi32>
        %swap3A_365 = arith.constant 64 : index
        %swap3A_366 = tpu.vector_load %arg11[%swap3A_365] {strides = array<i32>} : memref<128xi32, #tpu.memory_space<vmem>>, vector<16xi32>,
        tpu.vector_store %arg11[%swap3A_365], %shift_right_logical3A_364 {strides = array<i32>} : memref<128xi32, #tpu.memory_space<vmem>>, vector<16xi32>,
        %get3A_367 = arith.index_cast %add3A_295 : i32 to index
        %get3A_368 = arith.constant 80 : index
        %get3A_369 = tpu.vector_load %arg5[%get3A_367, %get3A_368] {strides = array<i32>} : memref<80x128xi32, #tpu.memory_space<vmem>>, vector<16xi32>,
        %and3A_370 = arith.constant 16383 : i32
        %and3A_371 = vector.broadcast %and3A_370 : i32 to vector<16xi32>
        %and3A_372 = arith.andi %get3A_369, %and3A_371 : vector<16xi32>
        %swap3A_373 = arith.constant 80 : index
        %swap3A_374 = tpu.vector_load %arg9[%swap3A_373] {strides = array<i32>} : memref<128xi32, #tpu.memory_space<vmem>>, vector<16xi32>,
        tpu.vector_store %arg9[%swap3A_373], %and3A_372 {strides = array<i32>} : memref<128xi32, #tpu.memory_space<vmem>>, vector<16xi32>,
        %shift_right_logical3A_375 = arith.constant 14 : i32
        %shift_right_logical3A_376 = vector.broadcast %shift_right_logical3A_375 : i32 to vector<16xi32>
        %shift_right_logical3A_377 = arith.shrui %get3A_369, %shift_right_logical3A_376 : vector<16xi32>
        %swap3A_378 = arith.constant 80 : index
        %swap3A_379 = tpu.vector_load %arg11[%swap3A_378] {strides = array<i32>} : memref<128xi32, #tpu.memory_space<vmem>>, vector<16xi32>,
        tpu.vector_store %arg11[%swap3A_378], %shift_right_logical3A_377 {strides = array<i32>} : memref<128xi32, #tpu.memory_space<vmem>>, vector<16xi32>,
        %get3A_380 = arith.index_cast %add3A_295 : i32 to index
        %get3A_381 = arith.constant 96 : index
        %get3A_382 = tpu.vector_load %arg5[%get3A_380, %get3A_381] {strides = array<i32>} : memref<80x128xi32, #tpu.memory_space<vmem>>, vector<16xi32>,
        %and3A_383 = arith.constant 16383 : i32
        %and3A_384 = vector.broadcast %and3A_383 : i32 to vector<16xi32>
        %and3A_385 = arith.andi %get3A_382, %and3A_384 : vector<16xi32>
        %swap3A_386 = arith.constant 96 : index
        %swap3A_387 = tpu.vector_load %arg9[%swap3A_386] {strides = array<i32>} : memref<128xi32, #tpu.memory_space<vmem>>, vector<16xi32>,
        tpu.vector_store %arg9[%swap3A_386], %and3A_385 {strides = array<i32>} : memref<128xi32, #tpu.memory_space<vmem>>, vector<16xi32>,
        %shift_right_logical3A_388 = arith.constant 14 : i32
        %shift_right_logical3A_389 = vector.broadcast %shift_right_logical3A_388 : i32 to vector<16xi32>
        %shift_right_logical3A_390 = arith.shrui %get3A_382, %shift_right_logical3A_389 : vector<16xi32>
        %swap3A_391 = arith.constant 96 : index
        %swap3A_392 = tpu.vector_load %arg11[%swap3A_391] {strides = array<i32>} : memref<128xi32, #tpu.memory_space<vmem>>, vector<16xi32>,
        tpu.vector_store %arg11[%swap3A_391], %shift_right_logical3A_390 {strides = array<i32>} : memref<128xi32, #tpu.memory_space<vmem>>, vector<16xi32>,
        %get3A_393 = arith.index_cast %add3A_295 : i32 to index
        %get3A_394 = arith.constant 112 : index
        %get3A_395 = tpu.vector_load %arg5[%get3A_393, %get3A_394] {strides = array<i32>} : memref<80x128xi32, #tpu.memory_space<vmem>>, vector<16xi32>,
        %and3A_396 = arith.constant 16383 : i32
        %and3A_397 = vector.broadcast %and3A_396 : i32 to vector<16xi32>
        %and3A_398 = arith.andi %get3A_395, %and3A_397 : vector<16xi32>
        %swap3A_399 = arith.constant 112 : index
        %swap3A_400 = tpu.vector_load %arg9[%swap3A_399] {strides = array<i32>} : memref<128xi32, #tpu.memory_space<vmem>>, vector<16xi32>,
        tpu.vector_store %arg9[%swap3A_399], %and3A_398 {strides = array<i32>} : memref<128xi32, #tpu.memory_space<vmem>>, vector<16xi32>,
        %shift_right_logical3A_401 = arith.constant 14 : i32
        %shift_right_logical3A_402 = vector.broadcast %shift_right_logical3A_401 : i32 to vector<16xi32>
        %shift_right_logical3A_403 = arith.shrui %get3A_395, %shift_right_logical3A_402 : vector<16xi32>
        %swap3A_404 = arith.constant 112 : index
        %swap3A_405 = tpu.vector_load %arg11[%swap3A_404] {strides = array<i32>} : memref<128xi32, #tpu.memory_space<vmem>>, vector<16xi32>,
        tpu.vector_store %arg11[%swap3A_404], %shift_right_logical3A_403 {strides = array<i32>} : memref<128xi32, #tpu.memory_space<vmem>>, vector<16xi32>,
        %dma_start3A_406 = arith.constant 0 : i32
        %dma_start3A_407 = arith.constant 0 : i32
        %dma_start3A_408 = tpu.memref_slice %arg2[%dma_start3A_406, %dma_start3A_407] : memref<10000x128xf32, #tpu.memory_space<hbm>> -> memref<10000x128xf32, #tpu.memory_space<hbm>>
        tpu.enqueue_indirect_dma source(%dma_start3A_408 : memref<10000x128xf32, #tpu.memory_space<hbm>>) target(%arg7 : memref<128x128xf32, #tpu.memory_space<vmem>>) offsets(%arg9 : memref<128xi32, #tpu.memory_space<vmem>>) semaphore(%arg14 : memref<!tpu.dma_semaphore, #tpu.memory_space<semaphore_mem>>)
      } else {
      }
      %scan3A_301 = arith.constant 0 : i32
      scf.yield %scan3A_301 : i32
    }
    %scan3A_259 = arith.constant 40 : i32
    %barrier3A_260 = arith.constant 0 : index
    tpu.barrier barrier_id(%barrier3A_260)
    %mul3A_261 = arith.constant 640 : i32
    %mul3A_262 = arith.muli %arg1, %mul3A_261 : i32
    %mul3A_263 = arith.constant 640 : i32
    %mul3A_264 = arith.muli %arg1, %mul3A_263 : i32
    "tpu.region"() ({
      %run_scoped3A = tpu.sem_alloc : memref<!tpu.dma_semaphore, #tpu.memory_space<semaphore_mem>>
      %dma_start3A_265 = arith.constant 0 : i32
      %dma_start3A_266 = tpu.memref_slice %arg4[%arg0, %mul3A_264, %dma_start3A_265] : memref<2x10240x128xf32, #tpu.memory_space<hbm>> -> memref<1x640x128xf32, #tpu.memory_space<hbm>>
      %dma_start3A_267 = tpu.memref_squeeze %dma_start3A_266 : memref<1x640x128xf32, #tpu.memory_space<hbm>> -> memref<640x128xf32, #tpu.memory_space<hbm>>
      %dma_start3A_268 = arith.constant 0 : i32
      %dma_start3A_269 = tpu.memref_slice %arg12[%mul3A_262, %dma_start3A_268] : memref<10240x128xf32, #tpu.memory_space<vmem_shared>> -> memref<640x128xf32, #tpu.memory_space<vmem_shared>>
      tpu.enqueue_dma source(%dma_start3A_269 : memref<640x128xf32, #tpu.memory_space<vmem_shared>>) target(%dma_start3A_267 : memref<640x128xf32, #tpu.memory_space<hbm>>) target_semaphore(%run_scoped3A : memref<!tpu.dma_semaphore, #tpu.memory_space<semaphore_mem>>)
      %dma_wait3A = arith.constant 0 : i32
      %dma_wait3A_270 = tpu.memref_slice %arg4[%arg0, %mul3A_264, %dma_wait3A] : memref<2x10240x128xf32, #tpu.memory_space<hbm>> -> memref<1x640x128xf32, #tpu.memory_space<hbm>>
      %dma_wait3A_271 = tpu.memref_squeeze %dma_wait3A_270 : memref<1x640x128xf32, #tpu.memory_space<hbm>> -> memref<640x128xf32, #tpu.memory_space<hbm>>
      %dma_wait3A_272 = arith.constant 0 : i32
      %dma_wait3A_273 = tpu.memref_slice %arg12[%mul3A_262, %dma_wait3A_272] : memref<10240x128xf32, #tpu.memory_space<vmem_shared>> -> memref<640x128xf32, #tpu.memory_space<vmem_shared>>
      tpu.wait_dma2 semaphore(%run_scoped3A : memref<!tpu.dma_semaphore, #tpu.memory_space<semaphore_mem>>) src(%dma_wait3A_273 : memref<640x128xf32, #tpu.memory_space<vmem_shared>>) dst(%dma_wait3A_271 : memref<640x128xf32, #tpu.memory_space<hbm>>)
      tpu.yield
    }) : () -> ()
    return
  }
}

#map = affine_map<(d0, d1) -> (0, 0)>
#map1 = affine_map<(d0, d1) -> (0, 0, 0)>
module attributes {stable_mosaic.version = 14 : i64} {
  func.func @sc_pair_gather(%arg0: i32, %arg1: i32, %arg2: memref<10000x128xf32, #tpu.memory_space<hbm>>, %arg3: memref<32x8x128xi32, #tpu.memory_space<hbm>>, %arg4: memref<2x16384x128xf32, #tpu.memory_space<hbm>>, %arg5: memref<8x128xi32, #tpu.memory_space<vmem>>, %arg6: memref<128x128xf32, #tpu.memory_space<vmem>>, %arg7: memref<!tpu.dma_semaphore, #tpu.memory_space<semaphore_mem>>) attributes {dimension_semantics = [#tpu.dimension_semantics<core_parallel>, #tpu.dimension_semantics<subcore_parallel>], iteration_bounds = array<i64: 2, 16>, scalar_prefetch = 0 : i64, scratch_operands = 3 : i64, tpu.core_type = #tpu.core_type<sc_vector_subcore>, window_params = [{transform_indices = #map}, {transform_indices = #map1}, {transform_indices = #map1}]} {
    %mul3A = arith.constant 2 : i32
    %mul3A_0 = arith.muli %arg1, %mul3A : i32
    %add3A = arith.addi %mul3A_0, %arg0 : i32
    "tpu.region"() ({
      %run_scoped3A_136 = tpu.sem_alloc : memref<!tpu.dma_semaphore, #tpu.memory_space<semaphore_mem>>
      %dma_start3A_137 = arith.constant 0 : i32
      %dma_start3A_138 = arith.constant 0 : i32
      %dma_start3A_139 = tpu.memref_slice %arg3[%add3A, %dma_start3A_137, %dma_start3A_138] : memref<32x8x128xi32, #tpu.memory_space<hbm>> -> memref<1x8x128xi32, #tpu.memory_space<hbm>>
      %dma_start3A_140 = tpu.memref_squeeze %dma_start3A_139 : memref<1x8x128xi32, #tpu.memory_space<hbm>> -> memref<8x128xi32, #tpu.memory_space<hbm>>
      %dma_start3A_141 = arith.constant 0 : i32
      %dma_start3A_142 = arith.constant 0 : i32
      %dma_start3A_143 = tpu.memref_slice %arg3[%add3A, %dma_start3A_141, %dma_start3A_142] : memref<32x8x128xi32, #tpu.memory_space<hbm>> -> memref<1x8x128xi32, #tpu.memory_space<hbm>>
      %dma_start3A_144 = tpu.memref_squeeze %dma_start3A_143 : memref<1x8x128xi32, #tpu.memory_space<hbm>> -> memref<8x128xi32, #tpu.memory_space<hbm>>
      tpu.enqueue_dma source(%dma_start3A_144 : memref<8x128xi32, #tpu.memory_space<hbm>>) target(%arg5 : memref<8x128xi32, #tpu.memory_space<vmem>>) target_semaphore(%run_scoped3A_136 : memref<!tpu.dma_semaphore, #tpu.memory_space<semaphore_mem>>)
      %dma_wait3A_145 = arith.constant 0 : i32
      %dma_wait3A_146 = arith.constant 0 : i32
      %dma_wait3A_147 = tpu.memref_slice %arg3[%add3A, %dma_wait3A_145, %dma_wait3A_146] : memref<32x8x128xi32, #tpu.memory_space<hbm>> -> memref<1x8x128xi32, #tpu.memory_space<hbm>>
      %dma_wait3A_148 = tpu.memref_squeeze %dma_wait3A_147 : memref<1x8x128xi32, #tpu.memory_space<hbm>> -> memref<8x128xi32, #tpu.memory_space<hbm>>
      %dma_wait3A_149 = arith.constant 0 : i32
      %dma_wait3A_150 = arith.constant 0 : i32
      %dma_wait3A_151 = tpu.memref_slice %arg3[%add3A, %dma_wait3A_149, %dma_wait3A_150] : memref<32x8x128xi32, #tpu.memory_space<hbm>> -> memref<1x8x128xi32, #tpu.memory_space<hbm>>
      %dma_wait3A_152 = tpu.memref_squeeze %dma_wait3A_151 : memref<1x8x128xi32, #tpu.memory_space<hbm>> -> memref<8x128xi32, #tpu.memory_space<hbm>>
      tpu.wait_dma2 semaphore(%run_scoped3A_136 : memref<!tpu.dma_semaphore, #tpu.memory_space<semaphore_mem>>) src(%dma_wait3A_152 : memref<8x128xi32, #tpu.memory_space<hbm>>) dst(%arg5 : memref<8x128xi32, #tpu.memory_space<vmem>>)
      tpu.yield
    }) : () -> ()
    %mul3A_1 = arith.constant 512 : i32
    %mul3A_2 = arith.muli %add3A, %mul3A_1 : i32
    %dma_start3A = arith.constant 0 : i32
    %dma_start3A_3 = arith.constant 0 : i32
    %dma_start3A_4 = tpu.memref_slice %arg5[%dma_start3A, %dma_start3A_3] : memref<8x128xi32, #tpu.memory_space<vmem>> -> memref<1x128xi32, #tpu.memory_space<vmem>>
    %dma_start3A_5 = tpu.memref_squeeze %dma_start3A_4 : memref<1x128xi32, #tpu.memory_space<vmem>> -> memref<128xi32, #tpu.memory_space<vmem>>
    %dma_start3A_6 = arith.constant 0 : i32
    %dma_start3A_7 = arith.constant 0 : i32
    %dma_start3A_8 = tpu.memref_slice %arg2[%dma_start3A_6, %dma_start3A_7] : memref<10000x128xf32, #tpu.memory_space<hbm>> -> memref<10000x128xf32, #tpu.memory_space<hbm>>
    tpu.enqueue_indirect_dma source(%dma_start3A_8 : memref<10000x128xf32, #tpu.memory_space<hbm>>) target(%arg6 : memref<128x128xf32, #tpu.memory_space<vmem>>) offsets(%dma_start3A_5 : memref<128xi32, #tpu.memory_space<vmem>>) semaphore(%arg7 : memref<!tpu.dma_semaphore, #tpu.memory_space<semaphore_mem>>)
    %dma_wait3A = arith.constant 0 : i32
    %dma_wait3A_9 = arith.constant 0 : i32
    %dma_wait3A_10 = tpu.memref_slice %arg5[%dma_wait3A, %dma_wait3A_9] : memref<8x128xi32, #tpu.memory_space<vmem>> -> memref<1x128xi32, #tpu.memory_space<vmem>>
    %dma_wait3A_11 = tpu.memref_squeeze %dma_wait3A_10 : memref<1x128xi32, #tpu.memory_space<vmem>> -> memref<128xi32, #tpu.memory_space<vmem>>
    %dma_wait3A_12 = arith.constant 0 : i32
    %dma_wait3A_13 = arith.constant 0 : i32
    %dma_wait3A_14 = tpu.memref_slice %arg2[%dma_wait3A_12, %dma_wait3A_13] : memref<10000x128xf32, #tpu.memory_space<hbm>> -> memref<10000x128xf32, #tpu.memory_space<hbm>>
    tpu.wait_indirect_dma semaphore(%arg7 : memref<!tpu.dma_semaphore, #tpu.memory_space<semaphore_mem>>) src(%dma_wait3A_14 : memref<10000x128xf32, #tpu.memory_space<hbm>>) dst(%arg6 : memref<128x128xf32, #tpu.memory_space<vmem>>)
    %add3A_15 = arith.constant 0 : i32
    %add3A_16 = arith.addi %mul3A_2, %add3A_15 : i32
    %run_scoped3A = arith.constant 0 : i32
    "tpu.region"() ({
      %run_scoped3A_136 = tpu.sem_alloc : memref<!tpu.dma_semaphore, #tpu.memory_space<semaphore_mem>>
      %dma_start3A_137 = arith.constant 0 : i32
      %dma_start3A_138 = tpu.memref_slice %arg4[%run_scoped3A, %add3A_16, %dma_start3A_137] : memref<2x16384x128xf32, #tpu.memory_space<hbm>> -> memref<1x128x128xf32, #tpu.memory_space<hbm>>
      %dma_start3A_139 = tpu.memref_squeeze %dma_start3A_138 : memref<1x128x128xf32, #tpu.memory_space<hbm>> -> memref<128x128xf32, #tpu.memory_space<hbm>>
      %dma_start3A_140 = arith.constant 0 : i32
      %dma_start3A_141 = tpu.memref_slice %arg4[%run_scoped3A, %add3A_16, %dma_start3A_140] : memref<2x16384x128xf32, #tpu.memory_space<hbm>> -> memref<1x128x128xf32, #tpu.memory_space<hbm>>
      %dma_start3A_142 = tpu.memref_squeeze %dma_start3A_141 : memref<1x128x128xf32, #tpu.memory_space<hbm>> -> memref<128x128xf32, #tpu.memory_space<hbm>>
      tpu.enqueue_dma source(%arg6 : memref<128x128xf32, #tpu.memory_space<vmem>>) target(%dma_start3A_142 : memref<128x128xf32, #tpu.memory_space<hbm>>) target_semaphore(%run_scoped3A_136 : memref<!tpu.dma_semaphore, #tpu.memory_space<semaphore_mem>>)
      %dma_wait3A_143 = arith.constant 0 : i32
      %dma_wait3A_144 = tpu.memref_slice %arg4[%run_scoped3A, %add3A_16, %dma_wait3A_143] : memref<2x16384x128xf32, #tpu.memory_space<hbm>> -> memref<1x128x128xf32, #tpu.memory_space<hbm>>
      %dma_wait3A_145 = tpu.memref_squeeze %dma_wait3A_144 : memref<1x128x128xf32, #tpu.memory_space<hbm>> -> memref<128x128xf32, #tpu.memory_space<hbm>>
      %dma_wait3A_146 = arith.constant 0 : i32
      %dma_wait3A_147 = tpu.memref_slice %arg4[%run_scoped3A, %add3A_16, %dma_wait3A_146] : memref<2x16384x128xf32, #tpu.memory_space<hbm>> -> memref<1x128x128xf32, #tpu.memory_space<hbm>>
      %dma_wait3A_148 = tpu.memref_squeeze %dma_wait3A_147 : memref<1x128x128xf32, #tpu.memory_space<hbm>> -> memref<128x128xf32, #tpu.memory_space<hbm>>
      tpu.wait_dma2 semaphore(%run_scoped3A_136 : memref<!tpu.dma_semaphore, #tpu.memory_space<semaphore_mem>>) src(%arg6 : memref<128x128xf32, #tpu.memory_space<vmem>>) dst(%dma_wait3A_148 : memref<128x128xf32, #tpu.memory_space<hbm>>)
      tpu.yield
    }) : () -> ()
    %dma_start3A_17 = arith.constant 1 : i32
    %dma_start3A_18 = arith.constant 0 : i32
    %dma_start3A_19 = tpu.memref_slice %arg5[%dma_start3A_17, %dma_start3A_18] : memref<8x128xi32, #tpu.memory_space<vmem>> -> memref<1x128xi32, #tpu.memory_space<vmem>>
    %dma_start3A_20 = tpu.memref_squeeze %dma_start3A_19 : memref<1x128xi32, #tpu.memory_space<vmem>> -> memref<128xi32, #tpu.memory_space<vmem>>
    %dma_start3A_21 = arith.constant 0 : i32
    %dma_start3A_22 = arith.constant 0 : i32
    %dma_start3A_23 = tpu.memref_slice %arg2[%dma_start3A_21, %dma_start3A_22] : memref<10000x128xf32, #tpu.memory_space<hbm>> -> memref<10000x128xf32, #tpu.memory_space<hbm>>
    tpu.enqueue_indirect_dma source(%dma_start3A_23 : memref<10000x128xf32, #tpu.memory_space<hbm>>) target(%arg6 : memref<128x128xf32, #tpu.memory_space<vmem>>) offsets(%dma_start3A_20 : memref<128xi32, #tpu.memory_space<vmem>>) semaphore(%arg7 : memref<!tpu.dma_semaphore, #tpu.memory_space<semaphore_mem>>)
    %dma_wait3A_24 = arith.constant 1 : i32
    %dma_wait3A_25 = arith.constant 0 : i32
    %dma_wait3A_26 = tpu.memref_slice %arg5[%dma_wait3A_24, %dma_wait3A_25] : memref<8x128xi32, #tpu.memory_space<vmem>> -> memref<1x128xi32, #tpu.memory_space<vmem>>
    %dma_wait3A_27 = tpu.memref_squeeze %dma_wait3A_26 : memref<1x128xi32, #tpu.memory_space<vmem>> -> memref<128xi32, #tpu.memory_space<vmem>>
    %dma_wait3A_28 = arith.constant 0 : i32
    %dma_wait3A_29 = arith.constant 0 : i32
    %dma_wait3A_30 = tpu.memref_slice %arg2[%dma_wait3A_28, %dma_wait3A_29] : memref<10000x128xf32, #tpu.memory_space<hbm>> -> memref<10000x128xf32, #tpu.memory_space<hbm>>
    tpu.wait_indirect_dma semaphore(%arg7 : memref<!tpu.dma_semaphore, #tpu.memory_space<semaphore_mem>>) src(%dma_wait3A_30 : memref<10000x128xf32, #tpu.memory_space<hbm>>) dst(%arg6 : memref<128x128xf32, #tpu.memory_space<vmem>>)
    %add3A_31 = arith.constant 128 : i32
    %add3A_32 = arith.addi %mul3A_2, %add3A_31 : i32
    %run_scoped3A_33 = arith.constant 0 : i32
    "tpu.region"() ({
      %run_scoped3A_136 = tpu.sem_alloc : memref<!tpu.dma_semaphore, #tpu.memory_space<semaphore_mem>>
      %dma_start3A_137 = arith.constant 0 : i32
      %dma_start3A_138 = tpu.memref_slice %arg4[%run_scoped3A_33, %add3A_32, %dma_start3A_137] : memref<2x16384x128xf32, #tpu.memory_space<hbm>> -> memref<1x128x128xf32, #tpu.memory_space<hbm>>
      %dma_start3A_139 = tpu.memref_squeeze %dma_start3A_138 : memref<1x128x128xf32, #tpu.memory_space<hbm>> -> memref<128x128xf32, #tpu.memory_space<hbm>>
      %dma_start3A_140 = arith.constant 0 : i32
      %dma_start3A_141 = tpu.memref_slice %arg4[%run_scoped3A_33, %add3A_32, %dma_start3A_140] : memref<2x16384x128xf32, #tpu.memory_space<hbm>> -> memref<1x128x128xf32, #tpu.memory_space<hbm>>
      %dma_start3A_142 = tpu.memref_squeeze %dma_start3A_141 : memref<1x128x128xf32, #tpu.memory_space<hbm>> -> memref<128x128xf32, #tpu.memory_space<hbm>>
      tpu.enqueue_dma source(%arg6 : memref<128x128xf32, #tpu.memory_space<vmem>>) target(%dma_start3A_142 : memref<128x128xf32, #tpu.memory_space<hbm>>) target_semaphore(%run_scoped3A_136 : memref<!tpu.dma_semaphore, #tpu.memory_space<semaphore_mem>>)
      %dma_wait3A_143 = arith.constant 0 : i32
      %dma_wait3A_144 = tpu.memref_slice %arg4[%run_scoped3A_33, %add3A_32, %dma_wait3A_143] : memref<2x16384x128xf32, #tpu.memory_space<hbm>> -> memref<1x128x128xf32, #tpu.memory_space<hbm>>
      %dma_wait3A_145 = tpu.memref_squeeze %dma_wait3A_144 : memref<1x128x128xf32, #tpu.memory_space<hbm>> -> memref<128x128xf32, #tpu.memory_space<hbm>>
      %dma_wait3A_146 = arith.constant 0 : i32
      %dma_wait3A_147 = tpu.memref_slice %arg4[%run_scoped3A_33, %add3A_32, %dma_wait3A_146] : memref<2x16384x128xf32, #tpu.memory_space<hbm>> -> memref<1x128x128xf32, #tpu.memory_space<hbm>>
      %dma_wait3A_148 = tpu.memref_squeeze %dma_wait3A_147 : memref<1x128x128xf32, #tpu.memory_space<hbm>> -> memref<128x128xf32, #tpu.memory_space<hbm>>
      tpu.wait_dma2 semaphore(%run_scoped3A_136 : memref<!tpu.dma_semaphore, #tpu.memory_space<semaphore_mem>>) src(%arg6 : memref<128x128xf32, #tpu.memory_space<vmem>>) dst(%dma_wait3A_148 : memref<128x128xf32, #tpu.memory_space<hbm>>)
      tpu.yield
    }) : () -> ()
    %dma_start3A_34 = arith.constant 2 : i32
    %dma_start3A_35 = arith.constant 0 : i32
    %dma_start3A_36 = tpu.memref_slice %arg5[%dma_start3A_34, %dma_start3A_35] : memref<8x128xi32, #tpu.memory_space<vmem>> -> memref<1x128xi32, #tpu.memory_space<vmem>>
    %dma_start3A_37 = tpu.memref_squeeze %dma_start3A_36 : memref<1x128xi32, #tpu.memory_space<vmem>> -> memref<128xi32, #tpu.memory_space<vmem>>
    %dma_start3A_38 = arith.constant 0 : i32
    %dma_start3A_39 = arith.constant 0 : i32
    %dma_start3A_40 = tpu.memref_slice %arg2[%dma_start3A_38, %dma_start3A_39] : memref<10000x128xf32, #tpu.memory_space<hbm>> -> memref<10000x128xf32, #tpu.memory_space<hbm>>
    tpu.enqueue_indirect_dma source(%dma_start3A_40 : memref<10000x128xf32, #tpu.memory_space<hbm>>) target(%arg6 : memref<128x128xf32, #tpu.memory_space<vmem>>) offsets(%dma_start3A_37 : memref<128xi32, #tpu.memory_space<vmem>>) semaphore(%arg7 : memref<!tpu.dma_semaphore, #tpu.memory_space<semaphore_mem>>)
    %dma_wait3A_41 = arith.constant 2 : i32
    %dma_wait3A_42 = arith.constant 0 : i32
    %dma_wait3A_43 = tpu.memref_slice %arg5[%dma_wait3A_41, %dma_wait3A_42] : memref<8x128xi32, #tpu.memory_space<vmem>> -> memref<1x128xi32, #tpu.memory_space<vmem>>
    %dma_wait3A_44 = tpu.memref_squeeze %dma_wait3A_43 : memref<1x128xi32, #tpu.memory_space<vmem>> -> memref<128xi32, #tpu.memory_space<vmem>>
    %dma_wait3A_45 = arith.constant 0 : i32
    %dma_wait3A_46 = arith.constant 0 : i32
    %dma_wait3A_47 = tpu.memref_slice %arg2[%dma_wait3A_45, %dma_wait3A_46] : memref<10000x128xf32, #tpu.memory_space<hbm>> -> memref<10000x128xf32, #tpu.memory_space<hbm>>
    tpu.wait_indirect_dma semaphore(%arg7 : memref<!tpu.dma_semaphore, #tpu.memory_space<semaphore_mem>>) src(%dma_wait3A_47 : memref<10000x128xf32, #tpu.memory_space<hbm>>) dst(%arg6 : memref<128x128xf32, #tpu.memory_space<vmem>>)
    %add3A_48 = arith.constant 256 : i32
    %add3A_49 = arith.addi %mul3A_2, %add3A_48 : i32
    %run_scoped3A_50 = arith.constant 0 : i32
    "tpu.region"() ({
      %run_scoped3A_136 = tpu.sem_alloc : memref<!tpu.dma_semaphore, #tpu.memory_space<semaphore_mem>>
      %dma_start3A_137 = arith.constant 0 : i32
      %dma_start3A_138 = tpu.memref_slice %arg4[%run_scoped3A_50, %add3A_49, %dma_start3A_137] : memref<2x16384x128xf32, #tpu.memory_space<hbm>> -> memref<1x128x128xf32, #tpu.memory_space<hbm>>
      %dma_start3A_139 = tpu.memref_squeeze %dma_start3A_138 : memref<1x128x128xf32, #tpu.memory_space<hbm>> -> memref<128x128xf32, #tpu.memory_space<hbm>>
      %dma_start3A_140 = arith.constant 0 : i32
      %dma_start3A_141 = tpu.memref_slice %arg4[%run_scoped3A_50, %add3A_49, %dma_start3A_140] : memref<2x16384x128xf32, #tpu.memory_space<hbm>> -> memref<1x128x128xf32, #tpu.memory_space<hbm>>
      %dma_start3A_142 = tpu.memref_squeeze %dma_start3A_141 : memref<1x128x128xf32, #tpu.memory_space<hbm>> -> memref<128x128xf32, #tpu.memory_space<hbm>>
      tpu.enqueue_dma source(%arg6 : memref<128x128xf32, #tpu.memory_space<vmem>>) target(%dma_start3A_142 : memref<128x128xf32, #tpu.memory_space<hbm>>) target_semaphore(%run_scoped3A_136 : memref<!tpu.dma_semaphore, #tpu.memory_space<semaphore_mem>>)
      %dma_wait3A_143 = arith.constant 0 : i32
      %dma_wait3A_144 = tpu.memref_slice %arg4[%run_scoped3A_50, %add3A_49, %dma_wait3A_143] : memref<2x16384x128xf32, #tpu.memory_space<hbm>> -> memref<1x128x128xf32, #tpu.memory_space<hbm>>
      %dma_wait3A_145 = tpu.memref_squeeze %dma_wait3A_144 : memref<1x128x128xf32, #tpu.memory_space<hbm>> -> memref<128x128xf32, #tpu.memory_space<hbm>>
      %dma_wait3A_146 = arith.constant 0 : i32
      %dma_wait3A_147 = tpu.memref_slice %arg4[%run_scoped3A_50, %add3A_49, %dma_wait3A_146] : memref<2x16384x128xf32, #tpu.memory_space<hbm>> -> memref<1x128x128xf32, #tpu.memory_space<hbm>>
      %dma_wait3A_148 = tpu.memref_squeeze %dma_wait3A_147 : memref<1x128x128xf32, #tpu.memory_space<hbm>> -> memref<128x128xf32, #tpu.memory_space<hbm>>
      tpu.wait_dma2 semaphore(%run_scoped3A_136 : memref<!tpu.dma_semaphore, #tpu.memory_space<semaphore_mem>>) src(%arg6 : memref<128x128xf32, #tpu.memory_space<vmem>>) dst(%dma_wait3A_148 : memref<128x128xf32, #tpu.memory_space<hbm>>)
      tpu.yield
    }) : () -> ()
    %dma_start3A_51 = arith.constant 3 : i32
    %dma_start3A_52 = arith.constant 0 : i32
    %dma_start3A_53 = tpu.memref_slice %arg5[%dma_start3A_51, %dma_start3A_52] : memref<8x128xi32, #tpu.memory_space<vmem>> -> memref<1x128xi32, #tpu.memory_space<vmem>>
    %dma_start3A_54 = tpu.memref_squeeze %dma_start3A_53 : memref<1x128xi32, #tpu.memory_space<vmem>> -> memref<128xi32, #tpu.memory_space<vmem>>
    %dma_start3A_55 = arith.constant 0 : i32
    %dma_start3A_56 = arith.constant 0 : i32
    %dma_start3A_57 = tpu.memref_slice %arg2[%dma_start3A_55, %dma_start3A_56] : memref<10000x128xf32, #tpu.memory_space<hbm>> -> memref<10000x128xf32, #tpu.memory_space<hbm>>
    tpu.enqueue_indirect_dma source(%dma_start3A_57 : memref<10000x128xf32, #tpu.memory_space<hbm>>) target(%arg6 : memref<128x128xf32, #tpu.memory_space<vmem>>) offsets(%dma_start3A_54 : memref<128xi32, #tpu.memory_space<vmem>>) semaphore(%arg7 : memref<!tpu.dma_semaphore, #tpu.memory_space<semaphore_mem>>)
    %dma_wait3A_58 = arith.constant 3 : i32
    %dma_wait3A_59 = arith.constant 0 : i32
    %dma_wait3A_60 = tpu.memref_slice %arg5[%dma_wait3A_58, %dma_wait3A_59] : memref<8x128xi32, #tpu.memory_space<vmem>> -> memref<1x128xi32, #tpu.memory_space<vmem>>
    %dma_wait3A_61 = tpu.memref_squeeze %dma_wait3A_60 : memref<1x128xi32, #tpu.memory_space<vmem>> -> memref<128xi32, #tpu.memory_space<vmem>>
    %dma_wait3A_62 = arith.constant 0 : i32
    %dma_wait3A_63 = arith.constant 0 : i32
    %dma_wait3A_64 = tpu.memref_slice %arg2[%dma_wait3A_62, %dma_wait3A_63] : memref<10000x128xf32, #tpu.memory_space<hbm>> -> memref<10000x128xf32, #tpu.memory_space<hbm>>
    tpu.wait_indirect_dma semaphore(%arg7 : memref<!tpu.dma_semaphore, #tpu.memory_space<semaphore_mem>>) src(%dma_wait3A_64 : memref<10000x128xf32, #tpu.memory_space<hbm>>) dst(%arg6 : memref<128x128xf32, #tpu.memory_space<vmem>>)
    %add3A_65 = arith.constant 384 : i32
    %add3A_66 = arith.addi %mul3A_2, %add3A_65 : i32
    %run_scoped3A_67 = arith.constant 0 : i32
    "tpu.region"() ({
      %run_scoped3A_136 = tpu.sem_alloc : memref<!tpu.dma_semaphore, #tpu.memory_space<semaphore_mem>>
      %dma_start3A_137 = arith.constant 0 : i32
      %dma_start3A_138 = tpu.memref_slice %arg4[%run_scoped3A_67, %add3A_66, %dma_start3A_137] : memref<2x16384x128xf32, #tpu.memory_space<hbm>> -> memref<1x128x128xf32, #tpu.memory_space<hbm>>
      %dma_start3A_139 = tpu.memref_squeeze %dma_start3A_138 : memref<1x128x128xf32, #tpu.memory_space<hbm>> -> memref<128x128xf32, #tpu.memory_space<hbm>>
      %dma_start3A_140 = arith.constant 0 : i32
      %dma_start3A_141 = tpu.memref_slice %arg4[%run_scoped3A_67, %add3A_66, %dma_start3A_140] : memref<2x16384x128xf32, #tpu.memory_space<hbm>> -> memref<1x128x128xf32, #tpu.memory_space<hbm>>
      %dma_start3A_142 = tpu.memref_squeeze %dma_start3A_141 : memref<1x128x128xf32, #tpu.memory_space<hbm>> -> memref<128x128xf32, #tpu.memory_space<hbm>>
      tpu.enqueue_dma source(%arg6 : memref<128x128xf32, #tpu.memory_space<vmem>>) target(%dma_start3A_142 : memref<128x128xf32, #tpu.memory_space<hbm>>) target_semaphore(%run_scoped3A_136 : memref<!tpu.dma_semaphore, #tpu.memory_space<semaphore_mem>>)
      %dma_wait3A_143 = arith.constant 0 : i32
      %dma_wait3A_144 = tpu.memref_slice %arg4[%run_scoped3A_67, %add3A_66, %dma_wait3A_143] : memref<2x16384x128xf32, #tpu.memory_space<hbm>> -> memref<1x128x128xf32, #tpu.memory_space<hbm>>
      %dma_wait3A_145 = tpu.memref_squeeze %dma_wait3A_144 : memref<1x128x128xf32, #tpu.memory_space<hbm>> -> memref<128x128xf32, #tpu.memory_space<hbm>>
      %dma_wait3A_146 = arith.constant 0 : i32
      %dma_wait3A_147 = tpu.memref_slice %arg4[%run_scoped3A_67, %add3A_66, %dma_wait3A_146] : memref<2x16384x128xf32, #tpu.memory_space<hbm>> -> memref<1x128x128xf32, #tpu.memory_space<hbm>>
      %dma_wait3A_148 = tpu.memref_squeeze %dma_wait3A_147 : memref<1x128x128xf32, #tpu.memory_space<hbm>> -> memref<128x128xf32, #tpu.memory_space<hbm>>
      tpu.wait_dma2 semaphore(%run_scoped3A_136 : memref<!tpu.dma_semaphore, #tpu.memory_space<semaphore_mem>>) src(%arg6 : memref<128x128xf32, #tpu.memory_space<vmem>>) dst(%dma_wait3A_148 : memref<128x128xf32, #tpu.memory_space<hbm>>)
      tpu.yield
    }) : () -> ()
    %dma_start3A_68 = arith.constant 4 : i32
    %dma_start3A_69 = arith.constant 0 : i32
    %dma_start3A_70 = tpu.memref_slice %arg5[%dma_start3A_68, %dma_start3A_69] : memref<8x128xi32, #tpu.memory_space<vmem>> -> memref<1x128xi32, #tpu.memory_space<vmem>>
    %dma_start3A_71 = tpu.memref_squeeze %dma_start3A_70 : memref<1x128xi32, #tpu.memory_space<vmem>> -> memref<128xi32, #tpu.memory_space<vmem>>
    %dma_start3A_72 = arith.constant 0 : i32
    %dma_start3A_73 = arith.constant 0 : i32
    %dma_start3A_74 = tpu.memref_slice %arg2[%dma_start3A_72, %dma_start3A_73] : memref<10000x128xf32, #tpu.memory_space<hbm>> -> memref<10000x128xf32, #tpu.memory_space<hbm>>
    tpu.enqueue_indirect_dma source(%dma_start3A_74 : memref<10000x128xf32, #tpu.memory_space<hbm>>) target(%arg6 : memref<128x128xf32, #tpu.memory_space<vmem>>) offsets(%dma_start3A_71 : memref<128xi32, #tpu.memory_space<vmem>>) semaphore(%arg7 : memref<!tpu.dma_semaphore, #tpu.memory_space<semaphore_mem>>)
    %dma_wait3A_75 = arith.constant 4 : i32
    %dma_wait3A_76 = arith.constant 0 : i32
    %dma_wait3A_77 = tpu.memref_slice %arg5[%dma_wait3A_75, %dma_wait3A_76] : memref<8x128xi32, #tpu.memory_space<vmem>> -> memref<1x128xi32, #tpu.memory_space<vmem>>
    %dma_wait3A_78 = tpu.memref_squeeze %dma_wait3A_77 : memref<1x128xi32, #tpu.memory_space<vmem>> -> memref<128xi32, #tpu.memory_space<vmem>>
    %dma_wait3A_79 = arith.constant 0 : i32
    %dma_wait3A_80 = arith.constant 0 : i32
    %dma_wait3A_81 = tpu.memref_slice %arg2[%dma_wait3A_79, %dma_wait3A_80] : memref<10000x128xf32, #tpu.memory_space<hbm>> -> memref<10000x128xf32, #tpu.memory_space<hbm>>
    tpu.wait_indirect_dma semaphore(%arg7 : memref<!tpu.dma_semaphore, #tpu.memory_space<semaphore_mem>>) src(%dma_wait3A_81 : memref<10000x128xf32, #tpu.memory_space<hbm>>) dst(%arg6 : memref<128x128xf32, #tpu.memory_space<vmem>>)
    %add3A_82 = arith.constant 0 : i32
    %add3A_83 = arith.addi %mul3A_2, %add3A_82 : i32
    %run_scoped3A_84 = arith.constant 1 : i32
    "tpu.region"() ({
      %run_scoped3A_136 = tpu.sem_alloc : memref<!tpu.dma_semaphore, #tpu.memory_space<semaphore_mem>>
      %dma_start3A_137 = arith.constant 0 : i32
      %dma_start3A_138 = tpu.memref_slice %arg4[%run_scoped3A_84, %add3A_83, %dma_start3A_137] : memref<2x16384x128xf32, #tpu.memory_space<hbm>> -> memref<1x128x128xf32, #tpu.memory_space<hbm>>
      %dma_start3A_139 = tpu.memref_squeeze %dma_start3A_138 : memref<1x128x128xf32, #tpu.memory_space<hbm>> -> memref<128x128xf32, #tpu.memory_space<hbm>>
      %dma_start3A_140 = arith.constant 0 : i32
      %dma_start3A_141 = tpu.memref_slice %arg4[%run_scoped3A_84, %add3A_83, %dma_start3A_140] : memref<2x16384x128xf32, #tpu.memory_space<hbm>> -> memref<1x128x128xf32, #tpu.memory_space<hbm>>
      %dma_start3A_142 = tpu.memref_squeeze %dma_start3A_141 : memref<1x128x128xf32, #tpu.memory_space<hbm>> -> memref<128x128xf32, #tpu.memory_space<hbm>>
      tpu.enqueue_dma source(%arg6 : memref<128x128xf32, #tpu.memory_space<vmem>>) target(%dma_start3A_142 : memref<128x128xf32, #tpu.memory_space<hbm>>) target_semaphore(%run_scoped3A_136 : memref<!tpu.dma_semaphore, #tpu.memory_space<semaphore_mem>>)
      %dma_wait3A_143 = arith.constant 0 : i32
      %dma_wait3A_144 = tpu.memref_slice %arg4[%run_scoped3A_84, %add3A_83, %dma_wait3A_143] : memref<2x16384x128xf32, #tpu.memory_space<hbm>> -> memref<1x128x128xf32, #tpu.memory_space<hbm>>
      %dma_wait3A_145 = tpu.memref_squeeze %dma_wait3A_144 : memref<1x128x128xf32, #tpu.memory_space<hbm>> -> memref<128x128xf32, #tpu.memory_space<hbm>>
      %dma_wait3A_146 = arith.constant 0 : i32
      %dma_wait3A_147 = tpu.memref_slice %arg4[%run_scoped3A_84, %add3A_83, %dma_wait3A_146] : memref<2x16384x128xf32, #tpu.memory_space<hbm>> -> memref<1x128x128xf32, #tpu.memory_space<hbm>>
      %dma_wait3A_148 = tpu.memref_squeeze %dma_wait3A_147 : memref<1x128x128xf32, #tpu.memory_space<hbm>> -> memref<128x128xf32, #tpu.memory_space<hbm>>
      tpu.wait_dma2 semaphore(%run_scoped3A_136 : memref<!tpu.dma_semaphore, #tpu.memory_space<semaphore_mem>>) src(%arg6 : memref<128x128xf32, #tpu.memory_space<vmem>>) dst(%dma_wait3A_148 : memref<128x128xf32, #tpu.memory_space<hbm>>)
      tpu.yield
    }) : () -> ()
    %dma_start3A_85 = arith.constant 5 : i32
    %dma_start3A_86 = arith.constant 0 : i32
    %dma_start3A_87 = tpu.memref_slice %arg5[%dma_start3A_85, %dma_start3A_86] : memref<8x128xi32, #tpu.memory_space<vmem>> -> memref<1x128xi32, #tpu.memory_space<vmem>>
    %dma_start3A_88 = tpu.memref_squeeze %dma_start3A_87 : memref<1x128xi32, #tpu.memory_space<vmem>> -> memref<128xi32, #tpu.memory_space<vmem>>
    %dma_start3A_89 = arith.constant 0 : i32
    %dma_start3A_90 = arith.constant 0 : i32
    %dma_start3A_91 = tpu.memref_slice %arg2[%dma_start3A_89, %dma_start3A_90] : memref<10000x128xf32, #tpu.memory_space<hbm>> -> memref<10000x128xf32, #tpu.memory_space<hbm>>
    tpu.enqueue_indirect_dma source(%dma_start3A_91 : memref<10000x128xf32, #tpu.memory_space<hbm>>) target(%arg6 : memref<128x128xf32, #tpu.memory_space<vmem>>) offsets(%dma_start3A_88 : memref<128xi32, #tpu.memory_space<vmem>>) semaphore(%arg7 : memref<!tpu.dma_semaphore, #tpu.memory_space<semaphore_mem>>)
    %dma_wait3A_92 = arith.constant 5 : i32
    %dma_wait3A_93 = arith.constant 0 : i32
    %dma_wait3A_94 = tpu.memref_slice %arg5[%dma_wait3A_92, %dma_wait3A_93] : memref<8x128xi32, #tpu.memory_space<vmem>> -> memref<1x128xi32, #tpu.memory_space<vmem>>
    %dma_wait3A_95 = tpu.memref_squeeze %dma_wait3A_94 : memref<1x128xi32, #tpu.memory_space<vmem>> -> memref<128xi32, #tpu.memory_space<vmem>>
    %dma_wait3A_96 = arith.constant 0 : i32
    %dma_wait3A_97 = arith.constant 0 : i32
    %dma_wait3A_98 = tpu.memref_slice %arg2[%dma_wait3A_96, %dma_wait3A_97] : memref<10000x128xf32, #tpu.memory_space<hbm>> -> memref<10000x128xf32, #tpu.memory_space<hbm>>
    tpu.wait_indirect_dma semaphore(%arg7 : memref<!tpu.dma_semaphore, #tpu.memory_space<semaphore_mem>>) src(%dma_wait3A_98 : memref<10000x128xf32, #tpu.memory_space<hbm>>) dst(%arg6 : memref<128x128xf32, #tpu.memory_space<vmem>>)
    %add3A_99 = arith.constant 128 : i32
    %add3A_100 = arith.addi %mul3A_2, %add3A_99 : i32
    %run_scoped3A_101 = arith.constant 1 : i32
    "tpu.region"() ({
      %run_scoped3A_136 = tpu.sem_alloc : memref<!tpu.dma_semaphore, #tpu.memory_space<semaphore_mem>>
      %dma_start3A_137 = arith.constant 0 : i32
      %dma_start3A_138 = tpu.memref_slice %arg4[%run_scoped3A_101, %add3A_100, %dma_start3A_137] : memref<2x16384x128xf32, #tpu.memory_space<hbm>> -> memref<1x128x128xf32, #tpu.memory_space<hbm>>
      %dma_start3A_139 = tpu.memref_squeeze %dma_start3A_138 : memref<1x128x128xf32, #tpu.memory_space<hbm>> -> memref<128x128xf32, #tpu.memory_space<hbm>>
      %dma_start3A_140 = arith.constant 0 : i32
      %dma_start3A_141 = tpu.memref_slice %arg4[%run_scoped3A_101, %add3A_100, %dma_start3A_140] : memref<2x16384x128xf32, #tpu.memory_space<hbm>> -> memref<1x128x128xf32, #tpu.memory_space<hbm>>
      %dma_start3A_142 = tpu.memref_squeeze %dma_start3A_141 : memref<1x128x128xf32, #tpu.memory_space<hbm>> -> memref<128x128xf32, #tpu.memory_space<hbm>>
      tpu.enqueue_dma source(%arg6 : memref<128x128xf32, #tpu.memory_space<vmem>>) target(%dma_start3A_142 : memref<128x128xf32, #tpu.memory_space<hbm>>) target_semaphore(%run_scoped3A_136 : memref<!tpu.dma_semaphore, #tpu.memory_space<semaphore_mem>>)
      %dma_wait3A_143 = arith.constant 0 : i32
      %dma_wait3A_144 = tpu.memref_slice %arg4[%run_scoped3A_101, %add3A_100, %dma_wait3A_143] : memref<2x16384x128xf32, #tpu.memory_space<hbm>> -> memref<1x128x128xf32, #tpu.memory_space<hbm>>
      %dma_wait3A_145 = tpu.memref_squeeze %dma_wait3A_144 : memref<1x128x128xf32, #tpu.memory_space<hbm>> -> memref<128x128xf32, #tpu.memory_space<hbm>>
      %dma_wait3A_146 = arith.constant 0 : i32
      %dma_wait3A_147 = tpu.memref_slice %arg4[%run_scoped3A_101, %add3A_100, %dma_wait3A_146] : memref<2x16384x128xf32, #tpu.memory_space<hbm>> -> memref<1x128x128xf32, #tpu.memory_space<hbm>>
      %dma_wait3A_148 = tpu.memref_squeeze %dma_wait3A_147 : memref<1x128x128xf32, #tpu.memory_space<hbm>> -> memref<128x128xf32, #tpu.memory_space<hbm>>
      tpu.wait_dma2 semaphore(%run_scoped3A_136 : memref<!tpu.dma_semaphore, #tpu.memory_space<semaphore_mem>>) src(%arg6 : memref<128x128xf32, #tpu.memory_space<vmem>>) dst(%dma_wait3A_148 : memref<128x128xf32, #tpu.memory_space<hbm>>)
      tpu.yield
    }) : () -> ()
    %dma_start3A_102 = arith.constant 6 : i32
    %dma_start3A_103 = arith.constant 0 : i32
    %dma_start3A_104 = tpu.memref_slice %arg5[%dma_start3A_102, %dma_start3A_103] : memref<8x128xi32, #tpu.memory_space<vmem>> -> memref<1x128xi32, #tpu.memory_space<vmem>>
    %dma_start3A_105 = tpu.memref_squeeze %dma_start3A_104 : memref<1x128xi32, #tpu.memory_space<vmem>> -> memref<128xi32, #tpu.memory_space<vmem>>
    %dma_start3A_106 = arith.constant 0 : i32
    %dma_start3A_107 = arith.constant 0 : i32
    %dma_start3A_108 = tpu.memref_slice %arg2[%dma_start3A_106, %dma_start3A_107] : memref<10000x128xf32, #tpu.memory_space<hbm>> -> memref<10000x128xf32, #tpu.memory_space<hbm>>
    tpu.enqueue_indirect_dma source(%dma_start3A_108 : memref<10000x128xf32, #tpu.memory_space<hbm>>) target(%arg6 : memref<128x128xf32, #tpu.memory_space<vmem>>) offsets(%dma_start3A_105 : memref<128xi32, #tpu.memory_space<vmem>>) semaphore(%arg7 : memref<!tpu.dma_semaphore, #tpu.memory_space<semaphore_mem>>)
    %dma_wait3A_109 = arith.constant 6 : i32
    %dma_wait3A_110 = arith.constant 0 : i32
    %dma_wait3A_111 = tpu.memref_slice %arg5[%dma_wait3A_109, %dma_wait3A_110] : memref<8x128xi32, #tpu.memory_space<vmem>> -> memref<1x128xi32, #tpu.memory_space<vmem>>
    %dma_wait3A_112 = tpu.memref_squeeze %dma_wait3A_111 : memref<1x128xi32, #tpu.memory_space<vmem>> -> memref<128xi32, #tpu.memory_space<vmem>>
    %dma_wait3A_113 = arith.constant 0 : i32
    %dma_wait3A_114 = arith.constant 0 : i32
    %dma_wait3A_115 = tpu.memref_slice %arg2[%dma_wait3A_113, %dma_wait3A_114] : memref<10000x128xf32, #tpu.memory_space<hbm>> -> memref<10000x128xf32, #tpu.memory_space<hbm>>
    tpu.wait_indirect_dma semaphore(%arg7 : memref<!tpu.dma_semaphore, #tpu.memory_space<semaphore_mem>>) src(%dma_wait3A_115 : memref<10000x128xf32, #tpu.memory_space<hbm>>) dst(%arg6 : memref<128x128xf32, #tpu.memory_space<vmem>>)
    %add3A_116 = arith.constant 256 : i32
    %add3A_117 = arith.addi %mul3A_2, %add3A_116 : i32
    %run_scoped3A_118 = arith.constant 1 : i32
    "tpu.region"() ({
      %run_scoped3A_136 = tpu.sem_alloc : memref<!tpu.dma_semaphore, #tpu.memory_space<semaphore_mem>>
      %dma_start3A_137 = arith.constant 0 : i32
      %dma_start3A_138 = tpu.memref_slice %arg4[%run_scoped3A_118, %add3A_117, %dma_start3A_137] : memref<2x16384x128xf32, #tpu.memory_space<hbm>> -> memref<1x128x128xf32, #tpu.memory_space<hbm>>
      %dma_start3A_139 = tpu.memref_squeeze %dma_start3A_138 : memref<1x128x128xf32, #tpu.memory_space<hbm>> -> memref<128x128xf32, #tpu.memory_space<hbm>>
      %dma_start3A_140 = arith.constant 0 : i32
      %dma_start3A_141 = tpu.memref_slice %arg4[%run_scoped3A_118, %add3A_117, %dma_start3A_140] : memref<2x16384x128xf32, #tpu.memory_space<hbm>> -> memref<1x128x128xf32, #tpu.memory_space<hbm>>
      %dma_start3A_142 = tpu.memref_squeeze %dma_start3A_141 : memref<1x128x128xf32, #tpu.memory_space<hbm>> -> memref<128x128xf32, #tpu.memory_space<hbm>>
      tpu.enqueue_dma source(%arg6 : memref<128x128xf32, #tpu.memory_space<vmem>>) target(%dma_start3A_142 : memref<128x128xf32, #tpu.memory_space<hbm>>) target_semaphore(%run_scoped3A_136 : memref<!tpu.dma_semaphore, #tpu.memory_space<semaphore_mem>>)
      %dma_wait3A_143 = arith.constant 0 : i32
      %dma_wait3A_144 = tpu.memref_slice %arg4[%run_scoped3A_118, %add3A_117, %dma_wait3A_143] : memref<2x16384x128xf32, #tpu.memory_space<hbm>> -> memref<1x128x128xf32, #tpu.memory_space<hbm>>
      %dma_wait3A_145 = tpu.memref_squeeze %dma_wait3A_144 : memref<1x128x128xf32, #tpu.memory_space<hbm>> -> memref<128x128xf32, #tpu.memory_space<hbm>>
      %dma_wait3A_146 = arith.constant 0 : i32
      %dma_wait3A_147 = tpu.memref_slice %arg4[%run_scoped3A_118, %add3A_117, %dma_wait3A_146] : memref<2x16384x128xf32, #tpu.memory_space<hbm>> -> memref<1x128x128xf32, #tpu.memory_space<hbm>>
      %dma_wait3A_148 = tpu.memref_squeeze %dma_wait3A_147 : memref<1x128x128xf32, #tpu.memory_space<hbm>> -> memref<128x128xf32, #tpu.memory_space<hbm>>
      tpu.wait_dma2 semaphore(%run_scoped3A_136 : memref<!tpu.dma_semaphore, #tpu.memory_space<semaphore_mem>>) src(%arg6 : memref<128x128xf32, #tpu.memory_space<vmem>>) dst(%dma_wait3A_148 : memref<128x128xf32, #tpu.memory_space<hbm>>)
      tpu.yield
    }) : () -> ()
    %dma_start3A_119 = arith.constant 7 : i32
    %dma_start3A_120 = arith.constant 0 : i32
    %dma_start3A_121 = tpu.memref_slice %arg5[%dma_start3A_119, %dma_start3A_120] : memref<8x128xi32, #tpu.memory_space<vmem>> -> memref<1x128xi32, #tpu.memory_space<vmem>>
    %dma_start3A_122 = tpu.memref_squeeze %dma_start3A_121 : memref<1x128xi32, #tpu.memory_space<vmem>> -> memref<128xi32, #tpu.memory_space<vmem>>
    %dma_start3A_123 = arith.constant 0 : i32
    %dma_start3A_124 = arith.constant 0 : i32
    %dma_start3A_125 = tpu.memref_slice %arg2[%dma_start3A_123, %dma_start3A_124] : memref<10000x128xf32, #tpu.memory_space<hbm>> -> memref<10000x128xf32, #tpu.memory_space<hbm>>
    tpu.enqueue_indirect_dma source(%dma_start3A_125 : memref<10000x128xf32, #tpu.memory_space<hbm>>) target(%arg6 : memref<128x128xf32, #tpu.memory_space<vmem>>) offsets(%dma_start3A_122 : memref<128xi32, #tpu.memory_space<vmem>>) semaphore(%arg7 : memref<!tpu.dma_semaphore, #tpu.memory_space<semaphore_mem>>)
    %dma_wait3A_126 = arith.constant 7 : i32
    %dma_wait3A_127 = arith.constant 0 : i32
    %dma_wait3A_128 = tpu.memref_slice %arg5[%dma_wait3A_126, %dma_wait3A_127] : memref<8x128xi32, #tpu.memory_space<vmem>> -> memref<1x128xi32, #tpu.memory_space<vmem>>
    %dma_wait3A_129 = tpu.memref_squeeze %dma_wait3A_128 : memref<1x128xi32, #tpu.memory_space<vmem>> -> memref<128xi32, #tpu.memory_space<vmem>>
    %dma_wait3A_130 = arith.constant 0 : i32
    %dma_wait3A_131 = arith.constant 0 : i32
    %dma_wait3A_132 = tpu.memref_slice %arg2[%dma_wait3A_130, %dma_wait3A_131] : memref<10000x128xf32, #tpu.memory_space<hbm>> -> memref<10000x128xf32, #tpu.memory_space<hbm>>
    tpu.wait_indirect_dma semaphore(%arg7 : memref<!tpu.dma_semaphore, #tpu.memory_space<semaphore_mem>>) src(%dma_wait3A_132 : memref<10000x128xf32, #tpu.memory_space<hbm>>) dst(%arg6 : memref<128x128xf32, #tpu.memory_space<vmem>>)
    %add3A_133 = arith.constant 384 : i32
    %add3A_134 = arith.addi %mul3A_2, %add3A_133 : i32
    %run_scoped3A_135 = arith.constant 1 : i32
    "tpu.region"() ({
      %run_scoped3A_136 = tpu.sem_alloc : memref<!tpu.dma_semaphore, #tpu.memory_space<semaphore_mem>>
      %dma_start3A_137 = arith.constant 0 : i32
      %dma_start3A_138 = tpu.memref_slice %arg4[%run_scoped3A_135, %add3A_134, %dma_start3A_137] : memref<2x16384x128xf32, #tpu.memory_space<hbm>> -> memref<1x128x128xf32, #tpu.memory_space<hbm>>
      %dma_start3A_139 = tpu.memref_squeeze %dma_start3A_138 : memref<1x128x128xf32, #tpu.memory_space<hbm>> -> memref<128x128xf32, #tpu.memory_space<hbm>>
      %dma_start3A_140 = arith.constant 0 : i32
      %dma_start3A_141 = tpu.memref_slice %arg4[%run_scoped3A_135, %add3A_134, %dma_start3A_140] : memref<2x16384x128xf32, #tpu.memory_space<hbm>> -> memref<1x128x128xf32, #tpu.memory_space<hbm>>
      %dma_start3A_142 = tpu.memref_squeeze %dma_start3A_141 : memref<1x128x128xf32, #tpu.memory_space<hbm>> -> memref<128x128xf32, #tpu.memory_space<hbm>>
      tpu.enqueue_dma source(%arg6 : memref<128x128xf32, #tpu.memory_space<vmem>>) target(%dma_start3A_142 : memref<128x128xf32, #tpu.memory_space<hbm>>) target_semaphore(%run_scoped3A_136 : memref<!tpu.dma_semaphore, #tpu.memory_space<semaphore_mem>>)
      %dma_wait3A_143 = arith.constant 0 : i32
      %dma_wait3A_144 = tpu.memref_slice %arg4[%run_scoped3A_135, %add3A_134, %dma_wait3A_143] : memref<2x16384x128xf32, #tpu.memory_space<hbm>> -> memref<1x128x128xf32, #tpu.memory_space<hbm>>
      %dma_wait3A_145 = tpu.memref_squeeze %dma_wait3A_144 : memref<1x128x128xf32, #tpu.memory_space<hbm>> -> memref<128x128xf32, #tpu.memory_space<hbm>>
      %dma_wait3A_146 = arith.constant 0 : i32
      %dma_wait3A_147 = tpu.memref_slice %arg4[%run_scoped3A_135, %add3A_134, %dma_wait3A_146] : memref<2x16384x128xf32, #tpu.memory_space<hbm>> -> memref<1x128x128xf32, #tpu.memory_space<hbm>>
      %dma_wait3A_148 = tpu.memref_squeeze %dma_wait3A_147 : memref<1x128x128xf32, #tpu.memory_space<hbm>> -> memref<128x128xf32, #tpu.memory_space<hbm>>
      tpu.wait_dma2 semaphore(%run_scoped3A_136 : memref<!tpu.dma_semaphore, #tpu.memory_space<semaphore_mem>>) src(%arg6 : memref<128x128xf32, #tpu.memory_space<vmem>>) dst(%dma_wait3A_148 : memref<128x128xf32, #tpu.memory_space<hbm>>)
      tpu.yield
    }) : () -> ()
    return
  }
}

#map = affine_map<(d0, d1) -> (0, 0)>
#map1 = affine_map<(d0, d1) -> (0, 0, 0)>
module attributes {stable_mosaic.version = 14 : i64} {
  func.func @sc_segsum(%arg0: i32, %arg1: i32, %arg2: memref<10000x128xf32, #tpu.memory_space<hbm>>, %arg3: memref<32x80x128xi32, #tpu.memory_space<hbm>>, %arg4: memref<2x10240x128xf32, #tpu.memory_space<hbm>>, %arg5: memref<80x128xi32, #tpu.memory_space<vmem>>, %arg6: memref<128x128xf32, #tpu.memory_space<vmem>>, %arg7: memref<128x128xf32, #tpu.memory_space<vmem>>, %arg8: memref<128xi32, #tpu.memory_space<vmem>>, %arg9: memref<128xi32, #tpu.memory_space<vmem>>, %arg10: memref<128xi32, #tpu.memory_space<vmem>>, %arg11: memref<128xi32, #tpu.memory_space<vmem>>, %arg12: memref<10240x128xf32, #tpu.memory_space<vmem_shared>>, %arg13: memref<!tpu.dma_semaphore, #tpu.memory_space<semaphore_mem>>, %arg14: memref<!tpu.dma_semaphore, #tpu.memory_space<semaphore_mem>>, %arg15: memref<!tpu.dma_semaphore, #tpu.memory_space<semaphore_mem>>, %arg16: memref<!tpu.dma_semaphore, #tpu.memory_space<semaphore_mem>>) attributes {dimension_semantics = [#tpu.dimension_semantics<core_parallel>, #tpu.dimension_semantics<subcore_parallel>], iteration_bounds = array<i64: 2, 16>, scalar_prefetch = 0 : i64, scratch_operands = 12 : i64, tpu.core_type = #tpu.core_type<sc_vector_subcore>, window_params = [{transform_indices = #map}, {transform_indices = #map1}, {transform_indices = #map1}]} {
    %mul3A = arith.constant 2 : i32
    %mul3A_0 = arith.muli %arg1, %mul3A : i32
    %add3A = arith.addi %mul3A_0, %arg0 : i32
    %broadcast_in_dim3A = arith.constant 0.000000e+00 : f32
    %broadcast_in_dim3A_1 = vector.broadcast %broadcast_in_dim3A : f32 to vector<16xf32>
    "tpu.region"() ({
      %run_scoped3A = tpu.sem_alloc : memref<!tpu.dma_semaphore, #tpu.memory_space<semaphore_mem>>
      %dma_start3A_265 = arith.constant 0 : i32
      %dma_start3A_266 = arith.constant 0 : i32
      %dma_start3A_267 = tpu.memref_slice %arg3[%add3A, %dma_start3A_265, %dma_start3A_266] : memref<32x80x128xi32, #tpu.memory_space<hbm>> -> memref<1x80x128xi32, #tpu.memory_space<hbm>>
      %dma_start3A_268 = tpu.memref_squeeze %dma_start3A_267 : memref<1x80x128xi32, #tpu.memory_space<hbm>> -> memref<80x128xi32, #tpu.memory_space<hbm>>
      %dma_start3A_269 = arith.constant 0 : i32
      %dma_start3A_270 = arith.constant 0 : i32
      %dma_start3A_271 = tpu.memref_slice %arg3[%add3A, %dma_start3A_269, %dma_start3A_270] : memref<32x80x128xi32, #tpu.memory_space<hbm>> -> memref<1x80x128xi32, #tpu.memory_space<hbm>>
      %dma_start3A_272 = tpu.memref_squeeze %dma_start3A_271 : memref<1x80x128xi32, #tpu.memory_space<hbm>> -> memref<80x128xi32, #tpu.memory_space<hbm>>
      tpu.enqueue_dma source(%dma_start3A_272 : memref<80x128xi32, #tpu.memory_space<hbm>>) target(%arg5 : memref<80x128xi32, #tpu.memory_space<vmem>>) target_semaphore(%run_scoped3A : memref<!tpu.dma_semaphore, #tpu.memory_space<semaphore_mem>>)
      %dma_wait3A = arith.constant 0 : i32
      %dma_wait3A_273 = arith.constant 0 : i32
      %dma_wait3A_274 = tpu.memref_slice %arg3[%add3A, %dma_wait3A, %dma_wait3A_273] : memref<32x80x128xi32, #tpu.memory_space<hbm>> -> memref<1x80x128xi32, #tpu.memory_space<hbm>>
      %dma_wait3A_275 = tpu.memref_squeeze %dma_wait3A_274 : memref<1x80x128xi32, #tpu.memory_space<hbm>> -> memref<80x128xi32, #tpu.memory_space<hbm>>
      %dma_wait3A_276 = arith.constant 0 : i32
      %dma_wait3A_277 = arith.constant 0 : i32
      %dma_wait3A_278 = tpu.memref_slice %arg3[%add3A, %dma_wait3A_276, %dma_wait3A_277] : memref<32x80x128xi32, #tpu.memory_space<hbm>> -> memref<1x80x128xi32, #tpu.memory_space<hbm>>
      %dma_wait3A_279 = tpu.memref_squeeze %dma_wait3A_278 : memref<1x80x128xi32, #tpu.memory_space<hbm>> -> memref<80x128xi32, #tpu.memory_space<hbm>>
      tpu.wait_dma2 semaphore(%run_scoped3A : memref<!tpu.dma_semaphore, #tpu.memory_space<semaphore_mem>>) src(%dma_wait3A_279 : memref<80x128xi32, #tpu.memory_space<hbm>>) dst(%arg5 : memref<80x128xi32, #tpu.memory_space<vmem>>)
      tpu.yield
    }) : () -> ()
    %scan3A = arith.constant 0 : i32
    %scan3A_2 = arith.constant 0 : i32
    %scan3A_3 = arith.constant 128 : i32
    %scan3A_4 = arith.addi %scan3A_2, %scan3A_3 : i32
    %scan3A_5 = arith.constant 1 : i32
    %scan3A_6 = scf.for %scan3A_265 = %scan3A_2 to %scan3A_4 step %scan3A_5 iter_args(%scan3A_266 = %scan3A) -> (i32)  : i32 {
      %swap3A_267 = arith.index_cast %scan3A_265 : i32 to index
      %swap3A_268 = arith.constant 0 : index
      %swap3A_269 = tpu.vector_load %arg6[%swap3A_267, %swap3A_268] {strides = array<i32>} : memref<128x128xf32, #tpu.memory_space<vmem>>, vector<16xf32>,
      tpu.vector_store %arg6[%swap3A_267, %swap3A_268], %broadcast_in_dim3A_1 {strides = array<i32>} : memref<128x128xf32, #tpu.memory_space<vmem>>, vector<16xf32>,
      %swap3A_270 = arith.index_cast %scan3A_265 : i32 to index
      %swap3A_271 = arith.constant 16 : index
      %swap3A_272 = tpu.vector_load %arg6[%swap3A_270, %swap3A_271] {strides = array<i32>} : memref<128x128xf32, #tpu.memory_space<vmem>>, vector<16xf32>,
      tpu.vector_store %arg6[%swap3A_270, %swap3A_271], %broadcast_in_dim3A_1 {strides = array<i32>} : memref<128x128xf32, #tpu.memory_space<vmem>>, vector<16xf32>,
      %swap3A_273 = arith.index_cast %scan3A_265 : i32 to index
      %swap3A_274 = arith.constant 32 : index
      %swap3A_275 = tpu.vector_load %arg6[%swap3A_273, %swap3A_274] {strides = array<i32>} : memref<128x128xf32, #tpu.memory_space<vmem>>, vector<16xf32>,
      tpu.vector_store %arg6[%swap3A_273, %swap3A_274], %broadcast_in_dim3A_1 {strides = array<i32>} : memref<128x128xf32, #tpu.memory_space<vmem>>, vector<16xf32>,
      %swap3A_276 = arith.index_cast %scan3A_265 : i32 to index
      %swap3A_277 = arith.constant 48 : index
      %swap3A_278 = tpu.vector_load %arg6[%swap3A_276, %swap3A_277] {strides = array<i32>} : memref<128x128xf32, #tpu.memory_space<vmem>>, vector<16xf32>,
      tpu.vector_store %arg6[%swap3A_276, %swap3A_277], %broadcast_in_dim3A_1 {strides = array<i32>} : memref<128x128xf32, #tpu.memory_space<vmem>>, vector<16xf32>,
      %swap3A_279 = arith.index_cast %scan3A_265 : i32 to index
      %swap3A_280 = arith.constant 64 : index
      %swap3A_281 = tpu.vector_load %arg6[%swap3A_279, %swap3A_280] {strides = array<i32>} : memref<128x128xf32, #tpu.memory_space<vmem>>, vector<16xf32>,
      tpu.vector_store %arg6[%swap3A_279, %swap3A_280], %broadcast_in_dim3A_1 {strides = array<i32>} : memref<128x128xf32, #tpu.memory_space<vmem>>, vector<16xf32>,
      %swap3A_282 = arith.index_cast %scan3A_265 : i32 to index
      %swap3A_283 = arith.constant 80 : index
      %swap3A_284 = tpu.vector_load %arg6[%swap3A_282, %swap3A_283] {strides = array<i32>} : memref<128x128xf32, #tpu.memory_space<vmem>>, vector<16xf32>,
      tpu.vector_store %arg6[%swap3A_282, %swap3A_283], %broadcast_in_dim3A_1 {strides = array<i32>} : memref<128x128xf32, #tpu.memory_space<vmem>>, vector<16xf32>,
      %swap3A_285 = arith.index_cast %scan3A_265 : i32 to index
      %swap3A_286 = arith.constant 96 : index
      %swap3A_287 = tpu.vector_load %arg6[%swap3A_285, %swap3A_286] {strides = array<i32>} : memref<128x128xf32, #tpu.memory_space<vmem>>, vector<16xf32>,
      tpu.vector_store %arg6[%swap3A_285, %swap3A_286], %broadcast_in_dim3A_1 {strides = array<i32>} : memref<128x128xf32, #tpu.memory_space<vmem>>, vector<16xf32>,
      %swap3A_288 = arith.index_cast %scan3A_265 : i32 to index
      %swap3A_289 = arith.constant 112 : index
      %swap3A_290 = tpu.vector_load %arg6[%swap3A_288, %swap3A_289] {strides = array<i32>} : memref<128x128xf32, #tpu.memory_space<vmem>>, vector<16xf32>,
      tpu.vector_store %arg6[%swap3A_288, %swap3A_289], %broadcast_in_dim3A_1 {strides = array<i32>} : memref<128x128xf32, #tpu.memory_space<vmem>>, vector<16xf32>,
      %scan3A_291 = arith.constant 0 : i32
      scf.yield %scan3A_291 : i32
    }
    %scan3A_7 = arith.constant 128 : i32
    %mul3A_8 = arith.constant 640 : i32
    %mul3A_9 = arith.muli %arg1, %mul3A_8 : i32
    %add3A_10 = arith.constant 0 : i32
    %add3A_11 = arith.addi %mul3A_9, %add3A_10 : i32
    "tpu.region"() ({
      %run_scoped3A = tpu.sem_alloc : memref<!tpu.dma_semaphore, #tpu.memory_space<semaphore_mem>>
      %dma_start3A_265 = arith.constant 0 : i32
      %dma_start3A_266 = tpu.memref_slice %arg12[%add3A_11, %dma_start3A_265] : memref<10240x128xf32, #tpu.memory_space<vmem_shared>> -> memref<128x128xf32, #tpu.memory_space<vmem_shared>>
      %dma_start3A_267 = arith.constant 0 : i32
      %dma_start3A_268 = tpu.memref_slice %arg12[%add3A_11, %dma_start3A_267] : memref<10240x128xf32, #tpu.memory_space<vmem_shared>> -> memref<128x128xf32, #tpu.memory_space<vmem_shared>>
      tpu.enqueue_dma source(%arg6 : memref<128x128xf32, #tpu.memory_space<vmem>>) target(%dma_start3A_268 : memref<128x128xf32, #tpu.memory_space<vmem_shared>>) target_semaphore(%run_scoped3A : memref<!tpu.dma_semaphore, #tpu.memory_space<semaphore_mem>>)
      %dma_wait3A = arith.constant 0 : i32
      %dma_wait3A_269 = tpu.memref_slice %arg12[%add3A_11, %dma_wait3A] : memref<10240x128xf32, #tpu.memory_space<vmem_shared>> -> memref<128x128xf32, #tpu.memory_space<vmem_shared>>
      %dma_wait3A_270 = arith.constant 0 : i32
      %dma_wait3A_271 = tpu.memref_slice %arg12[%add3A_11, %dma_wait3A_270] : memref<10240x128xf32, #tpu.memory_space<vmem_shared>> -> memref<128x128xf32, #tpu.memory_space<vmem_shared>>
      tpu.wait_dma2 semaphore(%run_scoped3A : memref<!tpu.dma_semaphore, #tpu.memory_space<semaphore_mem>>) src(%arg6 : memref<128x128xf32, #tpu.memory_space<vmem>>) dst(%dma_wait3A_271 : memref<128x128xf32, #tpu.memory_space<vmem_shared>>)
      tpu.yield
    }) : () -> ()
    %mul3A_12 = arith.constant 640 : i32
    %mul3A_13 = arith.muli %arg1, %mul3A_12 : i32
    %add3A_14 = arith.constant 128 : i32
    %add3A_15 = arith.addi %mul3A_13, %add3A_14 : i32
    "tpu.region"() ({
      %run_scoped3A = tpu.sem_alloc : memref<!tpu.dma_semaphore, #tpu.memory_space<semaphore_mem>>
      %dma_start3A_265 = arith.constant 0 : i32
      %dma_start3A_266 = tpu.memref_slice %arg12[%add3A_15, %dma_start3A_265] : memref<10240x128xf32, #tpu.memory_space<vmem_shared>> -> memref<128x128xf32, #tpu.memory_space<vmem_shared>>
      %dma_start3A_267 = arith.constant 0 : i32
      %dma_start3A_268 = tpu.memref_slice %arg12[%add3A_15, %dma_start3A_267] : memref<10240x128xf32, #tpu.memory_space<vmem_shared>> -> memref<128x128xf32, #tpu.memory_space<vmem_shared>>
      tpu.enqueue_dma source(%arg6 : memref<128x128xf32, #tpu.memory_space<vmem>>) target(%dma_start3A_268 : memref<128x128xf32, #tpu.memory_space<vmem_shared>>) target_semaphore(%run_scoped3A : memref<!tpu.dma_semaphore, #tpu.memory_space<semaphore_mem>>)
      %dma_wait3A = arith.constant 0 : i32
      %dma_wait3A_269 = tpu.memref_slice %arg12[%add3A_15, %dma_wait3A] : memref<10240x128xf32, #tpu.memory_space<vmem_shared>> -> memref<128x128xf32, #tpu.memory_space<vmem_shared>>
      %dma_wait3A_270 = arith.constant 0 : i32
      %dma_wait3A_271 = tpu.memref_slice %arg12[%add3A_15, %dma_wait3A_270] : memref<10240x128xf32, #tpu.memory_space<vmem_shared>> -> memref<128x128xf32, #tpu.memory_space<vmem_shared>>
      tpu.wait_dma2 semaphore(%run_scoped3A : memref<!tpu.dma_semaphore, #tpu.memory_space<semaphore_mem>>) src(%arg6 : memref<128x128xf32, #tpu.memory_space<vmem>>) dst(%dma_wait3A_271 : memref<128x128xf32, #tpu.memory_space<vmem_shared>>)
      tpu.yield
    }) : () -> ()
    %mul3A_16 = arith.constant 640 : i32
    %mul3A_17 = arith.muli %arg1, %mul3A_16 : i32
    %add3A_18 = arith.constant 256 : i32
    %add3A_19 = arith.addi %mul3A_17, %add3A_18 : i32
    "tpu.region"() ({
      %run_scoped3A = tpu.sem_alloc : memref<!tpu.dma_semaphore, #tpu.memory_space<semaphore_mem>>
      %dma_start3A_265 = arith.constant 0 : i32
      %dma_start3A_266 = tpu.memref_slice %arg12[%add3A_19, %dma_start3A_265] : memref<10240x128xf32, #tpu.memory_space<vmem_shared>> -> memref<128x128xf32, #tpu.memory_space<vmem_shared>>
      %dma_start3A_267 = arith.constant 0 : i32
      %dma_start3A_268 = tpu.memref_slice %arg12[%add3A_19, %dma_start3A_267] : memref<10240x128xf32, #tpu.memory_space<vmem_shared>> -> memref<128x128xf32, #tpu.memory_space<vmem_shared>>
      tpu.enqueue_dma source(%arg6 : memref<128x128xf32, #tpu.memory_space<vmem>>) target(%dma_start3A_268 : memref<128x128xf32, #tpu.memory_space<vmem_shared>>) target_semaphore(%run_scoped3A : memref<!tpu.dma_semaphore, #tpu.memory_space<semaphore_mem>>)
      %dma_wait3A = arith.constant 0 : i32
      %dma_wait3A_269 = tpu.memref_slice %arg12[%add3A_19, %dma_wait3A] : memref<10240x128xf32, #tpu.memory_space<vmem_shared>> -> memref<128x128xf32, #tpu.memory_space<vmem_shared>>
      %dma_wait3A_270 = arith.constant 0 : i32
      %dma_wait3A_271 = tpu.memref_slice %arg12[%add3A_19, %dma_wait3A_270] : memref<10240x128xf32, #tpu.memory_space<vmem_shared>> -> memref<128x128xf32, #tpu.memory_space<vmem_shared>>
      tpu.wait_dma2 semaphore(%run_scoped3A : memref<!tpu.dma_semaphore, #tpu.memory_space<semaphore_mem>>) src(%arg6 : memref<128x128xf32, #tpu.memory_space<vmem>>) dst(%dma_wait3A_271 : memref<128x128xf32, #tpu.memory_space<vmem_shared>>)
      tpu.yield
    }) : () -> ()
    %mul3A_20 = arith.constant 640 : i32
    %mul3A_21 = arith.muli %arg1, %mul3A_20 : i32
    %add3A_22 = arith.constant 384 : i32
    %add3A_23 = arith.addi %mul3A_21, %add3A_22 : i32
    "tpu.region"() ({
      %run_scoped3A = tpu.sem_alloc : memref<!tpu.dma_semaphore, #tpu.memory_space<semaphore_mem>>
      %dma_start3A_265 = arith.constant 0 : i32
      %dma_start3A_266 = tpu.memref_slice %arg12[%add3A_23, %dma_start3A_265] : memref<10240x128xf32, #tpu.memory_space<vmem_shared>> -> memref<128x128xf32, #tpu.memory_space<vmem_shared>>
      %dma_start3A_267 = arith.constant 0 : i32
      %dma_start3A_268 = tpu.memref_slice %arg12[%add3A_23, %dma_start3A_267] : memref<10240x128xf32, #tpu.memory_space<vmem_shared>> -> memref<128x128xf32, #tpu.memory_space<vmem_shared>>
      tpu.enqueue_dma source(%arg6 : memref<128x128xf32, #tpu.memory_space<vmem>>) target(%dma_start3A_268 : memref<128x128xf32, #tpu.memory_space<vmem_shared>>) target_semaphore(%run_scoped3A : memref<!tpu.dma_semaphore, #tpu.memory_space<semaphore_mem>>)
      %dma_wait3A = arith.constant 0 : i32
      %dma_wait3A_269 = tpu.memref_slice %arg12[%add3A_23, %dma_wait3A] : memref<10240x128xf32, #tpu.memory_space<vmem_shared>> -> memref<128x128xf32, #tpu.memory_space<vmem_shared>>
      %dma_wait3A_270 = arith.constant 0 : i32
      %dma_wait3A_271 = tpu.memref_slice %arg12[%add3A_23, %dma_wait3A_270] : memref<10240x128xf32, #tpu.memory_space<vmem_shared>> -> memref<128x128xf32, #tpu.memory_space<vmem_shared>>
      tpu.wait_dma2 semaphore(%run_scoped3A : memref<!tpu.dma_semaphore, #tpu.memory_space<semaphore_mem>>) src(%arg6 : memref<128x128xf32, #tpu.memory_space<vmem>>) dst(%dma_wait3A_271 : memref<128x128xf32, #tpu.memory_space<vmem_shared>>)
      tpu.yield
    }) : () -> ()
    %mul3A_24 = arith.constant 640 : i32
    %mul3A_25 = arith.muli %arg1, %mul3A_24 : i32
    %add3A_26 = arith.constant 512 : i32
    %add3A_27 = arith.addi %mul3A_25, %add3A_26 : i32
    "tpu.region"() ({
      %run_scoped3A = tpu.sem_alloc : memref<!tpu.dma_semaphore, #tpu.memory_space<semaphore_mem>>
      %dma_start3A_265 = arith.constant 0 : i32
      %dma_start3A_266 = tpu.memref_slice %arg12[%add3A_27, %dma_start3A_265] : memref<10240x128xf32, #tpu.memory_space<vmem_shared>> -> memref<128x128xf32, #tpu.memory_space<vmem_shared>>
      %dma_start3A_267 = arith.constant 0 : i32
      %dma_start3A_268 = tpu.memref_slice %arg12[%add3A_27, %dma_start3A_267] : memref<10240x128xf32, #tpu.memory_space<vmem_shared>> -> memref<128x128xf32, #tpu.memory_space<vmem_shared>>
      tpu.enqueue_dma source(%arg6 : memref<128x128xf32, #tpu.memory_space<vmem>>) target(%dma_start3A_268 : memref<128x128xf32, #tpu.memory_space<vmem_shared>>) target_semaphore(%run_scoped3A : memref<!tpu.dma_semaphore, #tpu.memory_space<semaphore_mem>>)
      %dma_wait3A = arith.constant 0 : i32
      %dma_wait3A_269 = tpu.memref_slice %arg12[%add3A_27, %dma_wait3A] : memref<10240x128xf32, #tpu.memory_space<vmem_shared>> -> memref<128x128xf32, #tpu.memory_space<vmem_shared>>
      %dma_wait3A_270 = arith.constant 0 : i32
      %dma_wait3A_271 = tpu.memref_slice %arg12[%add3A_27, %dma_wait3A_270] : memref<10240x128xf32, #tpu.memory_space<vmem_shared>> -> memref<128x128xf32, #tpu.memory_space<vmem_shared>>
      tpu.wait_dma2 semaphore(%run_scoped3A : memref<!tpu.dma_semaphore, #tpu.memory_space<semaphore_mem>>) src(%arg6 : memref<128x128xf32, #tpu.memory_space<vmem>>) dst(%dma_wait3A_271 : memref<128x128xf32, #tpu.memory_space<vmem_shared>>)
      tpu.yield
    }) : () -> ()
    %barrier3A = arith.constant 0 : index
    tpu.barrier barrier_id(%barrier3A)
    %get3A = arith.constant 0 : i32
    %get3A_28 = arith.index_cast %get3A : i32 to index
    %get3A_29 = arith.constant 0 : index
    %get3A_30 = tpu.vector_load %arg5[%get3A_28, %get3A_29] {strides = array<i32>} : memref<80x128xi32, #tpu.memory_space<vmem>>, vector<16xi32>,
    %and3A = arith.constant 16383 : i32
    %and3A_31 = vector.broadcast %and3A : i32 to vector<16xi32>
    %and3A_32 = arith.andi %get3A_30, %and3A_31 : vector<16xi32>
    %swap3A = arith.constant 0 : index
    %swap3A_33 = tpu.vector_load %arg8[%swap3A] {strides = array<i32>} : memref<128xi32, #tpu.memory_space<vmem>>, vector<16xi32>,
    tpu.vector_store %arg8[%swap3A], %and3A_32 {strides = array<i32>} : memref<128xi32, #tpu.memory_space<vmem>>, vector<16xi32>,
    %shift_right_logical3A = arith.constant 14 : i32
    %shift_right_logical3A_34 = vector.broadcast %shift_right_logical3A : i32 to vector<16xi32>
    %shift_right_logical3A_35 = arith.shrui %get3A_30, %shift_right_logical3A_34 : vector<16xi32>
    %swap3A_36 = arith.constant 0 : index
    %swap3A_37 = tpu.vector_load %arg10[%swap3A_36] {strides = array<i32>} : memref<128xi32, #tpu.memory_space<vmem>>, vector<16xi32>,
    tpu.vector_store %arg10[%swap3A_36], %shift_right_logical3A_35 {strides = array<i32>} : memref<128xi32, #tpu.memory_space<vmem>>, vector<16xi32>,
    %get3A_38 = arith.constant 0 : i32
    %get3A_39 = arith.index_cast %get3A_38 : i32 to index
    %get3A_40 = arith.constant 16 : index
    %get3A_41 = tpu.vector_load %arg5[%get3A_39, %get3A_40] {strides = array<i32>} : memref<80x128xi32, #tpu.memory_space<vmem>>, vector<16xi32>,
    %and3A_42 = arith.constant 16383 : i32
    %and3A_43 = vector.broadcast %and3A_42 : i32 to vector<16xi32>
    %and3A_44 = arith.andi %get3A_41, %and3A_43 : vector<16xi32>
    %swap3A_45 = arith.constant 16 : index
    %swap3A_46 = tpu.vector_load %arg8[%swap3A_45] {strides = array<i32>} : memref<128xi32, #tpu.memory_space<vmem>>, vector<16xi32>,
    tpu.vector_store %arg8[%swap3A_45], %and3A_44 {strides = array<i32>} : memref<128xi32, #tpu.memory_space<vmem>>, vector<16xi32>,
    %shift_right_logical3A_47 = arith.constant 14 : i32
    %shift_right_logical3A_48 = vector.broadcast %shift_right_logical3A_47 : i32 to vector<16xi32>
    %shift_right_logical3A_49 = arith.shrui %get3A_41, %shift_right_logical3A_48 : vector<16xi32>
    %swap3A_50 = arith.constant 16 : index
    %swap3A_51 = tpu.vector_load %arg10[%swap3A_50] {strides = array<i32>} : memref<128xi32, #tpu.memory_space<vmem>>, vector<16xi32>,
    tpu.vector_store %arg10[%swap3A_50], %shift_right_logical3A_49 {strides = array<i32>} : memref<128xi32, #tpu.memory_space<vmem>>, vector<16xi32>,
    %get3A_52 = arith.constant 0 : i32
    %get3A_53 = arith.index_cast %get3A_52 : i32 to index
    %get3A_54 = arith.constant 32 : index
    %get3A_55 = tpu.vector_load %arg5[%get3A_53, %get3A_54] {strides = array<i32>} : memref<80x128xi32, #tpu.memory_space<vmem>>, vector<16xi32>,
    %and3A_56 = arith.constant 16383 : i32
    %and3A_57 = vector.broadcast %and3A_56 : i32 to vector<16xi32>
    %and3A_58 = arith.andi %get3A_55, %and3A_57 : vector<16xi32>
    %swap3A_59 = arith.constant 32 : index
    %swap3A_60 = tpu.vector_load %arg8[%swap3A_59] {strides = array<i32>} : memref<128xi32, #tpu.memory_space<vmem>>, vector<16xi32>,
    tpu.vector_store %arg8[%swap3A_59], %and3A_58 {strides = array<i32>} : memref<128xi32, #tpu.memory_space<vmem>>, vector<16xi32>,
    %shift_right_logical3A_61 = arith.constant 14 : i32
    %shift_right_logical3A_62 = vector.broadcast %shift_right_logical3A_61 : i32 to vector<16xi32>
    %shift_right_logical3A_63 = arith.shrui %get3A_55, %shift_right_logical3A_62 : vector<16xi32>
    %swap3A_64 = arith.constant 32 : index
    %swap3A_65 = tpu.vector_load %arg10[%swap3A_64] {strides = array<i32>} : memref<128xi32, #tpu.memory_space<vmem>>, vector<16xi32>,
    tpu.vector_store %arg10[%swap3A_64], %shift_right_logical3A_63 {strides = array<i32>} : memref<128xi32, #tpu.memory_space<vmem>>, vector<16xi32>,
    %get3A_66 = arith.constant 0 : i32
    %get3A_67 = arith.index_cast %get3A_66 : i32 to index
    %get3A_68 = arith.constant 48 : index
    %get3A_69 = tpu.vector_load %arg5[%get3A_67, %get3A_68] {strides = array<i32>} : memref<80x128xi32, #tpu.memory_space<vmem>>, vector<16xi32>,
    %and3A_70 = arith.constant 16383 : i32
    %and3A_71 = vector.broadcast %and3A_70 : i32 to vector<16xi32>
    %and3A_72 = arith.andi %get3A_69, %and3A_71 : vector<16xi32>
    %swap3A_73 = arith.constant 48 : index
    %swap3A_74 = tpu.vector_load %arg8[%swap3A_73] {strides = array<i32>} : memref<128xi32, #tpu.memory_space<vmem>>, vector<16xi32>,
    tpu.vector_store %arg8[%swap3A_73], %and3A_72 {strides = array<i32>} : memref<128xi32, #tpu.memory_space<vmem>>, vector<16xi32>,
    %shift_right_logical3A_75 = arith.constant 14 : i32
    %shift_right_logical3A_76 = vector.broadcast %shift_right_logical3A_75 : i32 to vector<16xi32>
    %shift_right_logical3A_77 = arith.shrui %get3A_69, %shift_right_logical3A_76 : vector<16xi32>
    %swap3A_78 = arith.constant 48 : index
    %swap3A_79 = tpu.vector_load %arg10[%swap3A_78] {strides = array<i32>} : memref<128xi32, #tpu.memory_space<vmem>>, vector<16xi32>,
    tpu.vector_store %arg10[%swap3A_78], %shift_right_logical3A_77 {strides = array<i32>} : memref<128xi32, #tpu.memory_space<vmem>>, vector<16xi32>,
    %get3A_80 = arith.constant 0 : i32
    %get3A_81 = arith.index_cast %get3A_80 : i32 to index
    %get3A_82 = arith.constant 64 : index
    %get3A_83 = tpu.vector_load %arg5[%get3A_81, %get3A_82] {strides = array<i32>} : memref<80x128xi32, #tpu.memory_space<vmem>>, vector<16xi32>,
    %and3A_84 = arith.constant 16383 : i32
    %and3A_85 = vector.broadcast %and3A_84 : i32 to vector<16xi32>
    %and3A_86 = arith.andi %get3A_83, %and3A_85 : vector<16xi32>
    %swap3A_87 = arith.constant 64 : index
    %swap3A_88 = tpu.vector_load %arg8[%swap3A_87] {strides = array<i32>} : memref<128xi32, #tpu.memory_space<vmem>>, vector<16xi32>,
    tpu.vector_store %arg8[%swap3A_87], %and3A_86 {strides = array<i32>} : memref<128xi32, #tpu.memory_space<vmem>>, vector<16xi32>,
    %shift_right_logical3A_89 = arith.constant 14 : i32
    %shift_right_logical3A_90 = vector.broadcast %shift_right_logical3A_89 : i32 to vector<16xi32>
    %shift_right_logical3A_91 = arith.shrui %get3A_83, %shift_right_logical3A_90 : vector<16xi32>
    %swap3A_92 = arith.constant 64 : index
    %swap3A_93 = tpu.vector_load %arg10[%swap3A_92] {strides = array<i32>} : memref<128xi32, #tpu.memory_space<vmem>>, vector<16xi32>,
    tpu.vector_store %arg10[%swap3A_92], %shift_right_logical3A_91 {strides = array<i32>} : memref<128xi32, #tpu.memory_space<vmem>>, vector<16xi32>,
    %get3A_94 = arith.constant 0 : i32
    %get3A_95 = arith.index_cast %get3A_94 : i32 to index
    %get3A_96 = arith.constant 80 : index
    %get3A_97 = tpu.vector_load %arg5[%get3A_95, %get3A_96] {strides = array<i32>} : memref<80x128xi32, #tpu.memory_space<vmem>>, vector<16xi32>,
    %and3A_98 = arith.constant 16383 : i32
    %and3A_99 = vector.broadcast %and3A_98 : i32 to vector<16xi32>
    %and3A_100 = arith.andi %get3A_97, %and3A_99 : vector<16xi32>
    %swap3A_101 = arith.constant 80 : index
    %swap3A_102 = tpu.vector_load %arg8[%swap3A_101] {strides = array<i32>} : memref<128xi32, #tpu.memory_space<vmem>>, vector<16xi32>,
    tpu.vector_store %arg8[%swap3A_101], %and3A_100 {strides = array<i32>} : memref<128xi32, #tpu.memory_space<vmem>>, vector<16xi32>,
    %shift_right_logical3A_103 = arith.constant 14 : i32
    %shift_right_logical3A_104 = vector.broadcast %shift_right_logical3A_103 : i32 to vector<16xi32>
    %shift_right_logical3A_105 = arith.shrui %get3A_97, %shift_right_logical3A_104 : vector<16xi32>
    %swap3A_106 = arith.constant 80 : index
    %swap3A_107 = tpu.vector_load %arg10[%swap3A_106] {strides = array<i32>} : memref<128xi32, #tpu.memory_space<vmem>>, vector<16xi32>,
    tpu.vector_store %arg10[%swap3A_106], %shift_right_logical3A_105 {strides = array<i32>} : memref<128xi32, #tpu.memory_space<vmem>>, vector<16xi32>,
    %get3A_108 = arith.constant 0 : i32
    %get3A_109 = arith.index_cast %get3A_108 : i32 to index
    %get3A_110 = arith.constant 96 : index
    %get3A_111 = tpu.vector_load %arg5[%get3A_109, %get3A_110] {strides = array<i32>} : memref<80x128xi32, #tpu.memory_space<vmem>>, vector<16xi32>,
    %and3A_112 = arith.constant 16383 : i32
    %and3A_113 = vector.broadcast %and3A_112 : i32 to vector<16xi32>
    %and3A_114 = arith.andi %get3A_111, %and3A_113 : vector<16xi32>
    %swap3A_115 = arith.constant 96 : index
    %swap3A_116 = tpu.vector_load %arg8[%swap3A_115] {strides = array<i32>} : memref<128xi32, #tpu.memory_space<vmem>>, vector<16xi32>,
    tpu.vector_store %arg8[%swap3A_115], %and3A_114 {strides = array<i32>} : memref<128xi32, #tpu.memory_space<vmem>>, vector<16xi32>,
    %shift_right_logical3A_117 = arith.constant 14 : i32
    %shift_right_logical3A_118 = vector.broadcast %shift_right_logical3A_117 : i32 to vector<16xi32>
    %shift_right_logical3A_119 = arith.shrui %get3A_111, %shift_right_logical3A_118 : vector<16xi32>
    %swap3A_120 = arith.constant 96 : index
    %swap3A_121 = tpu.vector_load %arg10[%swap3A_120] {strides = array<i32>} : memref<128xi32, #tpu.memory_space<vmem>>, vector<16xi32>,
    tpu.vector_store %arg10[%swap3A_120], %shift_right_logical3A_119 {strides = array<i32>} : memref<128xi32, #tpu.memory_space<vmem>>, vector<16xi32>,
    %get3A_122 = arith.constant 0 : i32
    %get3A_123 = arith.index_cast %get3A_122 : i32 to index
    %get3A_124 = arith.constant 112 : index
    %get3A_125 = tpu.vector_load %arg5[%get3A_123, %get3A_124] {strides = array<i32>} : memref<80x128xi32, #tpu.memory_space<vmem>>, vector<16xi32>,
    %and3A_126 = arith.constant 16383 : i32
    %and3A_127 = vector.broadcast %and3A_126 : i32 to vector<16xi32>
    %and3A_128 = arith.andi %get3A_125, %and3A_127 : vector<16xi32>
    %swap3A_129 = arith.constant 112 : index
    %swap3A_130 = tpu.vector_load %arg8[%swap3A_129] {strides = array<i32>} : memref<128xi32, #tpu.memory_space<vmem>>, vector<16xi32>,
    tpu.vector_store %arg8[%swap3A_129], %and3A_128 {strides = array<i32>} : memref<128xi32, #tpu.memory_space<vmem>>, vector<16xi32>,
    %shift_right_logical3A_131 = arith.constant 14 : i32
    %shift_right_logical3A_132 = vector.broadcast %shift_right_logical3A_131 : i32 to vector<16xi32>
    %shift_right_logical3A_133 = arith.shrui %get3A_125, %shift_right_logical3A_132 : vector<16xi32>
    %swap3A_134 = arith.constant 112 : index
    %swap3A_135 = tpu.vector_load %arg10[%swap3A_134] {strides = array<i32>} : memref<128xi32, #tpu.memory_space<vmem>>, vector<16xi32>,
    tpu.vector_store %arg10[%swap3A_134], %shift_right_logical3A_133 {strides = array<i32>} : memref<128xi32, #tpu.memory_space<vmem>>, vector<16xi32>,
    %dma_start3A = arith.constant 0 : i32
    %dma_start3A_136 = arith.constant 0 : i32
    %dma_start3A_137 = tpu.memref_slice %arg2[%dma_start3A, %dma_start3A_136] : memref<10000x128xf32, #tpu.memory_space<hbm>> -> memref<10000x128xf32, #tpu.memory_space<hbm>>
    tpu.enqueue_indirect_dma source(%dma_start3A_137 : memref<10000x128xf32, #tpu.memory_space<hbm>>) target(%arg6 : memref<128x128xf32, #tpu.memory_space<vmem>>) offsets(%arg8 : memref<128xi32, #tpu.memory_space<vmem>>) semaphore(%arg13 : memref<!tpu.dma_semaphore, #tpu.memory_space<semaphore_mem>>)
    %get3A_138 = arith.constant 1 : i32
    %get3A_139 = arith.index_cast %get3A_138 : i32 to index
    %get3A_140 = arith.constant 0 : index
    %get3A_141 = tpu.vector_load %arg5[%get3A_139, %get3A_140] {strides = array<i32>} : memref<80x128xi32, #tpu.memory_space<vmem>>, vector<16xi32>,
    %and3A_142 = arith.constant 16383 : i32
    %and3A_143 = vector.broadcast %and3A_142 : i32 to vector<16xi32>
    %and3A_144 = arith.andi %get3A_141, %and3A_143 : vector<16xi32>
    %swap3A_145 = arith.constant 0 : index
    %swap3A_146 = tpu.vector_load %arg9[%swap3A_145] {strides = array<i32>} : memref<128xi32, #tpu.memory_space<vmem>>, vector<16xi32>,
    tpu.vector_store %arg9[%swap3A_145], %and3A_144 {strides = array<i32>} : memref<128xi32, #tpu.memory_space<vmem>>, vector<16xi32>,
    %shift_right_logical3A_147 = arith.constant 14 : i32
    %shift_right_logical3A_148 = vector.broadcast %shift_right_logical3A_147 : i32 to vector<16xi32>
    %shift_right_logical3A_149 = arith.shrui %get3A_141, %shift_right_logical3A_148 : vector<16xi32>
    %swap3A_150 = arith.constant 0 : index
    %swap3A_151 = tpu.vector_load %arg11[%swap3A_150] {strides = array<i32>} : memref<128xi32, #tpu.memory_space<vmem>>, vector<16xi32>,
    tpu.vector_store %arg11[%swap3A_150], %shift_right_logical3A_149 {strides = array<i32>} : memref<128xi32, #tpu.memory_space<vmem>>, vector<16xi32>,
    %get3A_152 = arith.constant 1 : i32
    %get3A_153 = arith.index_cast %get3A_152 : i32 to index
    %get3A_154 = arith.constant 16 : index
    %get3A_155 = tpu.vector_load %arg5[%get3A_153, %get3A_154] {strides = array<i32>} : memref<80x128xi32, #tpu.memory_space<vmem>>, vector<16xi32>,
    %and3A_156 = arith.constant 16383 : i32
    %and3A_157 = vector.broadcast %and3A_156 : i32 to vector<16xi32>
    %and3A_158 = arith.andi %get3A_155, %and3A_157 : vector<16xi32>
    %swap3A_159 = arith.constant 16 : index
    %swap3A_160 = tpu.vector_load %arg9[%swap3A_159] {strides = array<i32>} : memref<128xi32, #tpu.memory_space<vmem>>, vector<16xi32>,
    tpu.vector_store %arg9[%swap3A_159], %and3A_158 {strides = array<i32>} : memref<128xi32, #tpu.memory_space<vmem>>, vector<16xi32>,
    %shift_right_logical3A_161 = arith.constant 14 : i32
    %shift_right_logical3A_162 = vector.broadcast %shift_right_logical3A_161 : i32 to vector<16xi32>
    %shift_right_logical3A_163 = arith.shrui %get3A_155, %shift_right_logical3A_162 : vector<16xi32>
    %swap3A_164 = arith.constant 16 : index
    %swap3A_165 = tpu.vector_load %arg11[%swap3A_164] {strides = array<i32>} : memref<128xi32, #tpu.memory_space<vmem>>, vector<16xi32>,
    tpu.vector_store %arg11[%swap3A_164], %shift_right_logical3A_163 {strides = array<i32>} : memref<128xi32, #tpu.memory_space<vmem>>, vector<16xi32>,
    %get3A_166 = arith.constant 1 : i32
    %get3A_167 = arith.index_cast %get3A_166 : i32 to index
    %get3A_168 = arith.constant 32 : index
    %get3A_169 = tpu.vector_load %arg5[%get3A_167, %get3A_168] {strides = array<i32>} : memref<80x128xi32, #tpu.memory_space<vmem>>, vector<16xi32>,
    %and3A_170 = arith.constant 16383 : i32
    %and3A_171 = vector.broadcast %and3A_170 : i32 to vector<16xi32>
    %and3A_172 = arith.andi %get3A_169, %and3A_171 : vector<16xi32>
    %swap3A_173 = arith.constant 32 : index
    %swap3A_174 = tpu.vector_load %arg9[%swap3A_173] {strides = array<i32>} : memref<128xi32, #tpu.memory_space<vmem>>, vector<16xi32>,
    tpu.vector_store %arg9[%swap3A_173], %and3A_172 {strides = array<i32>} : memref<128xi32, #tpu.memory_space<vmem>>, vector<16xi32>,
    %shift_right_logical3A_175 = arith.constant 14 : i32
    %shift_right_logical3A_176 = vector.broadcast %shift_right_logical3A_175 : i32 to vector<16xi32>
    %shift_right_logical3A_177 = arith.shrui %get3A_169, %shift_right_logical3A_176 : vector<16xi32>
    %swap3A_178 = arith.constant 32 : index
    %swap3A_179 = tpu.vector_load %arg11[%swap3A_178] {strides = array<i32>} : memref<128xi32, #tpu.memory_space<vmem>>, vector<16xi32>,
    tpu.vector_store %arg11[%swap3A_178], %shift_right_logical3A_177 {strides = array<i32>} : memref<128xi32, #tpu.memory_space<vmem>>, vector<16xi32>,
    %get3A_180 = arith.constant 1 : i32
    %get3A_181 = arith.index_cast %get3A_180 : i32 to index
    %get3A_182 = arith.constant 48 : index
    %get3A_183 = tpu.vector_load %arg5[%get3A_181, %get3A_182] {strides = array<i32>} : memref<80x128xi32, #tpu.memory_space<vmem>>, vector<16xi32>,
    %and3A_184 = arith.constant 16383 : i32
    %and3A_185 = vector.broadcast %and3A_184 : i32 to vector<16xi32>
    %and3A_186 = arith.andi %get3A_183, %and3A_185 : vector<16xi32>
    %swap3A_187 = arith.constant 48 : index
    %swap3A_188 = tpu.vector_load %arg9[%swap3A_187] {strides = array<i32>} : memref<128xi32, #tpu.memory_space<vmem>>, vector<16xi32>,
    tpu.vector_store %arg9[%swap3A_187], %and3A_186 {strides = array<i32>} : memref<128xi32, #tpu.memory_space<vmem>>, vector<16xi32>,
    %shift_right_logical3A_189 = arith.constant 14 : i32
    %shift_right_logical3A_190 = vector.broadcast %shift_right_logical3A_189 : i32 to vector<16xi32>
    %shift_right_logical3A_191 = arith.shrui %get3A_183, %shift_right_logical3A_190 : vector<16xi32>
    %swap3A_192 = arith.constant 48 : index
    %swap3A_193 = tpu.vector_load %arg11[%swap3A_192] {strides = array<i32>} : memref<128xi32, #tpu.memory_space<vmem>>, vector<16xi32>,
    tpu.vector_store %arg11[%swap3A_192], %shift_right_logical3A_191 {strides = array<i32>} : memref<128xi32, #tpu.memory_space<vmem>>, vector<16xi32>,
    %get3A_194 = arith.constant 1 : i32
    %get3A_195 = arith.index_cast %get3A_194 : i32 to index
    %get3A_196 = arith.constant 64 : index
    %get3A_197 = tpu.vector_load %arg5[%get3A_195, %get3A_196] {strides = array<i32>} : memref<80x128xi32, #tpu.memory_space<vmem>>, vector<16xi32>,
    %and3A_198 = arith.constant 16383 : i32
    %and3A_199 = vector.broadcast %and3A_198 : i32 to vector<16xi32>
    %and3A_200 = arith.andi %get3A_197, %and3A_199 : vector<16xi32>
    %swap3A_201 = arith.constant 64 : index
    %swap3A_202 = tpu.vector_load %arg9[%swap3A_201] {strides = array<i32>} : memref<128xi32, #tpu.memory_space<vmem>>, vector<16xi32>,
    tpu.vector_store %arg9[%swap3A_201], %and3A_200 {strides = array<i32>} : memref<128xi32, #tpu.memory_space<vmem>>, vector<16xi32>,
    %shift_right_logical3A_203 = arith.constant 14 : i32
    %shift_right_logical3A_204 = vector.broadcast %shift_right_logical3A_203 : i32 to vector<16xi32>
    %shift_right_logical3A_205 = arith.shrui %get3A_197, %shift_right_logical3A_204 : vector<16xi32>
    %swap3A_206 = arith.constant 64 : index
    %swap3A_207 = tpu.vector_load %arg11[%swap3A_206] {strides = array<i32>} : memref<128xi32, #tpu.memory_space<vmem>>, vector<16xi32>,
    tpu.vector_store %arg11[%swap3A_206], %shift_right_logical3A_205 {strides = array<i32>} : memref<128xi32, #tpu.memory_space<vmem>>, vector<16xi32>,
    %get3A_208 = arith.constant 1 : i32
    %get3A_209 = arith.index_cast %get3A_208 : i32 to index
    %get3A_210 = arith.constant 80 : index
    %get3A_211 = tpu.vector_load %arg5[%get3A_209, %get3A_210] {strides = array<i32>} : memref<80x128xi32, #tpu.memory_space<vmem>>, vector<16xi32>,
    %and3A_212 = arith.constant 16383 : i32
    %and3A_213 = vector.broadcast %and3A_212 : i32 to vector<16xi32>
    %and3A_214 = arith.andi %get3A_211, %and3A_213 : vector<16xi32>
    %swap3A_215 = arith.constant 80 : index
    %swap3A_216 = tpu.vector_load %arg9[%swap3A_215] {strides = array<i32>} : memref<128xi32, #tpu.memory_space<vmem>>, vector<16xi32>,
    tpu.vector_store %arg9[%swap3A_215], %and3A_214 {strides = array<i32>} : memref<128xi32, #tpu.memory_space<vmem>>, vector<16xi32>,
    %shift_right_logical3A_217 = arith.constant 14 : i32
    %shift_right_logical3A_218 = vector.broadcast %shift_right_logical3A_217 : i32 to vector<16xi32>
    %shift_right_logical3A_219 = arith.shrui %get3A_211, %shift_right_logical3A_218 : vector<16xi32>
    %swap3A_220 = arith.constant 80 : index
    %swap3A_221 = tpu.vector_load %arg11[%swap3A_220] {strides = array<i32>} : memref<128xi32, #tpu.memory_space<vmem>>, vector<16xi32>,
    tpu.vector_store %arg11[%swap3A_220], %shift_right_logical3A_219 {strides = array<i32>} : memref<128xi32, #tpu.memory_space<vmem>>, vector<16xi32>,
    %get3A_222 = arith.constant 1 : i32
    %get3A_223 = arith.index_cast %get3A_222 : i32 to index
    %get3A_224 = arith.constant 96 : index
    %get3A_225 = tpu.vector_load %arg5[%get3A_223, %get3A_224] {strides = array<i32>} : memref<80x128xi32, #tpu.memory_space<vmem>>, vector<16xi32>,
    %and3A_226 = arith.constant 16383 : i32
    %and3A_227 = vector.broadcast %and3A_226 : i32 to vector<16xi32>
    %and3A_228 = arith.andi %get3A_225, %and3A_227 : vector<16xi32>
    %swap3A_229 = arith.constant 96 : index
    %swap3A_230 = tpu.vector_load %arg9[%swap3A_229] {strides = array<i32>} : memref<128xi32, #tpu.memory_space<vmem>>, vector<16xi32>,
    tpu.vector_store %arg9[%swap3A_229], %and3A_228 {strides = array<i32>} : memref<128xi32, #tpu.memory_space<vmem>>, vector<16xi32>,
    %shift_right_logical3A_231 = arith.constant 14 : i32
    %shift_right_logical3A_232 = vector.broadcast %shift_right_logical3A_231 : i32 to vector<16xi32>
    %shift_right_logical3A_233 = arith.shrui %get3A_225, %shift_right_logical3A_232 : vector<16xi32>
    %swap3A_234 = arith.constant 96 : index
    %swap3A_235 = tpu.vector_load %arg11[%swap3A_234] {strides = array<i32>} : memref<128xi32, #tpu.memory_space<vmem>>, vector<16xi32>,
    tpu.vector_store %arg11[%swap3A_234], %shift_right_logical3A_233 {strides = array<i32>} : memref<128xi32, #tpu.memory_space<vmem>>, vector<16xi32>,
    %get3A_236 = arith.constant 1 : i32
    %get3A_237 = arith.index_cast %get3A_236 : i32 to index
    %get3A_238 = arith.constant 112 : index
    %get3A_239 = tpu.vector_load %arg5[%get3A_237, %get3A_238] {strides = array<i32>} : memref<80x128xi32, #tpu.memory_space<vmem>>, vector<16xi32>,
    %and3A_240 = arith.constant 16383 : i32
    %and3A_241 = vector.broadcast %and3A_240 : i32 to vector<16xi32>
    %and3A_242 = arith.andi %get3A_239, %and3A_241 : vector<16xi32>
    %swap3A_243 = arith.constant 112 : index
    %swap3A_244 = tpu.vector_load %arg9[%swap3A_243] {strides = array<i32>} : memref<128xi32, #tpu.memory_space<vmem>>, vector<16xi32>,
    tpu.vector_store %arg9[%swap3A_243], %and3A_242 {strides = array<i32>} : memref<128xi32, #tpu.memory_space<vmem>>, vector<16xi32>,
    %shift_right_logical3A_245 = arith.constant 14 : i32
    %shift_right_logical3A_246 = vector.broadcast %shift_right_logical3A_245 : i32 to vector<16xi32>
    %shift_right_logical3A_247 = arith.shrui %get3A_239, %shift_right_logical3A_246 : vector<16xi32>
    %swap3A_248 = arith.constant 112 : index
    %swap3A_249 = tpu.vector_load %arg11[%swap3A_248] {strides = array<i32>} : memref<128xi32, #tpu.memory_space<vmem>>, vector<16xi32>,
    tpu.vector_store %arg11[%swap3A_248], %shift_right_logical3A_247 {strides = array<i32>} : memref<128xi32, #tpu.memory_space<vmem>>, vector<16xi32>,
    %dma_start3A_250 = arith.constant 0 : i32
    %dma_start3A_251 = arith.constant 0 : i32
    %dma_start3A_252 = tpu.memref_slice %arg2[%dma_start3A_250, %dma_start3A_251] : memref<10000x128xf32, #tpu.memory_space<hbm>> -> memref<10000x128xf32, #tpu.memory_space<hbm>>
    tpu.enqueue_indirect_dma source(%dma_start3A_252 : memref<10000x128xf32, #tpu.memory_space<hbm>>) target(%arg7 : memref<128x128xf32, #tpu.memory_space<vmem>>) offsets(%arg9 : memref<128xi32, #tpu.memory_space<vmem>>) semaphore(%arg14 : memref<!tpu.dma_semaphore, #tpu.memory_space<semaphore_mem>>)
    %scan3A_253 = arith.constant 0 : i32
    %scan3A_254 = arith.constant 0 : i32
    %scan3A_255 = arith.constant 40 : i32
    %scan3A_256 = arith.addi %scan3A_254, %scan3A_255 : i32
    %scan3A_257 = arith.constant 1 : i32
    %scan3A_258 = scf.for %scan3A_265 = %scan3A_254 to %scan3A_256 step %scan3A_257 iter_args(%scan3A_266 = %scan3A_253) -> (i32)  : i32 {
      %mul3A_267 = arith.constant 2 : i32
      %mul3A_268 = arith.muli %scan3A_265, %mul3A_267 : i32
      %dma_wait3A = arith.constant 0 : i32
      %dma_wait3A_269 = arith.constant 0 : i32
      %dma_wait3A_270 = tpu.memref_slice %arg2[%dma_wait3A, %dma_wait3A_269] : memref<10000x128xf32, #tpu.memory_space<hbm>> -> memref<10000x128xf32, #tpu.memory_space<hbm>>
      tpu.wait_indirect_dma semaphore(%arg13 : memref<!tpu.dma_semaphore, #tpu.memory_space<semaphore_mem>>) src(%dma_wait3A_270 : memref<10000x128xf32, #tpu.memory_space<hbm>>) dst(%arg6 : memref<128x128xf32, #tpu.memory_space<vmem>>)
      %dma_start3A_271 = arith.constant 0 : i32
      %dma_start3A_272 = arith.constant 0 : i32
      %dma_start3A_273 = tpu.memref_slice %arg12[%dma_start3A_271, %dma_start3A_272] : memref<10240x128xf32, #tpu.memory_space<vmem_shared>> -> memref<10240x128xf32, #tpu.memory_space<vmem_shared>>
      tpu.enqueue_indirect_dma source(%arg6 : memref<128x128xf32, #tpu.memory_space<vmem>>) target(%dma_start3A_273 : memref<10240x128xf32, #tpu.memory_space<vmem_shared>>) offsets(%arg10 : memref<128xi32, #tpu.memory_space<vmem>>) semaphore(%arg15 : memref<!tpu.dma_semaphore, #tpu.memory_space<semaphore_mem>>) {add = true}
      %dma_wait3A_274 = arith.constant 0 : i32
      %dma_wait3A_275 = arith.constant 0 : i32
      %dma_wait3A_276 = tpu.memref_slice %arg2[%dma_wait3A_274, %dma_wait3A_275] : memref<10000x128xf32, #tpu.memory_space<hbm>> -> memref<10000x128xf32, #tpu.memory_space<hbm>>
      tpu.wait_indirect_dma semaphore(%arg14 : memref<!tpu.dma_semaphore, #tpu.memory_space<semaphore_mem>>) src(%dma_wait3A_276 : memref<10000x128xf32, #tpu.memory_space<hbm>>) dst(%arg7 : memref<128x128xf32, #tpu.memory_space<vmem>>)
      %dma_start3A_277 = arith.constant 0 : i32
      %dma_start3A_278 = arith.constant 0 : i32
      %dma_start3A_279 = tpu.memref_slice %arg12[%dma_start3A_277, %dma_start3A_278] : memref<10240x128xf32, #tpu.memory_space<vmem_shared>> -> memref<10240x128xf32, #tpu.memory_space<vmem_shared>>
      tpu.enqueue_indirect_dma source(%arg7 : memref<128x128xf32, #tpu.memory_space<vmem>>) target(%dma_start3A_279 : memref<10240x128xf32, #tpu.memory_space<vmem_shared>>) offsets(%arg11 : memref<128xi32, #tpu.memory_space<vmem>>) semaphore(%arg16 : memref<!tpu.dma_semaphore, #tpu.memory_space<semaphore_mem>>) {add = true}
      %add3A_280 = arith.constant 0 : i32
      %add3A_281 = arith.addi %mul3A_268, %add3A_280 : i32
      %dma_wait3A_282 = arith.constant 0 : i32
      %dma_wait3A_283 = arith.constant 0 : i32
      %dma_wait3A_284 = tpu.memref_slice %arg12[%dma_wait3A_282, %dma_wait3A_283] : memref<10240x128xf32, #tpu.memory_space<vmem_shared>> -> memref<10240x128xf32, #tpu.memory_space<vmem_shared>>
      tpu.wait_indirect_dma semaphore(%arg15 : memref<!tpu.dma_semaphore, #tpu.memory_space<semaphore_mem>>) src(%arg6 : memref<128x128xf32, #tpu.memory_space<vmem>>) dst(%dma_wait3A_284 : memref<10240x128xf32, #tpu.memory_space<vmem_shared>>)
      %add3A_285 = arith.constant 2 : i32
      %add3A_286 = arith.addi %add3A_281, %add3A_285 : i32
      %lt3A = arith.constant 80 : i32
      %lt3A_287 = arith.cmpi slt, %add3A_286, %lt3A : i32
      %convert_element_type3A = arith.extui %lt3A_287 : i1 to i32
      %cond3A = arith.constant 0 : i32
      %cond3A_288 = arith.cmpi ne, %convert_element_type3A, %cond3A : i32
      scf.if %cond3A_288 {
        %get3A_302 = arith.index_cast %add3A_286 : i32 to index
        %get3A_303 = arith.constant 0 : index
        %get3A_304 = tpu.vector_load %arg5[%get3A_302, %get3A_303] {strides = array<i32>} : memref<80x128xi32, #tpu.memory_space<vmem>>, vector<16xi32>,
        %and3A_305 = arith.constant 16383 : i32
        %and3A_306 = vector.broadcast %and3A_305 : i32 to vector<16xi32>
        %and3A_307 = arith.andi %get3A_304, %and3A_306 : vector<16xi32>
        %swap3A_308 = arith.constant 0 : index
        %swap3A_309 = tpu.vector_load %arg8[%swap3A_308] {strides = array<i32>} : memref<128xi32, #tpu.memory_space<vmem>>, vector<16xi32>,
        tpu.vector_store %arg8[%swap3A_308], %and3A_307 {strides = array<i32>} : memref<128xi32, #tpu.memory_space<vmem>>, vector<16xi32>,
        %shift_right_logical3A_310 = arith.constant 14 : i32
        %shift_right_logical3A_311 = vector.broadcast %shift_right_logical3A_310 : i32 to vector<16xi32>
        %shift_right_logical3A_312 = arith.shrui %get3A_304, %shift_right_logical3A_311 : vector<16xi32>
        %swap3A_313 = arith.constant 0 : index
        %swap3A_314 = tpu.vector_load %arg10[%swap3A_313] {strides = array<i32>} : memref<128xi32, #tpu.memory_space<vmem>>, vector<16xi32>,
        tpu.vector_store %arg10[%swap3A_313], %shift_right_logical3A_312 {strides = array<i32>} : memref<128xi32, #tpu.memory_space<vmem>>, vector<16xi32>,
        %get3A_315 = arith.index_cast %add3A_286 : i32 to index
        %get3A_316 = arith.constant 16 : index
        %get3A_317 = tpu.vector_load %arg5[%get3A_315, %get3A_316] {strides = array<i32>} : memref<80x128xi32, #tpu.memory_space<vmem>>, vector<16xi32>,
        %and3A_318 = arith.constant 16383 : i32
        %and3A_319 = vector.broadcast %and3A_318 : i32 to vector<16xi32>
        %and3A_320 = arith.andi %get3A_317, %and3A_319 : vector<16xi32>
        %swap3A_321 = arith.constant 16 : index
        %swap3A_322 = tpu.vector_load %arg8[%swap3A_321] {strides = array<i32>} : memref<128xi32, #tpu.memory_space<vmem>>, vector<16xi32>,
        tpu.vector_store %arg8[%swap3A_321], %and3A_320 {strides = array<i32>} : memref<128xi32, #tpu.memory_space<vmem>>, vector<16xi32>,
        %shift_right_logical3A_323 = arith.constant 14 : i32
        %shift_right_logical3A_324 = vector.broadcast %shift_right_logical3A_323 : i32 to vector<16xi32>
        %shift_right_logical3A_325 = arith.shrui %get3A_317, %shift_right_logical3A_324 : vector<16xi32>
        %swap3A_326 = arith.constant 16 : index
        %swap3A_327 = tpu.vector_load %arg10[%swap3A_326] {strides = array<i32>} : memref<128xi32, #tpu.memory_space<vmem>>, vector<16xi32>,
        tpu.vector_store %arg10[%swap3A_326], %shift_right_logical3A_325 {strides = array<i32>} : memref<128xi32, #tpu.memory_space<vmem>>, vector<16xi32>,
        %get3A_328 = arith.index_cast %add3A_286 : i32 to index
        %get3A_329 = arith.constant 32 : index
        %get3A_330 = tpu.vector_load %arg5[%get3A_328, %get3A_329] {strides = array<i32>} : memref<80x128xi32, #tpu.memory_space<vmem>>, vector<16xi32>,
        %and3A_331 = arith.constant 16383 : i32
        %and3A_332 = vector.broadcast %and3A_331 : i32 to vector<16xi32>
        %and3A_333 = arith.andi %get3A_330, %and3A_332 : vector<16xi32>
        %swap3A_334 = arith.constant 32 : index
        %swap3A_335 = tpu.vector_load %arg8[%swap3A_334] {strides = array<i32>} : memref<128xi32, #tpu.memory_space<vmem>>, vector<16xi32>,
        tpu.vector_store %arg8[%swap3A_334], %and3A_333 {strides = array<i32>} : memref<128xi32, #tpu.memory_space<vmem>>, vector<16xi32>,
        %shift_right_logical3A_336 = arith.constant 14 : i32
        %shift_right_logical3A_337 = vector.broadcast %shift_right_logical3A_336 : i32 to vector<16xi32>
        %shift_right_logical3A_338 = arith.shrui %get3A_330, %shift_right_logical3A_337 : vector<16xi32>
        %swap3A_339 = arith.constant 32 : index
        %swap3A_340 = tpu.vector_load %arg10[%swap3A_339] {strides = array<i32>} : memref<128xi32, #tpu.memory_space<vmem>>, vector<16xi32>,
        tpu.vector_store %arg10[%swap3A_339], %shift_right_logical3A_338 {strides = array<i32>} : memref<128xi32, #tpu.memory_space<vmem>>, vector<16xi32>,
        %get3A_341 = arith.index_cast %add3A_286 : i32 to index
        %get3A_342 = arith.constant 48 : index
        %get3A_343 = tpu.vector_load %arg5[%get3A_341, %get3A_342] {strides = array<i32>} : memref<80x128xi32, #tpu.memory_space<vmem>>, vector<16xi32>,
        %and3A_344 = arith.constant 16383 : i32
        %and3A_345 = vector.broadcast %and3A_344 : i32 to vector<16xi32>
        %and3A_346 = arith.andi %get3A_343, %and3A_345 : vector<16xi32>
        %swap3A_347 = arith.constant 48 : index
        %swap3A_348 = tpu.vector_load %arg8[%swap3A_347] {strides = array<i32>} : memref<128xi32, #tpu.memory_space<vmem>>, vector<16xi32>,
        tpu.vector_store %arg8[%swap3A_347], %and3A_346 {strides = array<i32>} : memref<128xi32, #tpu.memory_space<vmem>>, vector<16xi32>,
        %shift_right_logical3A_349 = arith.constant 14 : i32
        %shift_right_logical3A_350 = vector.broadcast %shift_right_logical3A_349 : i32 to vector<16xi32>
        %shift_right_logical3A_351 = arith.shrui %get3A_343, %shift_right_logical3A_350 : vector<16xi32>
        %swap3A_352 = arith.constant 48 : index
        %swap3A_353 = tpu.vector_load %arg10[%swap3A_352] {strides = array<i32>} : memref<128xi32, #tpu.memory_space<vmem>>, vector<16xi32>,
        tpu.vector_store %arg10[%swap3A_352], %shift_right_logical3A_351 {strides = array<i32>} : memref<128xi32, #tpu.memory_space<vmem>>, vector<16xi32>,
        %get3A_354 = arith.index_cast %add3A_286 : i32 to index
        %get3A_355 = arith.constant 64 : index
        %get3A_356 = tpu.vector_load %arg5[%get3A_354, %get3A_355] {strides = array<i32>} : memref<80x128xi32, #tpu.memory_space<vmem>>, vector<16xi32>,
        %and3A_357 = arith.constant 16383 : i32
        %and3A_358 = vector.broadcast %and3A_357 : i32 to vector<16xi32>
        %and3A_359 = arith.andi %get3A_356, %and3A_358 : vector<16xi32>
        %swap3A_360 = arith.constant 64 : index
        %swap3A_361 = tpu.vector_load %arg8[%swap3A_360] {strides = array<i32>} : memref<128xi32, #tpu.memory_space<vmem>>, vector<16xi32>,
        tpu.vector_store %arg8[%swap3A_360], %and3A_359 {strides = array<i32>} : memref<128xi32, #tpu.memory_space<vmem>>, vector<16xi32>,
        %shift_right_logical3A_362 = arith.constant 14 : i32
        %shift_right_logical3A_363 = vector.broadcast %shift_right_logical3A_362 : i32 to vector<16xi32>
        %shift_right_logical3A_364 = arith.shrui %get3A_356, %shift_right_logical3A_363 : vector<16xi32>
        %swap3A_365 = arith.constant 64 : index
        %swap3A_366 = tpu.vector_load %arg10[%swap3A_365] {strides = array<i32>} : memref<128xi32, #tpu.memory_space<vmem>>, vector<16xi32>,
        tpu.vector_store %arg10[%swap3A_365], %shift_right_logical3A_364 {strides = array<i32>} : memref<128xi32, #tpu.memory_space<vmem>>, vector<16xi32>,
        %get3A_367 = arith.index_cast %add3A_286 : i32 to index
        %get3A_368 = arith.constant 80 : index
        %get3A_369 = tpu.vector_load %arg5[%get3A_367, %get3A_368] {strides = array<i32>} : memref<80x128xi32, #tpu.memory_space<vmem>>, vector<16xi32>,
        %and3A_370 = arith.constant 16383 : i32
        %and3A_371 = vector.broadcast %and3A_370 : i32 to vector<16xi32>
        %and3A_372 = arith.andi %get3A_369, %and3A_371 : vector<16xi32>
        %swap3A_373 = arith.constant 80 : index
        %swap3A_374 = tpu.vector_load %arg8[%swap3A_373] {strides = array<i32>} : memref<128xi32, #tpu.memory_space<vmem>>, vector<16xi32>,
        tpu.vector_store %arg8[%swap3A_373], %and3A_372 {strides = array<i32>} : memref<128xi32, #tpu.memory_space<vmem>>, vector<16xi32>,
        %shift_right_logical3A_375 = arith.constant 14 : i32
        %shift_right_logical3A_376 = vector.broadcast %shift_right_logical3A_375 : i32 to vector<16xi32>
        %shift_right_logical3A_377 = arith.shrui %get3A_369, %shift_right_logical3A_376 : vector<16xi32>
        %swap3A_378 = arith.constant 80 : index
        %swap3A_379 = tpu.vector_load %arg10[%swap3A_378] {strides = array<i32>} : memref<128xi32, #tpu.memory_space<vmem>>, vector<16xi32>,
        tpu.vector_store %arg10[%swap3A_378], %shift_right_logical3A_377 {strides = array<i32>} : memref<128xi32, #tpu.memory_space<vmem>>, vector<16xi32>,
        %get3A_380 = arith.index_cast %add3A_286 : i32 to index
        %get3A_381 = arith.constant 96 : index
        %get3A_382 = tpu.vector_load %arg5[%get3A_380, %get3A_381] {strides = array<i32>} : memref<80x128xi32, #tpu.memory_space<vmem>>, vector<16xi32>,
        %and3A_383 = arith.constant 16383 : i32
        %and3A_384 = vector.broadcast %and3A_383 : i32 to vector<16xi32>
        %and3A_385 = arith.andi %get3A_382, %and3A_384 : vector<16xi32>
        %swap3A_386 = arith.constant 96 : index
        %swap3A_387 = tpu.vector_load %arg8[%swap3A_386] {strides = array<i32>} : memref<128xi32, #tpu.memory_space<vmem>>, vector<16xi32>,
        tpu.vector_store %arg8[%swap3A_386], %and3A_385 {strides = array<i32>} : memref<128xi32, #tpu.memory_space<vmem>>, vector<16xi32>,
        %shift_right_logical3A_388 = arith.constant 14 : i32
        %shift_right_logical3A_389 = vector.broadcast %shift_right_logical3A_388 : i32 to vector<16xi32>
        %shift_right_logical3A_390 = arith.shrui %get3A_382, %shift_right_logical3A_389 : vector<16xi32>
        %swap3A_391 = arith.constant 96 : index
        %swap3A_392 = tpu.vector_load %arg10[%swap3A_391] {strides = array<i32>} : memref<128xi32, #tpu.memory_space<vmem>>, vector<16xi32>,
        tpu.vector_store %arg10[%swap3A_391], %shift_right_logical3A_390 {strides = array<i32>} : memref<128xi32, #tpu.memory_space<vmem>>, vector<16xi32>,
        %get3A_393 = arith.index_cast %add3A_286 : i32 to index
        %get3A_394 = arith.constant 112 : index
        %get3A_395 = tpu.vector_load %arg5[%get3A_393, %get3A_394] {strides = array<i32>} : memref<80x128xi32, #tpu.memory_space<vmem>>, vector<16xi32>,
        %and3A_396 = arith.constant 16383 : i32
        %and3A_397 = vector.broadcast %and3A_396 : i32 to vector<16xi32>
        %and3A_398 = arith.andi %get3A_395, %and3A_397 : vector<16xi32>
        %swap3A_399 = arith.constant 112 : index
        %swap3A_400 = tpu.vector_load %arg8[%swap3A_399] {strides = array<i32>} : memref<128xi32, #tpu.memory_space<vmem>>, vector<16xi32>,
        tpu.vector_store %arg8[%swap3A_399], %and3A_398 {strides = array<i32>} : memref<128xi32, #tpu.memory_space<vmem>>, vector<16xi32>,
        %shift_right_logical3A_401 = arith.constant 14 : i32
        %shift_right_logical3A_402 = vector.broadcast %shift_right_logical3A_401 : i32 to vector<16xi32>
        %shift_right_logical3A_403 = arith.shrui %get3A_395, %shift_right_logical3A_402 : vector<16xi32>
        %swap3A_404 = arith.constant 112 : index
        %swap3A_405 = tpu.vector_load %arg10[%swap3A_404] {strides = array<i32>} : memref<128xi32, #tpu.memory_space<vmem>>, vector<16xi32>,
        tpu.vector_store %arg10[%swap3A_404], %shift_right_logical3A_403 {strides = array<i32>} : memref<128xi32, #tpu.memory_space<vmem>>, vector<16xi32>,
        %dma_start3A_406 = arith.constant 0 : i32
        %dma_start3A_407 = arith.constant 0 : i32
        %dma_start3A_408 = tpu.memref_slice %arg2[%dma_start3A_406, %dma_start3A_407] : memref<10000x128xf32, #tpu.memory_space<hbm>> -> memref<10000x128xf32, #tpu.memory_space<hbm>>
        tpu.enqueue_indirect_dma source(%dma_start3A_408 : memref<10000x128xf32, #tpu.memory_space<hbm>>) target(%arg6 : memref<128x128xf32, #tpu.memory_space<vmem>>) offsets(%arg8 : memref<128xi32, #tpu.memory_space<vmem>>) semaphore(%arg13 : memref<!tpu.dma_semaphore, #tpu.memory_space<semaphore_mem>>)
      } else {
      }
      %add3A_289 = arith.constant 1 : i32
      %add3A_290 = arith.addi %mul3A_268, %add3A_289 : i32
      %dma_wait3A_291 = arith.constant 0 : i32
      %dma_wait3A_292 = arith.constant 0 : i32
      %dma_wait3A_293 = tpu.memref_slice %arg12[%dma_wait3A_291, %dma_wait3A_292] : memref<10240x128xf32, #tpu.memory_space<vmem_shared>> -> memref<10240x128xf32, #tpu.memory_space<vmem_shared>>
      tpu.wait_indirect_dma semaphore(%arg16 : memref<!tpu.dma_semaphore, #tpu.memory_space<semaphore_mem>>) src(%arg7 : memref<128x128xf32, #tpu.memory_space<vmem>>) dst(%dma_wait3A_293 : memref<10240x128xf32, #tpu.memory_space<vmem_shared>>)
      %add3A_294 = arith.constant 2 : i32
      %add3A_295 = arith.addi %add3A_290, %add3A_294 : i32
      %lt3A_296 = arith.constant 80 : i32
      %lt3A_297 = arith.cmpi slt, %add3A_295, %lt3A_296 : i32
      %convert_element_type3A_298 = arith.extui %lt3A_297 : i1 to i32
      %cond3A_299 = arith.constant 0 : i32
      %cond3A_300 = arith.cmpi ne, %convert_element_type3A_298, %cond3A_299 : i32
      scf.if %cond3A_300 {
        %get3A_302 = arith.index_cast %add3A_295 : i32 to index
        %get3A_303 = arith.constant 0 : index
        %get3A_304 = tpu.vector_load %arg5[%get3A_302, %get3A_303] {strides = array<i32>} : memref<80x128xi32, #tpu.memory_space<vmem>>, vector<16xi32>,
        %and3A_305 = arith.constant 16383 : i32
        %and3A_306 = vector.broadcast %and3A_305 : i32 to vector<16xi32>
        %and3A_307 = arith.andi %get3A_304, %and3A_306 : vector<16xi32>
        %swap3A_308 = arith.constant 0 : index
        %swap3A_309 = tpu.vector_load %arg9[%swap3A_308] {strides = array<i32>} : memref<128xi32, #tpu.memory_space<vmem>>, vector<16xi32>,
        tpu.vector_store %arg9[%swap3A_308], %and3A_307 {strides = array<i32>} : memref<128xi32, #tpu.memory_space<vmem>>, vector<16xi32>,
        %shift_right_logical3A_310 = arith.constant 14 : i32
        %shift_right_logical3A_311 = vector.broadcast %shift_right_logical3A_310 : i32 to vector<16xi32>
        %shift_right_logical3A_312 = arith.shrui %get3A_304, %shift_right_logical3A_311 : vector<16xi32>
        %swap3A_313 = arith.constant 0 : index
        %swap3A_314 = tpu.vector_load %arg11[%swap3A_313] {strides = array<i32>} : memref<128xi32, #tpu.memory_space<vmem>>, vector<16xi32>,
        tpu.vector_store %arg11[%swap3A_313], %shift_right_logical3A_312 {strides = array<i32>} : memref<128xi32, #tpu.memory_space<vmem>>, vector<16xi32>,
        %get3A_315 = arith.index_cast %add3A_295 : i32 to index
        %get3A_316 = arith.constant 16 : index
        %get3A_317 = tpu.vector_load %arg5[%get3A_315, %get3A_316] {strides = array<i32>} : memref<80x128xi32, #tpu.memory_space<vmem>>, vector<16xi32>,
        %and3A_318 = arith.constant 16383 : i32
        %and3A_319 = vector.broadcast %and3A_318 : i32 to vector<16xi32>
        %and3A_320 = arith.andi %get3A_317, %and3A_319 : vector<16xi32>
        %swap3A_321 = arith.constant 16 : index
        %swap3A_322 = tpu.vector_load %arg9[%swap3A_321] {strides = array<i32>} : memref<128xi32, #tpu.memory_space<vmem>>, vector<16xi32>,
        tpu.vector_store %arg9[%swap3A_321], %and3A_320 {strides = array<i32>} : memref<128xi32, #tpu.memory_space<vmem>>, vector<16xi32>,
        %shift_right_logical3A_323 = arith.constant 14 : i32
        %shift_right_logical3A_324 = vector.broadcast %shift_right_logical3A_323 : i32 to vector<16xi32>
        %shift_right_logical3A_325 = arith.shrui %get3A_317, %shift_right_logical3A_324 : vector<16xi32>
        %swap3A_326 = arith.constant 16 : index
        %swap3A_327 = tpu.vector_load %arg11[%swap3A_326] {strides = array<i32>} : memref<128xi32, #tpu.memory_space<vmem>>, vector<16xi32>,
        tpu.vector_store %arg11[%swap3A_326], %shift_right_logical3A_325 {strides = array<i32>} : memref<128xi32, #tpu.memory_space<vmem>>, vector<16xi32>,
        %get3A_328 = arith.index_cast %add3A_295 : i32 to index
        %get3A_329 = arith.constant 32 : index
        %get3A_330 = tpu.vector_load %arg5[%get3A_328, %get3A_329] {strides = array<i32>} : memref<80x128xi32, #tpu.memory_space<vmem>>, vector<16xi32>,
        %and3A_331 = arith.constant 16383 : i32
        %and3A_332 = vector.broadcast %and3A_331 : i32 to vector<16xi32>
        %and3A_333 = arith.andi %get3A_330, %and3A_332 : vector<16xi32>
        %swap3A_334 = arith.constant 32 : index
        %swap3A_335 = tpu.vector_load %arg9[%swap3A_334] {strides = array<i32>} : memref<128xi32, #tpu.memory_space<vmem>>, vector<16xi32>,
        tpu.vector_store %arg9[%swap3A_334], %and3A_333 {strides = array<i32>} : memref<128xi32, #tpu.memory_space<vmem>>, vector<16xi32>,
        %shift_right_logical3A_336 = arith.constant 14 : i32
        %shift_right_logical3A_337 = vector.broadcast %shift_right_logical3A_336 : i32 to vector<16xi32>
        %shift_right_logical3A_338 = arith.shrui %get3A_330, %shift_right_logical3A_337 : vector<16xi32>
        %swap3A_339 = arith.constant 32 : index
        %swap3A_340 = tpu.vector_load %arg11[%swap3A_339] {strides = array<i32>} : memref<128xi32, #tpu.memory_space<vmem>>, vector<16xi32>,
        tpu.vector_store %arg11[%swap3A_339], %shift_right_logical3A_338 {strides = array<i32>} : memref<128xi32, #tpu.memory_space<vmem>>, vector<16xi32>,
        %get3A_341 = arith.index_cast %add3A_295 : i32 to index
        %get3A_342 = arith.constant 48 : index
        %get3A_343 = tpu.vector_load %arg5[%get3A_341, %get3A_342] {strides = array<i32>} : memref<80x128xi32, #tpu.memory_space<vmem>>, vector<16xi32>,
        %and3A_344 = arith.constant 16383 : i32
        %and3A_345 = vector.broadcast %and3A_344 : i32 to vector<16xi32>
        %and3A_346 = arith.andi %get3A_343, %and3A_345 : vector<16xi32>
        %swap3A_347 = arith.constant 48 : index
        %swap3A_348 = tpu.vector_load %arg9[%swap3A_347] {strides = array<i32>} : memref<128xi32, #tpu.memory_space<vmem>>, vector<16xi32>,
        tpu.vector_store %arg9[%swap3A_347], %and3A_346 {strides = array<i32>} : memref<128xi32, #tpu.memory_space<vmem>>, vector<16xi32>,
        %shift_right_logical3A_349 = arith.constant 14 : i32
        %shift_right_logical3A_350 = vector.broadcast %shift_right_logical3A_349 : i32 to vector<16xi32>
        %shift_right_logical3A_351 = arith.shrui %get3A_343, %shift_right_logical3A_350 : vector<16xi32>
        %swap3A_352 = arith.constant 48 : index
        %swap3A_353 = tpu.vector_load %arg11[%swap3A_352] {strides = array<i32>} : memref<128xi32, #tpu.memory_space<vmem>>, vector<16xi32>,
        tpu.vector_store %arg11[%swap3A_352], %shift_right_logical3A_351 {strides = array<i32>} : memref<128xi32, #tpu.memory_space<vmem>>, vector<16xi32>,
        %get3A_354 = arith.index_cast %add3A_295 : i32 to index
        %get3A_355 = arith.constant 64 : index
        %get3A_356 = tpu.vector_load %arg5[%get3A_354, %get3A_355] {strides = array<i32>} : memref<80x128xi32, #tpu.memory_space<vmem>>, vector<16xi32>,
        %and3A_357 = arith.constant 16383 : i32
        %and3A_358 = vector.broadcast %and3A_357 : i32 to vector<16xi32>
        %and3A_359 = arith.andi %get3A_356, %and3A_358 : vector<16xi32>
        %swap3A_360 = arith.constant 64 : index
        %swap3A_361 = tpu.vector_load %arg9[%swap3A_360] {strides = array<i32>} : memref<128xi32, #tpu.memory_space<vmem>>, vector<16xi32>,
        tpu.vector_store %arg9[%swap3A_360], %and3A_359 {strides = array<i32>} : memref<128xi32, #tpu.memory_space<vmem>>, vector<16xi32>,
        %shift_right_logical3A_362 = arith.constant 14 : i32
        %shift_right_logical3A_363 = vector.broadcast %shift_right_logical3A_362 : i32 to vector<16xi32>
        %shift_right_logical3A_364 = arith.shrui %get3A_356, %shift_right_logical3A_363 : vector<16xi32>
        %swap3A_365 = arith.constant 64 : index
        %swap3A_366 = tpu.vector_load %arg11[%swap3A_365] {strides = array<i32>} : memref<128xi32, #tpu.memory_space<vmem>>, vector<16xi32>,
        tpu.vector_store %arg11[%swap3A_365], %shift_right_logical3A_364 {strides = array<i32>} : memref<128xi32, #tpu.memory_space<vmem>>, vector<16xi32>,
        %get3A_367 = arith.index_cast %add3A_295 : i32 to index
        %get3A_368 = arith.constant 80 : index
        %get3A_369 = tpu.vector_load %arg5[%get3A_367, %get3A_368] {strides = array<i32>} : memref<80x128xi32, #tpu.memory_space<vmem>>, vector<16xi32>,
        %and3A_370 = arith.constant 16383 : i32
        %and3A_371 = vector.broadcast %and3A_370 : i32 to vector<16xi32>
        %and3A_372 = arith.andi %get3A_369, %and3A_371 : vector<16xi32>
        %swap3A_373 = arith.constant 80 : index
        %swap3A_374 = tpu.vector_load %arg9[%swap3A_373] {strides = array<i32>} : memref<128xi32, #tpu.memory_space<vmem>>, vector<16xi32>,
        tpu.vector_store %arg9[%swap3A_373], %and3A_372 {strides = array<i32>} : memref<128xi32, #tpu.memory_space<vmem>>, vector<16xi32>,
        %shift_right_logical3A_375 = arith.constant 14 : i32
        %shift_right_logical3A_376 = vector.broadcast %shift_right_logical3A_375 : i32 to vector<16xi32>
        %shift_right_logical3A_377 = arith.shrui %get3A_369, %shift_right_logical3A_376 : vector<16xi32>
        %swap3A_378 = arith.constant 80 : index
        %swap3A_379 = tpu.vector_load %arg11[%swap3A_378] {strides = array<i32>} : memref<128xi32, #tpu.memory_space<vmem>>, vector<16xi32>,
        tpu.vector_store %arg11[%swap3A_378], %shift_right_logical3A_377 {strides = array<i32>} : memref<128xi32, #tpu.memory_space<vmem>>, vector<16xi32>,
        %get3A_380 = arith.index_cast %add3A_295 : i32 to index
        %get3A_381 = arith.constant 96 : index
        %get3A_382 = tpu.vector_load %arg5[%get3A_380, %get3A_381] {strides = array<i32>} : memref<80x128xi32, #tpu.memory_space<vmem>>, vector<16xi32>,
        %and3A_383 = arith.constant 16383 : i32
        %and3A_384 = vector.broadcast %and3A_383 : i32 to vector<16xi32>
        %and3A_385 = arith.andi %get3A_382, %and3A_384 : vector<16xi32>
        %swap3A_386 = arith.constant 96 : index
        %swap3A_387 = tpu.vector_load %arg9[%swap3A_386] {strides = array<i32>} : memref<128xi32, #tpu.memory_space<vmem>>, vector<16xi32>,
        tpu.vector_store %arg9[%swap3A_386], %and3A_385 {strides = array<i32>} : memref<128xi32, #tpu.memory_space<vmem>>, vector<16xi32>,
        %shift_right_logical3A_388 = arith.constant 14 : i32
        %shift_right_logical3A_389 = vector.broadcast %shift_right_logical3A_388 : i32 to vector<16xi32>
        %shift_right_logical3A_390 = arith.shrui %get3A_382, %shift_right_logical3A_389 : vector<16xi32>
        %swap3A_391 = arith.constant 96 : index
        %swap3A_392 = tpu.vector_load %arg11[%swap3A_391] {strides = array<i32>} : memref<128xi32, #tpu.memory_space<vmem>>, vector<16xi32>,
        tpu.vector_store %arg11[%swap3A_391], %shift_right_logical3A_390 {strides = array<i32>} : memref<128xi32, #tpu.memory_space<vmem>>, vector<16xi32>,
        %get3A_393 = arith.index_cast %add3A_295 : i32 to index
        %get3A_394 = arith.constant 112 : index
        %get3A_395 = tpu.vector_load %arg5[%get3A_393, %get3A_394] {strides = array<i32>} : memref<80x128xi32, #tpu.memory_space<vmem>>, vector<16xi32>,
        %and3A_396 = arith.constant 16383 : i32
        %and3A_397 = vector.broadcast %and3A_396 : i32 to vector<16xi32>
        %and3A_398 = arith.andi %get3A_395, %and3A_397 : vector<16xi32>
        %swap3A_399 = arith.constant 112 : index
        %swap3A_400 = tpu.vector_load %arg9[%swap3A_399] {strides = array<i32>} : memref<128xi32, #tpu.memory_space<vmem>>, vector<16xi32>,
        tpu.vector_store %arg9[%swap3A_399], %and3A_398 {strides = array<i32>} : memref<128xi32, #tpu.memory_space<vmem>>, vector<16xi32>,
        %shift_right_logical3A_401 = arith.constant 14 : i32
        %shift_right_logical3A_402 = vector.broadcast %shift_right_logical3A_401 : i32 to vector<16xi32>
        %shift_right_logical3A_403 = arith.shrui %get3A_395, %shift_right_logical3A_402 : vector<16xi32>
        %swap3A_404 = arith.constant 112 : index
        %swap3A_405 = tpu.vector_load %arg11[%swap3A_404] {strides = array<i32>} : memref<128xi32, #tpu.memory_space<vmem>>, vector<16xi32>,
        tpu.vector_store %arg11[%swap3A_404], %shift_right_logical3A_403 {strides = array<i32>} : memref<128xi32, #tpu.memory_space<vmem>>, vector<16xi32>,
        %dma_start3A_406 = arith.constant 0 : i32
        %dma_start3A_407 = arith.constant 0 : i32
        %dma_start3A_408 = tpu.memref_slice %arg2[%dma_start3A_406, %dma_start3A_407] : memref<10000x128xf32, #tpu.memory_space<hbm>> -> memref<10000x128xf32, #tpu.memory_space<hbm>>
        tpu.enqueue_indirect_dma source(%dma_start3A_408 : memref<10000x128xf32, #tpu.memory_space<hbm>>) target(%arg7 : memref<128x128xf32, #tpu.memory_space<vmem>>) offsets(%arg9 : memref<128xi32, #tpu.memory_space<vmem>>) semaphore(%arg14 : memref<!tpu.dma_semaphore, #tpu.memory_space<semaphore_mem>>)
      } else {
      }
      %scan3A_301 = arith.constant 0 : i32
      scf.yield %scan3A_301 : i32
    }
    %scan3A_259 = arith.constant 40 : i32
    %barrier3A_260 = arith.constant 0 : index
    tpu.barrier barrier_id(%barrier3A_260)
    %mul3A_261 = arith.constant 640 : i32
    %mul3A_262 = arith.muli %arg1, %mul3A_261 : i32
    %mul3A_263 = arith.constant 640 : i32
    %mul3A_264 = arith.muli %arg1, %mul3A_263 : i32
    "tpu.region"() ({
      %run_scoped3A = tpu.sem_alloc : memref<!tpu.dma_semaphore, #tpu.memory_space<semaphore_mem>>
      %dma_start3A_265 = arith.constant 0 : i32
      %dma_start3A_266 = tpu.memref_slice %arg4[%arg0, %mul3A_264, %dma_start3A_265] : memref<2x10240x128xf32, #tpu.memory_space<hbm>> -> memref<1x640x128xf32, #tpu.memory_space<hbm>>
      %dma_start3A_267 = tpu.memref_squeeze %dma_start3A_266 : memref<1x640x128xf32, #tpu.memory_space<hbm>> -> memref<640x128xf32, #tpu.memory_space<hbm>>
      %dma_start3A_268 = arith.constant 0 : i32
      %dma_start3A_269 = tpu.memref_slice %arg12[%mul3A_262, %dma_start3A_268] : memref<10240x128xf32, #tpu.memory_space<vmem_shared>> -> memref<640x128xf32, #tpu.memory_space<vmem_shared>>
      tpu.enqueue_dma source(%dma_start3A_269 : memref<640x128xf32, #tpu.memory_space<vmem_shared>>) target(%dma_start3A_267 : memref<640x128xf32, #tpu.memory_space<hbm>>) target_semaphore(%run_scoped3A : memref<!tpu.dma_semaphore, #tpu.memory_space<semaphore_mem>>)
      %dma_wait3A = arith.constant 0 : i32
      %dma_wait3A_270 = tpu.memref_slice %arg4[%arg0, %mul3A_264, %dma_wait3A] : memref<2x10240x128xf32, #tpu.memory_space<hbm>> -> memref<1x640x128xf32, #tpu.memory_space<hbm>>
      %dma_wait3A_271 = tpu.memref_squeeze %dma_wait3A_270 : memref<1x640x128xf32, #tpu.memory_space<hbm>> -> memref<640x128xf32, #tpu.memory_space<hbm>>
      %dma_wait3A_272 = arith.constant 0 : i32
      %dma_wait3A_273 = tpu.memref_slice %arg12[%mul3A_262, %dma_wait3A_272] : memref<10240x128xf32, #tpu.memory_space<vmem_shared>> -> memref<640x128xf32, #tpu.memory_space<vmem_shared>>
      tpu.wait_dma2 semaphore(%run_scoped3A : memref<!tpu.dma_semaphore, #tpu.memory_space<semaphore_mem>>) src(%dma_wait3A_273 : memref<640x128xf32, #tpu.memory_space<vmem_shared>>) dst(%dma_wait3A_271 : memref<640x128xf32, #tpu.memory_space<hbm>>)
      tpu.yield
    }) : () -> ()
    return
  }
}

module attributes {stable_mosaic.version = 14 : i64} {
  func.func @_cnt_body(%arg0: memref<32x80x128xf32, #tpu.memory_space<vmem>>, %arg1: memref<80x128xf32, #tpu.memory_space<vmem>>) attributes {dimension_semantics = [], scalar_prefetch = 0 : i64, scratch_operands = 0 : i64, tpu.core_type = #tpu.core_type<tc>} {
    %get3A = arith.constant 0 : index
    %get3A_0 = arith.constant 0 : index
    %get3A_1 = arith.constant 0 : index
    %get3A_2 = vector.load %arg0[%get3A, %get3A_0, %get3A_1] : memref<32x80x128xf32, #tpu.memory_space<vmem>>, vector<32x80x128xf32>
    %reduce_sum3A = arith.constant dense<0.000000e+00> : vector<80x128xf32>
    %reduce_sum3A_3 = vector.multi_reduction <add>, %get3A_2, %reduce_sum3A [0] : vector<32x80x128xf32> to vector<80x128xf32>
    %max3A = arith.constant 1.000000e+00 : f32
    %max3A_4 = vector.broadcast %max3A : f32 to vector<80x128xf32>
    %max3A_5 = arith.maximumf %reduce_sum3A_3, %max3A_4 : vector<80x128xf32>
    %div3A = arith.constant 1.000000e+00 : f32
    %div3A_6 = vector.broadcast %div3A : f32 to vector<80x128xf32>
    %div3A_7 = arith.divf %div3A_6, %max3A_5 : vector<80x128xf32>
    %swap3A = arith.constant 0 : index
    %swap3A_8 = arith.constant 0 : index
    %swap3A_9 = vector.load %arg1[%swap3A, %swap3A_8] : memref<80x128xf32, #tpu.memory_space<vmem>>, vector<80x128xf32>
    tpu.vector_store %arg1[%swap3A, %swap3A_8], %div3A_7 {strides = array<i32>} : memref<80x128xf32, #tpu.memory_space<vmem>>, vector<80x128xf32>,
    return
  }
}

module attributes {stable_mosaic.version = 14 : i64} {
  func.func @_layer_tc_body(%arg0: i32, %arg1: memref<2000x128xf32, #tpu.memory_space<vmem>>, %arg2: memref<2x2000x128xf32, #tpu.memory_space<vmem>>, %arg3: memref<2000x1xf32, #tpu.memory_space<vmem>>, %arg4: memref<128x128xf32, #tpu.memory_space<vmem>>, %arg5: memref<128x128xf32, #tpu.memory_space<vmem>>, %arg6: memref<1x128xf32, #tpu.memory_space<vmem>>, %arg7: memref<2000x128xf32, #tpu.memory_space<vmem>>) attributes {dimension_semantics = [#tpu.dimension_semantics<arbitrary>], iteration_bounds = array<i64: 5>, scalar_prefetch = 0 : i64, scratch_operands = 0 : i64, tpu.core_type = #tpu.core_type<tc>, window_params = [{transform_indices = @transform_0, window_bounds = array<i64: 2000, 128>}, {transform_indices = @transform_1, window_bounds = array<i64: 2, 2000, 128>}, {transform_indices = @transform_2, window_bounds = array<i64: 2000, 1>}, {pipeline_mode = #tpu.pipeline_mode<synchronous>, transform_indices = @transform_3, window_bounds = array<i64: 128, 128>}, {pipeline_mode = #tpu.pipeline_mode<synchronous>, transform_indices = @transform_4, window_bounds = array<i64: 128, 128>}, {pipeline_mode = #tpu.pipeline_mode<synchronous>, transform_indices = @transform_5, window_bounds = array<i64: 1, 128>}, {transform_indices = @transform_6, window_bounds = array<i64: 2000, 128>}]} {
    %get3A = arith.constant 0 : index
    %get3A_0 = arith.constant 0 : index
    %get3A_1 = arith.constant 0 : index
    %get3A_2 = vector.load %arg2[%get3A, %get3A_0, %get3A_1] : memref<2x2000x128xf32, #tpu.memory_space<vmem>>, vector<1x2000x128xf32>
    %get3A_3 = vector.shape_cast %get3A_2 : vector<1x2000x128xf32> to vector<2000x128xf32>
    %get3A_4 = arith.constant 1 : index
    %get3A_5 = arith.constant 0 : index
    %get3A_6 = arith.constant 0 : index
    %get3A_7 = vector.load %arg2[%get3A_4, %get3A_5, %get3A_6] : memref<2x2000x128xf32, #tpu.memory_space<vmem>>, vector<1x2000x128xf32>
    %get3A_8 = vector.shape_cast %get3A_7 : vector<1x2000x128xf32> to vector<2000x128xf32>
    %add3A = arith.addf %get3A_3, %get3A_8 : vector<2000x128xf32>
    %get3A_9 = arith.constant 0 : index
    %get3A_10 = arith.constant 0 : index
    %get3A_11 = vector.load %arg3[%get3A_9, %get3A_10] : memref<2000x1xf32, #tpu.memory_space<vmem>>, vector<2000x1xf32>
    %mul3A = vector.broadcast %get3A_11 : vector<2000x1xf32> to vector<2000x128xf32>
    %mul3A_12 = arith.mulf %add3A, %mul3A : vector<2000x128xf32>
    %get3A_13 = arith.constant 0 : index
    %get3A_14 = arith.constant 0 : index
    %get3A_15 = vector.load %arg1[%get3A_13, %get3A_14] : memref<2000x128xf32, #tpu.memory_space<vmem>>, vector<2000x128xf32>
    %get3A_16 = arith.constant 0 : index
    %get3A_17 = arith.constant 0 : index
    %get3A_18 = vector.load %arg4[%get3A_16, %get3A_17] : memref<128x128xf32, #tpu.memory_space<vmem>>, vector<128x128xf32>
    %dot_general3A = arith.constant dense<0.000000e+00> : vector<2000x128xf32>
    %dot_general3A_19 = tpu.matmul %get3A_15, %get3A_18, %dot_general3A {dimension_numbers = #tpu.dot_dimension_numbers<[1], [0], [0], [1], [0, 0, 1, 1], [], []>, transpose_lhs_hint = false} : vector<2000x128xf32>, vector<128x128xf32>, vector<2000x128xf32> -> vector<2000x128xf32>
    %get3A_20 = arith.constant 0 : index
    %get3A_21 = arith.constant 0 : index
    %get3A_22 = vector.load %arg5[%get3A_20, %get3A_21] : memref<128x128xf32, #tpu.memory_space<vmem>>, vector<128x128xf32>
    %dot_general3A_23 = arith.constant dense<0.000000e+00> : vector<2000x128xf32>
    %dot_general3A_24 = tpu.matmul %mul3A_12, %get3A_22, %dot_general3A_23 {dimension_numbers = #tpu.dot_dimension_numbers<[1], [0], [0], [1], [0, 0, 1, 1], [], []>, transpose_lhs_hint = false} : vector<2000x128xf32>, vector<128x128xf32>, vector<2000x128xf32> -> vector<2000x128xf32>
    %add3A_25 = arith.addf %dot_general3A_19, %dot_general3A_24 : vector<2000x128xf32>
    %get3A_26 = arith.constant 0 : index
    %get3A_27 = arith.constant 0 : index
    %get3A_28 = vector.load %arg6[%get3A_26, %get3A_27] : memref<1x128xf32, #tpu.memory_space<vmem>>, vector<1x128xf32>
    %add3A_29 = vector.broadcast %get3A_28 : vector<1x128xf32> to vector<2000x128xf32>
    %add3A_30 = arith.addf %add3A_25, %add3A_29 : vector<2000x128xf32>
    %max3A = arith.constant 0.000000e+00 : f32
    %max3A_31 = vector.broadcast %max3A : f32 to vector<2000x128xf32>
    %max3A_32 = arith.maximumf %add3A_30, %max3A_31 : vector<2000x128xf32>
    %swap3A = arith.constant 0 : index
    %swap3A_33 = arith.constant 0 : index
    %swap3A_34 = vector.load %arg7[%swap3A, %swap3A_33] : memref<2000x128xf32, #tpu.memory_space<vmem>>, vector<2000x128xf32>
    tpu.vector_store %arg7[%swap3A, %swap3A_33], %max3A_32 {strides = array<i32>} : memref<2000x128xf32, #tpu.memory_space<vmem>>, vector<2000x128xf32>,
    return
  }
  func.func @transform_0(%arg0: i32) -> (i32, i32) {
    %c0_i32 = arith.constant 0 : i32
    %c0_i32_0 = arith.constant 0 : i32
    return %arg0, %c0_i32 : i32, i32
  }
  func.func @transform_1(%arg0: i32) -> (i32, i32, i32) {
    %c0_i32 = arith.constant 0 : i32
    %c0_i32_0 = arith.constant 0 : i32
    %c0_i32_1 = arith.constant 0 : i32
    return %c0_i32, %arg0, %c0_i32_0 : i32, i32, i32
  }
  func.func @transform_2(%arg0: i32) -> (i32, i32) {
    %c0_i32 = arith.constant 0 : i32
    %c0_i32_0 = arith.constant 0 : i32
    return %arg0, %c0_i32 : i32, i32
  }
  func.func @transform_3(%arg0: i32) -> (i32, i32) {
    %c0_i32 = arith.constant 0 : i32
    %c0_i32_0 = arith.constant 0 : i32
    %c0_i32_1 = arith.constant 0 : i32
    return %c0_i32, %c0_i32_0 : i32, i32
  }
  func.func @transform_4(%arg0: i32) -> (i32, i32) {
    %c0_i32 = arith.constant 0 : i32
    %c0_i32_0 = arith.constant 0 : i32
    %c0_i32_1 = arith.constant 0 : i32
    return %c0_i32, %c0_i32_0 : i32, i32
  }
  func.func @transform_5(%arg0: i32) -> (i32, i32) {
    %c0_i32 = arith.constant 0 : i32
    %c0_i32_0 = arith.constant 0 : i32
    %c0_i32_1 = arith.constant 0 : i32
    return %c0_i32, %c0_i32_0 : i32, i32
  }
  func.func @transform_6(%arg0: i32) -> (i32, i32) {
    %c0_i32 = arith.constant 0 : i32
    %c0_i32_0 = arith.constant 0 : i32
    return %arg0, %c0_i32 : i32, i32
  }
}

module attributes {stable_mosaic.version = 14 : i64} {
  func.func @_layer_tc_body(%arg0: i32, %arg1: memref<2000x128xf32, #tpu.memory_space<vmem>>, %arg2: memref<2x2000x128xf32, #tpu.memory_space<vmem>>, %arg3: memref<2000x1xf32, #tpu.memory_space<vmem>>, %arg4: memref<128x128xf32, #tpu.memory_space<vmem>>, %arg5: memref<128x128xf32, #tpu.memory_space<vmem>>, %arg6: memref<1x128xf32, #tpu.memory_space<vmem>>, %arg7: memref<2000x128xf32, #tpu.memory_space<vmem>>) attributes {dimension_semantics = [#tpu.dimension_semantics<arbitrary>], iteration_bounds = array<i64: 5>, scalar_prefetch = 0 : i64, scratch_operands = 0 : i64, tpu.core_type = #tpu.core_type<tc>, window_params = [{transform_indices = @transform_0, window_bounds = array<i64: 2000, 128>}, {transform_indices = @transform_1, window_bounds = array<i64: 2, 2000, 128>}, {transform_indices = @transform_2, window_bounds = array<i64: 2000, 1>}, {pipeline_mode = #tpu.pipeline_mode<synchronous>, transform_indices = @transform_3, window_bounds = array<i64: 128, 128>}, {pipeline_mode = #tpu.pipeline_mode<synchronous>, transform_indices = @transform_4, window_bounds = array<i64: 128, 128>}, {pipeline_mode = #tpu.pipeline_mode<synchronous>, transform_indices = @transform_5, window_bounds = array<i64: 1, 128>}, {transform_indices = @transform_6, window_bounds = array<i64: 2000, 128>}]} {
    %get3A = arith.constant 0 : index
    %get3A_0 = arith.constant 0 : index
    %get3A_1 = arith.constant 0 : index
    %get3A_2 = vector.load %arg2[%get3A, %get3A_0, %get3A_1] : memref<2x2000x128xf32, #tpu.memory_space<vmem>>, vector<1x2000x128xf32>
    %get3A_3 = vector.shape_cast %get3A_2 : vector<1x2000x128xf32> to vector<2000x128xf32>
    %get3A_4 = arith.constant 1 : index
    %get3A_5 = arith.constant 0 : index
    %get3A_6 = arith.constant 0 : index
    %get3A_7 = vector.load %arg2[%get3A_4, %get3A_5, %get3A_6] : memref<2x2000x128xf32, #tpu.memory_space<vmem>>, vector<1x2000x128xf32>
    %get3A_8 = vector.shape_cast %get3A_7 : vector<1x2000x128xf32> to vector<2000x128xf32>
    %add3A = arith.addf %get3A_3, %get3A_8 : vector<2000x128xf32>
    %get3A_9 = arith.constant 0 : index
    %get3A_10 = arith.constant 0 : index
    %get3A_11 = vector.load %arg3[%get3A_9, %get3A_10] : memref<2000x1xf32, #tpu.memory_space<vmem>>, vector<2000x1xf32>
    %mul3A = vector.broadcast %get3A_11 : vector<2000x1xf32> to vector<2000x128xf32>
    %mul3A_12 = arith.mulf %add3A, %mul3A : vector<2000x128xf32>
    %get3A_13 = arith.constant 0 : index
    %get3A_14 = arith.constant 0 : index
    %get3A_15 = vector.load %arg1[%get3A_13, %get3A_14] : memref<2000x128xf32, #tpu.memory_space<vmem>>, vector<2000x128xf32>
    %get3A_16 = arith.constant 0 : index
    %get3A_17 = arith.constant 0 : index
    %get3A_18 = vector.load %arg4[%get3A_16, %get3A_17] : memref<128x128xf32, #tpu.memory_space<vmem>>, vector<128x128xf32>
    %dot_general3A = arith.constant dense<0.000000e+00> : vector<2000x128xf32>
    %dot_general3A_19 = tpu.matmul %get3A_15, %get3A_18, %dot_general3A {dimension_numbers = #tpu.dot_dimension_numbers<[1], [0], [0], [1], [0, 0, 1, 1], [], []>, transpose_lhs_hint = false} : vector<2000x128xf32>, vector<128x128xf32>, vector<2000x128xf32> -> vector<2000x128xf32>
    %get3A_20 = arith.constant 0 : index
    %get3A_21 = arith.constant 0 : index
    %get3A_22 = vector.load %arg5[%get3A_20, %get3A_21] : memref<128x128xf32, #tpu.memory_space<vmem>>, vector<128x128xf32>
    %dot_general3A_23 = arith.constant dense<0.000000e+00> : vector<2000x128xf32>
    %dot_general3A_24 = tpu.matmul %mul3A_12, %get3A_22, %dot_general3A_23 {dimension_numbers = #tpu.dot_dimension_numbers<[1], [0], [0], [1], [0, 0, 1, 1], [], []>, transpose_lhs_hint = false} : vector<2000x128xf32>, vector<128x128xf32>, vector<2000x128xf32> -> vector<2000x128xf32>
    %add3A_25 = arith.addf %dot_general3A_19, %dot_general3A_24 : vector<2000x128xf32>
    %get3A_26 = arith.constant 0 : index
    %get3A_27 = arith.constant 0 : index
    %get3A_28 = vector.load %arg6[%get3A_26, %get3A_27] : memref<1x128xf32, #tpu.memory_space<vmem>>, vector<1x128xf32>
    %add3A_29 = vector.broadcast %get3A_28 : vector<1x128xf32> to vector<2000x128xf32>
    %add3A_30 = arith.addf %add3A_25, %add3A_29 : vector<2000x128xf32>
    %swap3A = arith.constant 0 : index
    %swap3A_31 = arith.constant 0 : index
    %swap3A_32 = vector.load %arg7[%swap3A, %swap3A_31] : memref<2000x128xf32, #tpu.memory_space<vmem>>, vector<2000x128xf32>
    tpu.vector_store %arg7[%swap3A, %swap3A_31], %add3A_30 {strides = array<i32>} : memref<2000x128xf32, #tpu.memory_space<vmem>>, vector<2000x128xf32>,
    return
  }
  func.func @transform_0(%arg0: i32) -> (i32, i32) {
    %c0_i32 = arith.constant 0 : i32
    %c0_i32_0 = arith.constant 0 : i32
    return %arg0, %c0_i32 : i32, i32
  }
  func.func @transform_1(%arg0: i32) -> (i32, i32, i32) {
    %c0_i32 = arith.constant 0 : i32
    %c0_i32_0 = arith.constant 0 : i32
    %c0_i32_1 = arith.constant 0 : i32
    return %c0_i32, %arg0, %c0_i32_0 : i32, i32, i32
  }
  func.func @transform_2(%arg0: i32) -> (i32, i32) {
    %c0_i32 = arith.constant 0 : i32
    %c0_i32_0 = arith.constant 0 : i32
    return %arg0, %c0_i32 : i32, i32
  }
  func.func @transform_3(%arg0: i32) -> (i32, i32) {
    %c0_i32 = arith.constant 0 : i32
    %c0_i32_0 = arith.constant 0 : i32
    %c0_i32_1 = arith.constant 0 : i32
    return %c0_i32, %c0_i32_0 : i32, i32
  }
  func.func @transform_4(%arg0: i32) -> (i32, i32) {
    %c0_i32 = arith.constant 0 : i32
    %c0_i32_0 = arith.constant 0 : i32
    %c0_i32_1 = arith.constant 0 : i32
    return %c0_i32, %c0_i32_0 : i32, i32
  }
  func.func @transform_5(%arg0: i32) -> (i32, i32) {
    %c0_i32 = arith.constant 0 : i32
    %c0_i32_0 = arith.constant 0 : i32
    %c0_i32_1 = arith.constant 0 : i32
    return %c0_i32, %c0_i32_0 : i32, i32
  }
  func.func @transform_6(%arg0: i32) -> (i32, i32) {
    %c0_i32 = arith.constant 0 : i32
    %c0_i32_0 = arith.constant 0 : i32
    return %arg0, %c0_i32 : i32, i32
  }
}

module attributes {stable_mosaic.version = 14 : i64} {
  func.func @_pred_body(%arg0: i32, %arg1: memref<2048x128xf32, #tpu.memory_space<vmem>>, %arg2: memref<2048x128xf32, #tpu.memory_space<vmem>>, %arg3: memref<128x128xf32, #tpu.memory_space<vmem>>, %arg4: memref<1x128xf32, #tpu.memory_space<vmem>>, %arg5: memref<128x128xf32, #tpu.memory_space<vmem>>, %arg6: memref<1x128xf32, #tpu.memory_space<vmem>>, %arg7: memref<1x128xf32, #tpu.memory_space<vmem>>, %arg8: memref<1x1xf32, #tpu.memory_space<vmem>>, %arg9: memref<2048x1xf32, #tpu.memory_space<vmem>>) attributes {dimension_semantics = [#tpu.dimension_semantics<arbitrary>], iteration_bounds = array<i64: 8>, scalar_prefetch = 0 : i64, scratch_operands = 0 : i64, tpu.core_type = #tpu.core_type<tc>, window_params = [{transform_indices = @transform_0, window_bounds = array<i64: 2048, 128>}, {transform_indices = @transform_1, window_bounds = array<i64: 2048, 128>}, {pipeline_mode = #tpu.pipeline_mode<synchronous>, transform_indices = @transform_2, window_bounds = array<i64: 128, 128>}, {pipeline_mode = #tpu.pipeline_mode<synchronous>, transform_indices = @transform_3, window_bounds = array<i64: 1, 128>}, {pipeline_mode = #tpu.pipeline_mode<synchronous>, transform_indices = @transform_4, window_bounds = array<i64: 128, 128>}, {pipeline_mode = #tpu.pipeline_mode<synchronous>, transform_indices = @transform_5, window_bounds = array<i64: 1, 128>}, {pipeline_mode = #tpu.pipeline_mode<synchronous>, transform_indices = @transform_6, window_bounds = array<i64: 1, 128>}, {pipeline_mode = #tpu.pipeline_mode<synchronous>, transform_indices = @transform_7, window_bounds = array<i64: 1, 1>}, {transform_indices = @transform_8, window_bounds = array<i64: 2048, 1>}]} {
    %get3A = arith.constant 0 : index
    %get3A_0 = arith.constant 0 : index
    %get3A_1 = vector.load %arg1[%get3A, %get3A_0] : memref<2048x128xf32, #tpu.memory_space<vmem>>, vector<2048x128xf32>
    %get3A_2 = arith.constant 0 : index
    %get3A_3 = arith.constant 0 : index
    %get3A_4 = vector.load %arg2[%get3A_2, %get3A_3] : memref<2048x128xf32, #tpu.memory_space<vmem>>, vector<2048x128xf32>
    %mul3A = arith.mulf %get3A_1, %get3A_4 : vector<2048x128xf32>
    %get3A_5 = arith.constant 0 : index
    %get3A_6 = arith.constant 0 : index
    %get3A_7 = vector.load %arg3[%get3A_5, %get3A_6] : memref<128x128xf32, #tpu.memory_space<vmem>>, vector<128x128xf32>
    %dot_general3A = arith.constant dense<0.000000e+00> : vector<2048x128xf32>
    %dot_general3A_8 = tpu.matmul %mul3A, %get3A_7, %dot_general3A {dimension_numbers = #tpu.dot_dimension_numbers<[1], [0], [0], [1], [0, 0, 1, 1], [], []>, transpose_lhs_hint = false} : vector<2048x128xf32>, vector<128x128xf32>, vector<2048x128xf32> -> vector<2048x128xf32>
    %get3A_9 = arith.constant 0 : index
    %get3A_10 = arith.constant 0 : index
    %get3A_11 = vector.load %arg4[%get3A_9, %get3A_10] : memref<1x128xf32, #tpu.memory_space<vmem>>, vector<1x128xf32>
    %add3A = vector.broadcast %get3A_11 : vector<1x128xf32> to vector<2048x128xf32>
    %add3A_12 = arith.addf %dot_general3A_8, %add3A : vector<2048x128xf32>
    %max3A = arith.constant 0.000000e+00 : f32
    %max3A_13 = vector.broadcast %max3A : f32 to vector<2048x128xf32>
    %max3A_14 = arith.maximumf %add3A_12, %max3A_13 : vector<2048x128xf32>
    %get3A_15 = arith.constant 0 : index
    %get3A_16 = arith.constant 0 : index
    %get3A_17 = vector.load %arg5[%get3A_15, %get3A_16] : memref<128x128xf32, #tpu.memory_space<vmem>>, vector<128x128xf32>
    %dot_general3A_18 = arith.constant dense<0.000000e+00> : vector<2048x128xf32>
    %dot_general3A_19 = tpu.matmul %max3A_14, %get3A_17, %dot_general3A_18 {dimension_numbers = #tpu.dot_dimension_numbers<[1], [0], [0], [1], [0, 0, 1, 1], [], []>, transpose_lhs_hint = false} : vector<2048x128xf32>, vector<128x128xf32>, vector<2048x128xf32> -> vector<2048x128xf32>
    %get3A_20 = arith.constant 0 : index
    %get3A_21 = arith.constant 0 : index
    %get3A_22 = vector.load %arg6[%get3A_20, %get3A_21] : memref<1x128xf32, #tpu.memory_space<vmem>>, vector<1x128xf32>
    %add3A_23 = vector.broadcast %get3A_22 : vector<1x128xf32> to vector<2048x128xf32>
    %add3A_24 = arith.addf %dot_general3A_19, %add3A_23 : vector<2048x128xf32>
    %max3A_25 = arith.constant 0.000000e+00 : f32
    %max3A_26 = vector.broadcast %max3A_25 : f32 to vector<2048x128xf32>
    %max3A_27 = arith.maximumf %add3A_24, %max3A_26 : vector<2048x128xf32>
    %get3A_28 = arith.constant 0 : index
    %get3A_29 = arith.constant 0 : index
    %get3A_30 = vector.load %arg7[%get3A_28, %get3A_29] : memref<1x128xf32, #tpu.memory_space<vmem>>, vector<1x128xf32>
    %mul3A_31 = vector.broadcast %get3A_30 : vector<1x128xf32> to vector<2048x128xf32>
    %mul3A_32 = arith.mulf %max3A_27, %mul3A_31 : vector<2048x128xf32>
    %reduce_sum3A = arith.constant dense<0.000000e+00> : vector<2048xf32>
    %reduce_sum3A_33 = vector.multi_reduction <add>, %mul3A_32, %reduce_sum3A [1] : vector<2048x128xf32> to vector<2048xf32>
    %broadcast_in_dim3A = vector.shape_cast %reduce_sum3A_33 : vector<2048xf32> to vector<2048x1xf32>
    %get3A_34 = arith.constant 0 : index
    %get3A_35 = arith.constant 0 : index
    %get3A_36 = vector.load %arg8[%get3A_34, %get3A_35] : memref<1x1xf32, #tpu.memory_space<vmem>>, vector<1x1xf32>
    %get3A_37 = vector.extract %get3A_36[0, 0] : f32 from vector<1x1xf32>
    %add3A_38 = vector.broadcast %get3A_37 : f32 to vector<2048x1xf32>
    %add3A_39 = arith.addf %broadcast_in_dim3A, %add3A_38 : vector<2048x1xf32>
    %neg3A = arith.constant 0.000000e+00 : f32
    %neg3A_40 = vector.broadcast %neg3A : f32 to vector<2048x1xf32>
    %neg3A_41 = arith.subf %neg3A_40, %add3A_39 : vector<2048x1xf32>
    %exp3A = math.exp %neg3A_41 : vector<2048x1xf32>
    %add3A_42 = arith.constant 1.000000e+00 : f32
    %add3A_43 = vector.broadcast %add3A_42 : f32 to vector<2048x1xf32>
    %add3A_44 = arith.addf %add3A_43, %exp3A : vector<2048x1xf32>
    %div3A = arith.constant 1.000000e+00 : f32
    %div3A_45 = vector.broadcast %div3A : f32 to vector<2048x1xf32>
    %div3A_46 = arith.divf %div3A_45, %add3A_44 : vector<2048x1xf32>
    %swap3A = arith.constant 0 : index
    %swap3A_47 = arith.constant 0 : index
    %swap3A_48 = vector.load %arg9[%swap3A, %swap3A_47] : memref<2048x1xf32, #tpu.memory_space<vmem>>, vector<2048x1xf32>
    tpu.vector_store %arg9[%swap3A, %swap3A_47], %div3A_46 {strides = array<i32>} : memref<2048x1xf32, #tpu.memory_space<vmem>>, vector<2048x1xf32>,
    return
  }
  func.func @transform_0(%arg0: i32) -> (i32, i32) {
    %c0_i32 = arith.constant 0 : i32
    %c0_i32_0 = arith.constant 0 : i32
    return %arg0, %c0_i32 : i32, i32
  }
  func.func @transform_1(%arg0: i32) -> (i32, i32) {
    %c0_i32 = arith.constant 0 : i32
    %c0_i32_0 = arith.constant 0 : i32
    return %arg0, %c0_i32 : i32, i32
  }
  func.func @transform_2(%arg0: i32) -> (i32, i32) {
    %c0_i32 = arith.constant 0 : i32
    %c0_i32_0 = arith.constant 0 : i32
    %c0_i32_1 = arith.constant 0 : i32
    return %c0_i32, %c0_i32_0 : i32, i32
  }
  func.func @transform_3(%arg0: i32) -> (i32, i32) {
    %c0_i32 = arith.constant 0 : i32
    %c0_i32_0 = arith.constant 0 : i32
    %c0_i32_1 = arith.constant 0 : i32
    return %c0_i32, %c0_i32_0 : i32, i32
  }
  func.func @transform_4(%arg0: i32) -> (i32, i32) {
    %c0_i32 = arith.constant 0 : i32
    %c0_i32_0 = arith.constant 0 : i32
    %c0_i32_1 = arith.constant 0 : i32
    return %c0_i32, %c0_i32_0 : i32, i32
  }
  func.func @transform_5(%arg0: i32) -> (i32, i32) {
    %c0_i32 = arith.constant 0 : i32
    %c0_i32_0 = arith.constant 0 : i32
    %c0_i32_1 = arith.constant 0 : i32
    return %c0_i32, %c0_i32_0 : i32, i32
  }
  func.func @transform_6(%arg0: i32) -> (i32, i32) {
    %c0_i32 = arith.constant 0 : i32
    %c0_i32_0 = arith.constant 0 : i32
    %c0_i32_1 = arith.constant 0 : i32
    return %c0_i32, %c0_i32_0 : i32, i32
  }
  func.func @transform_7(%arg0: i32) -> (i32, i32) {
    %c0_i32 = arith.constant 0 : i32
    %c0_i32_0 = arith.constant 0 : i32
    %c0_i32_1 = arith.constant 0 : i32
    return %c0_i32, %c0_i32_0 : i32, i32
  }
  func.func @transform_8(%arg0: i32) -> (i32, i32) {
    %c0_i32 = arith.constant 0 : i32
    %c0_i32_0 = arith.constant 0 : i32
    return %arg0, %c0_i32 : i32, i32
  }
}

</mosaic_0001>

<sc_bundles>
// kernel: sc_hist.3.cloned.1.call-start
scs
__scs_entry_jumppad:
0x0: {  	(pc) =	sbr.rel $0x88, $3  }
0x1: {  	(tag) =	ssettag $0x0;
	lr =	simm.s32 $0x1  }
0x2: {  	[smem:$0x3F92] =	sst lr;
	_ =	strace $0xD0000000  }
0x3: {  	_ = 	snop  }
0x4: {  	_ = 	snop  }
0x5: {  	_ = 	snop  }
0x6: {  	_ = 	snop  }
0x7: {  	_ = 	snop  }
__scs_overlays_trampoline_lowered:
0x8: {  	[smem:$0x3FA1] =	sst s0  }
0x9: {  	[smem:$0x3FA2] =	sst s1  }
0xa: {  	[smem:$0x3FA3] =	sst s2  }
0xb: {  	[smem:$0x3FA4] =	sst s3  }
0xc: {  	[smem:$0x3FA5] =	sst s4  }
0xd: {  	[smem:$0x3FA6] =	sst s5  }
0xe: {  	[smem:$0x3FA7] =	sst s6  }
0xf: {  	[smem:$0x3FA8] =	sst s7  }
0x10: {  	[smem:$0x3FA9] =	sst s8  }
0x11: {  	[smem:$0x3FAA] =	sst s9;
	s0 =	simm.s32 @!p0 $0x0  }
0x12: {  	s1 =	sld [smem:$0x3F90];
	s0 =	simm.s32 @p0 $0x1  }
0x13: {  	[smem:$0x3FAB] =	sst s0;
	s0 =	simm.s32 @!p1 $0x0  }
0x14: {  	s2 =	sld [smem:$0x3F8F];
	s0 =	simm.s32 @p1 $0x1  }
0x15: {  	[smem:$0x3FAC] =	sst s0;
	s0 =	simm.s32 @!p2 $0x0  }
0x16: {  	s3 =	sld [smem:$0x3FDB];
	s0 =	simm.s32 @p2 $0x1  }
0x17: {  	s4 =	simm.s32 $0x1BF5;
	[smem:$0x3FAE] =	sst s0  }
0x18: {  	s0 =	sld [smem:$0x3F91];
	_ =	swait.ge [sflag:s4], $0x0  }
0x19: {  	s7 =	sld [smem:$0x3F92]  }
0x1a: {  	s8 =	sadd.s32 $0xFFFFE003, lr  }
0x1b: {  	s9 =	sadd.s32 $0xFFFFFEF7, lr;
	s5 =	simm.s32 $0xFFFFFFFF;
	p2 =	slt.u32 s8, $0xFFFFF086  }
0x1c: {  	p1 =	slt.u32 s9, $0xF7A;
	s5 =	simm.s32 @!p2 $0x0  }
0x1d: {  	s5 =	simm.s32 @p1 $0x1;
	p0 =	seq.s32 s7, s2  }
0x1e: {  	s7 =	smul.u32 @!p0 $0xF7A, s2;
	p2 =	seq.s32 @!p0 s5, $0x0  }
0x1f: {  	s9 =	smul.u32 $0xF7A, s1;
	s8 =	simm.s32 @!p0 $0x1BF5;
	p2 =	por !p2, p0  }
0x20: {  	[sflag:s8] =	ssyncset.s32 @!p0 $0xFFFFF086;
	s6 =	sadd.s32 @!p0 s3, s7;
	s7 =	simm.s32 @!p0 $0x108  }
0x21: {  	s3 =	sadd.s32 s3, s9;
	s6 =	sadd.s32 @!p0 $0x88, s6;
	s7 =	simm.s32 @p2 $0x1082  }
0x22: {  	[simem:s7], [sflag:s8] =	dma.local @!p0 [hbm:s6], $0xF7A  }
0x23: {  	s9 =	sor.u32 $0xD0000000, s2;
	s6 =	simm.s32 $0x108;
	_ =	swait.ge @!p0 [sflag:s8], $0x0  }
0x24: {  	s3 =	sadd.s32 $0x88, s3;
	s6 =	simm.s32 @!p1 $0x1082;
	[sflag:s4] =	ssyncset.s32 $0xFFFFF086  }
0x25: {  	[simem:s6], [sflag:s4] =	dma.local [hbm:s3], $0xF7A  }
0x26: {  	[smem:$0x3F92] =	sst s1;
	(tag) =	ssettag s2;
	_ =	strace s9  }
0x27: {  	s1 =	sld [smem:$0x3FA2]  }
0x28: {  	s2 =	sld [smem:$0x3FA3]  }
0x29: {  	s4 =	sld [smem:$0x3FA5]  }
0x2a: {  	p0 =	seq.s32 s5, $0x0;
	s5 =	sld [smem:$0x3FA6]  }
0x2b: {  	s6 =	sld [smem:$0x3FA7]  }
0x2c: {  	s7 =	sld [smem:$0x3FA8]  }
0x2d: {  	s3 =	simm.s32 $0x108;
	s8 =	sld [smem:$0x3FA9]  }
0x2e: {  	s3 =	simm.s32 @!p0 $0x1082;
	s9 =	sld [smem:$0x3FAA]  }
0x2f: {  	lr =	sadd.s32 s0, s3;
	s0 =	sld [smem:$0x3FA1]  }
0x30: {  	s3 =	sld [smem:$0x3FA4]  }
0x31: {  	[smem:$0x3FAD] =	sst s10  }
0x32: {  	s10 =	sld [smem:$0x3FAB];
	_ =	sdelay $0x3  }
0x33: {  	p0 =	seq.s32 s10, $0x1;
	s10 =	sld [smem:$0x3FAD];
	_ =	sdelay $0x3  }
0x34: {  	[smem:$0x3FAD] =	sst s10  }
0x35: {  	s10 =	sld [smem:$0x3FAC];
	_ =	sdelay $0x3  }
0x36: {  	p1 =	seq.s32 s10, $0x1;
	s10 =	sld [smem:$0x3FAD];
	_ =	sdelay $0x3  }
0x37: {  	[smem:$0x3FAD] =	sst s10  }
0x38: {  	s10 =	sld [smem:$0x3FAE]  }
0x39: {  	_ = 	snop;
	(pc) =	sbr.ind lr, $3  }
0x3a: {  	_ = 	snop  }
0x3b: {  	_ = 	snop  }
0x3c: {  	p2 =	seq.s32 s10, $0x1;
	s10 =	sld [smem:$0x3FAD]  }
0x3d: {  	_ =	shalt  }
0x3e: {  	_ =	shalt  }
0x3f: {  	_ =	shalt  }
0x40: {  	_ =	shalt  }
0x41: {  	_ =	shalt  }
0x42: {  	_ =	shalt  }
0x43: {  	_ =	shalt  }
0x44: {  	_ =	shalt  }
0x45: {  	_ =	shalt  }
0x46: {  	_ =	shalt  }
0x47: {  	_ =	shalt  }
0x48: {  	_ =	shalt  }
0x49: {  	_ =	shalt  }
0x4a: {  	_ =	shalt  }
0x4b: {  	_ =	shalt  }
0x4c: {  	_ =	shalt  }
0x4d: {  	_ =	shalt  }
0x4e: {  	_ =	shalt  }
0x4f: {  	_ =	shalt  }
0x50: {  	_ =	shalt  }
0x51: {  	_ =	shalt  }
0x52: {  	_ =	shalt  }
0x53: {  	_ =	shalt  }
0x54: {  	_ =	shalt  }
0x55: {  	_ =	shalt  }
0x56: {  	_ =	shalt  }
0x57: {  	_ =	shalt  }
0x58: {  	_ =	shalt  }
0x59: {  	_ =	shalt  }
0x5a: {  	_ =	shalt  }
0x5b: {  	_ =	shalt  }
0x5c: {  	_ =	shalt  }
0x5d: {  	_ =	shalt  }
0x5e: {  	_ =	shalt  }
0x5f: {  	_ =	shalt  }
0x60: {  	_ =	shalt  }
0x61: {  	_ =	shalt  }
0x62: {  	_ =	shalt  }
0x63: {  	_ =	shalt  }
0x64: {  	_ =	shalt  }
0x65: {  	_ =	shalt  }
0x66: {  	_ =	shalt  }
0x67: {  	_ =	shalt  }
0x68: {  	_ =	shalt  }
0x69: {  	_ =	shalt  }
0x6a: {  	_ =	shalt  }
0x6b: {  	_ =	shalt  }
0x6c: {  	_ =	shalt  }
0x6d: {  	_ =	shalt  }
0x6e: {  	_ =	shalt  }
0x6f: {  	_ =	shalt  }
0x70: {  	_ =	shalt  }
0x71: {  	_ =	shalt  }
0x72: {  	_ =	shalt  }
0x73: {  	_ =	shalt  }
0x74: {  	_ =	shalt  }
0x75: {  	_ =	shalt  }
0x76: {  	_ =	shalt  }
0x77: {  	_ =	shalt  }
0x78: {  	_ =	shalt  }
0x79: {  	_ =	shalt  }
0x7a: {  	_ =	shalt  }
0x7b: {  	_ =	shalt  }
0x7c: {  	_ =	shalt  }
0x7d: {  	_ =	shalt  }
0x7e: {  	_ =	shalt  }
0x7f: {  	_ =	shalt  }
0x80: {  	_ =	shalt  }
0x81: {  	_ =	shalt  }
0x82: {  	_ =	shalt  }
0x83: {  	_ =	shalt  }
0x84: {  	_ =	shalt  }
0x85: {  	_ =	shalt  }
0x86: {  	_ =	shalt  }
0x87: {  	_ =	shalt  }
.Lfunc_end0:
.L_simem_size_0:
called_computation_lowered:
.L_overlay_start_0:
0x88: {  	s2 =	sld [smem:$0x3FD9]  }
0x89: {  	s3 =	sld [smem:$0x3FFE];
	_ =	sdelay $0x1  }
0x8a: {  	s1 =	srdreg.scid  }
0x8b: {  	s0 =	sand.u32 $0x1, s1  }
0x8c: {  	s16 =	sshll.u32 s0, $0xA;
	s2 =	sadd.s32 s3, s2  }
0x8d: {  	s2 =	sadd.s32 s2, s16  }
0x8e: {  	[smem:$0x3FB9] =	sst s2  }
0x8f: {  	_ = 	snop  }
0x90: {  	(tm) =	ssettm $0x1  }
0x91: {  	s17 =	sld [smem:$0x3FFB];
	_ =	sdelay $0x3  }
0x92: {  	_ =	strace s17  }
0x93: {  	s2 =	sld [smem:$0x3FFC];
	_ =	sdelay $0x3  }
0x94: {  	_ =	strace s2  }
0x95: {  	s2 =	sld [smem:$0x3FFD];
	_ =	sdelay $0x3  }
0x96: {  	_ =	strace s2  }
0x97: {  	_ =	strace $0x8FFFFFFF  }
0x98: {  	s18 =	sld [smem:$0x3FDB];
	_ =	sdelay $0x1  }
0x99: {  	s19 =	simm.s32 $_scs_section_size  }
0x9a: {  	s4 =	simm.s32 $_size__tile_overlayer_lowered;
	s5 =	simm.s32 $_tile_overlayer_lowered  }
0x9b: {  	s22 =	simm.s32 $0x1BFF;
	s21 =	sshll.u32 s5, $0x1;
	s2 =	sadd.s32 s19, s18  }
0x9c: {  	s6 =	simm.s32 $0x0;
	s20 =	sshll.u32 s4, $0x1;
	s4 =	sadd.s32 s21, s2  }
0x9d: {  	[timem:s6], [sflag:s22] =	dma.local [hbm:s4], s20  }
0x9e: {  	_ =	swait.ge [sflag:s22], s20  }
0x9f: {  	s3 =	ssub.s32 $0x0, s20;
	[sflag:s22] =	ssyncset.done $0x0  }
0xa0: {  	[sflag:s22] =	ssyncadd.s32 s3;
	_ =	sdelay $0x1  }
0xa1: {  	s23 =	simm.s32 $0x1B8B  }
0xa2: {  	_ =	swait.ge [sflag:s23], $0x1  }
0xa3: {  	[sflag:s23] =	ssyncset.done $0x0  }
0xa4: {  	s25 =	simm.s32 $0x1B8E;
	s24 =	sld [smem:$0x3FFE];
	[sflag:s23] =	ssyncadd.s32 $0xFFFFFFFF  }
0xa5: {  	s26 =	simm.s32 $execute0_lowered;
	[smem:$0x3FD2] =	sst s25  }
0xa6: {  	s4 =	sshll.u32 s26, $0x1;
	_ =	strace $0x80000046;
	[dreg:$0x1] =	wrdreg $0xFFFFFFFF  }
0xa7: {  	s28 =	simm.s32 $_size_execute0_lowered;
	s2 =	sadd.s32 s2, s4;
	[dreg:$0x0] =	wrdreg $0x0  }
0xa8: {  	s4 =	sshll.u32 s28, $0x1;
	[dreg:$0x2] =	wrdreg s2  }
0xa9: {  	[dreg:$0x3] =	wrdreg s4  }
0xaa: {  	[dreg:$0x4] =	wrdreg $0xC0  }
0xab: {  	_ =	task [dreg:s6], $0x5FFFF  }
0xac: {  	[dreg:$0x1] =	wrdreg $0xFFFFFFFF  }
0xad: {  	[dreg:$0x0] =	wrdreg $0x60  }
0xae: {  	[dreg:$0x2] =	wrdreg s24  }
0xaf: {  	[dreg:$0x3] =	wrdreg $0x9  }
0xb0: {  	_ =	task.clear_ibuf [dreg:s6], $0x4FFFF;
	_ =	strace $0x90000046  }
0xb1: {  	s29 =	simm.s32 $0x9;
	_ =	strace $0x80000048  }
0xb2: {  	_ =	swait.ge [sflag:s29], $0x1  }
0xb3: {  	[sflag:s29] =	ssyncadd.s32 $0xFFFFFFFF  }
0xb4: {  	_ =	strace $0x90000048  }
0xb5: {  	_ =	sfence  }
0xb6: {  	s30 =	sld [smem:$0x0];
	_ =	sdelay $0x2  }
0xb7: {  	s31 =	sshll.u32 s1, $0xD;
	s1 =	sshrl.u32 s1, $0x2  }
0xb8: {  	s3 =	sand.u32 $0x4000, s31;
	s1 =	sadd.s32 s1, s30  }
0xb9: {  	s0 =	sor.u32 s3, s0;
	s1 =	sshll.u32 s1, $0x11  }
0xba: {  	s0 =	sor.u32 s1, s0  }
0xbb: {  	s0 =	sadd.s32 $0x8F2B, s0  }
0xbc: {  	[sflag:s0] =	ssyncadd.remote.s32 $0x1  }
0xbd: {  	_ =	sfence.sel $0xFFFF  }
0xbe: {  	[dreg:$0x0] =	wrdreg $0xFFFFFFFF;
	(pc) =	sbr.abs _section_cstart, $3  }
0xbf: {  	[dreg:$0x1] =	wrdreg $0xFFFFFFFF  }
0xc0: {  	_ =	task.clear_ibuf [dreg:s6], $0x2FFFF;
	_ =	strace $0x9FFFFFFF  }
0xc1: {  	(tm) =	ssettm $0x7FFFFFFF  }
tec
execute0_lowered:
.L_overlay_start_1:
0x0: {  	(tag) =	ssettag $0x1  }
0x1: {  	s1 =	srdreg.scid  }
0x2: {  	s0 =	stileid.u32;
	s5 =	rddreg [dreg:$0x0]  }
0x3: {  	s2 =	simm.s32 $0x0;
	s8 =	simm.s32 $0x1;
	s9 =	simm.s32 $0x2800  }
0x4: {  	s10 =	simm.s32 $0x0;
	s3 =	sand.u32 $0x1, s1;
	s29 =	sshll.u32 s0, $0x1  }
0x5: {  	s30 =	sshrl.u32 s0, $0x2;
	s1 =	rddreg [dreg:$0x1];
	s4 =	sor.u32 s3, s29  }
0x6: {  	[smem:$0x7FF] =	sst s2;
	s6 =	smul.u32 $0x14000, s30;
	s7 =	sshll.u32 s4, $0x7  }
0x7: {  	s3 =	ssub.s32 $0x2, s3;
	s4 =	smul.u32 $0x500, s4;
	s7 =	sand.u32 $0x380, s7  }
0x8: {  	_ =	strace $0x80000047;
	s31 =	sshrl.u32 s3, $0x1;
	s6 =	sor.u32 s6, s7  }
0x9: {  	s4 =	sadd.s32 s4, s5;
	s7 =	simm.s32 $0x400;
	s6 =	sshrl.u32 s6, $0x3  }
0xa: {  	s4 =	sadd.s32 $0x17400, s4;
	s6 =	sadd.s32 s6, s5;
	s5 =	ssub.s32 s3, s31  }
0xb: {  	v0 =	vimm.f32 $0.0e+00;
	v1 =	vimm.f32 $1.000000000e+00;
	s3 =	sadd.s32 $0xD400, s6;
	s5 =	smax.u32 s5, $0x1;
	s6 =	simm.s32 $0x80  }
.LBB2_1:
0xc: {  	[tilespmem:s2], [sflag:$0x1] =	stream.strided.gather [hbm4b:s3+s6], $0x2800, s7, s6, $0x38;
	[tilespmem:$0x5000] =	vst v63  }
0xd: {  	_ =	swait.ge [sflag:s8], $0x2800  }
0xe: {  	[sflag:s8] =	ssyncset.done $0x0  }
0xf: {  	s11 =	simm.s32 $0x0;
	[sflag:s8] =	ssyncadd.s32 $0xFFFFD800  }
.LBB2_2:
0x10: {  	p0 =	sne.s32 s11, $0x9FC0  }
.Ltmp0:
0x11: {  	_ = 	snop;
	(pc) =	sbr.rel @p0 .LBB2_2-.Ltmp0, $3  }
0x12: {  	_ =	sdelay $0x1  }
0x13: {  	s12 =	sshra.s32 s11, $0x2  }
0x14: {  	s11 =	sadd.s32 $0x40, s11;
	[tilespmem:s12+$0x2800] =	vst v0  }
0x15: {  	s12 =	simm.s32 $0x0;
	s11 =	simm.s32 $0x40  }
.LBB2_4:
0x16: {  	p0 =	sne.s32 s11, $0x9FC0;
	v2 =	vld [tilespmem:s12+$0x0];
	_ =	sdelay $0x3  }
.Ltmp1:
0x17: {  	(pc) =	sbr.rel @p0 .LBB2_4-.Ltmp1, $2  }
0x18: {  	_ =	sdelay $0x2  }
0x19: {  	s12 =	sshra.s32 s11, $0x2;
	s11 =	sadd.s32 $0x40, s11;
	[tilespmem:v2+s9+$0x0] =	vst.idx.add.f32.msk $0xffff, v1  }
0x1a: {  	v2 =	vld [tilespmem:s12+$0x0];
	_ =	sdelay $0x5  }
0x1b: {  	s10 =	sadd.s32 $0x1, s10  }
0x1c: {  	p0 =	sne.s32 s10, s5  }
.Ltmp2:
0x1d: {  	[tilespmem:v2+s9+$0x0] =	vst.idx.add.f32.msk $0xffff, v1;
	(pc) =	sbr.rel @p0 .LBB2_1-.Ltmp2, $4  }
0x1e: {  	[hbm4b:s4+s2] =	stream.linear.scatter [tilespmem:s9], [sflag:$0x1], $0x2800, $0x38;
	[tilespmem:$0x5000] =	vst v63  }
0x1f: {  	_ =	swait.ge [sflag:s8], $0x2800  }
0x20: {  	[sflag:s8] =	ssyncset.done $0x0  }
0x21: {  	[sflag:s8] =	ssyncadd.s32 $0xFFFFD800  }
0x22: {  	_ =	sfence.sel $0x180000  }
0x23: {  	[bflag:$0x0] =	sbarrier.arrive $0xFFFF  }
0x24: {  	p0 =	sne.s32 s0, $0x0;
	_ =	strace $0x90000047  }
0x25: {  	s0 =	sadd.s32 @!p0 $0x100000, s1;
	[bflag:$0x2] =	sbarrier.arrive $0xFFFF  }
0x26: {  	[sflag:s0] =	ssyncadd.tile.s32 @!p0 $0x1;
	_ =	shalt  }
.Lfunc_end2:
_tile_overlayer_lowered:
.L_overlay_start_2:
0x27: {  	(tag) =	ssettag $0x2  }
0x28: {  	s0 =	rddreg [dreg:$0x0];
	s2 =	stileid.u32  }
0x29: {  	s1 =	rddreg [dreg:$0x1];
	p0 =	sne.s32 s2, $0x0  }
0x2a: {  	s3 =	rddreg [dreg:$0x2];
	[bflag:$0x3] =	sbarrier.arrive $0xFFFF;
	s2 =	simm.s32 @!p0 $0x1C01  }
0x2b: {  	[timem:s3], [sflag:s2] =	dma.local @!p0 [hbm:s0], s1  }
0x2c: {  	s0 =	simm.s32 @!p0 $0x1  }
0x2d: {  	_ =	swait.ge @!p0 [sflag:s0], s1  }
0x2e: {  	s1 =	ssub.s32 @!p0 $0x0, s1;
	[sflag:s0] =	ssyncset.done @!p0 $0x0  }
0x2f: {  	[sflag:s0] =	ssyncadd.s32 @!p0 s1  }
0x30: {  	[bflag:$0x3] =	sbarrier.arrive $0xFFFF  }
0x31: {  	_ =	shalt  }

// kernel: sc_pair_gather.3.cloned.1.call-start
scs
__scs_entry_jumppad:
0x0: {  	(pc) =	sbr.rel $0x88, $3  }
0x1: {  	(tag) =	ssettag $0x0;
	lr =	simm.s32 $0x1  }
0x2: {  	[smem:$0x3F92] =	sst lr;
	_ =	strace $0xD0000000  }
0x3: {  	_ = 	snop  }
0x4: {  	_ = 	snop  }
0x5: {  	_ = 	snop  }
0x6: {  	_ = 	snop  }
0x7: {  	_ = 	snop  }
__scs_overlays_trampoline_lowered:
0x8: {  	[smem:$0x3FA1] =	sst s0  }
0x9: {  	[smem:$0x3FA2] =	sst s1  }
0xa: {  	[smem:$0x3FA3] =	sst s2  }
0xb: {  	[smem:$0x3FA4] =	sst s3  }
0xc: {  	[smem:$0x3FA5] =	sst s4  }
0xd: {  	[smem:$0x3FA6] =	sst s5  }
0xe: {  	[smem:$0x3FA7] =	sst s6  }
0xf: {  	[smem:$0x3FA8] =	sst s7  }
0x10: {  	[smem:$0x3FA9] =	sst s8  }
0x11: {  	[smem:$0x3FAA] =	sst s9;
	s0 =	simm.s32 @!p0 $0x0  }
0x12: {  	s1 =	sld [smem:$0x3F90];
	s0 =	simm.s32 @p0 $0x1  }
0x13: {  	[smem:$0x3FAB] =	sst s0;
	s0 =	simm.s32 @!p1 $0x0  }
0x14: {  	s2 =	sld [smem:$0x3F8F];
	s0 =	simm.s32 @p1 $0x1  }
0x15: {  	[smem:$0x3FAC] =	sst s0;
	s0 =	simm.s32 @!p2 $0x0  }
0x16: {  	s3 =	sld [smem:$0x3FDB];
	s0 =	simm.s32 @p2 $0x1  }
0x17: {  	s4 =	simm.s32 $0x1BF5;
	[smem:$0x3FAE] =	sst s0  }
0x18: {  	s0 =	sld [smem:$0x3F91];
	_ =	swait.ge [sflag:s4], $0x0  }
0x19: {  	s7 =	sld [smem:$0x3F92]  }
0x1a: {  	s8 =	sadd.s32 $0xFFFFE003, lr  }
0x1b: {  	s9 =	sadd.s32 $0xFFFFFEF7, lr;
	s5 =	simm.s32 $0xFFFFFFFF;
	p2 =	slt.u32 s8, $0xFFFFF086  }
0x1c: {  	p1 =	slt.u32 s9, $0xF7A;
	s5 =	simm.s32 @!p2 $0x0  }
0x1d: {  	s5 =	simm.s32 @p1 $0x1;
	p0 =	seq.s32 s7, s2  }
0x1e: {  	s7 =	smul.u32 @!p0 $0xF7A, s2;
	p2 =	seq.s32 @!p0 s5, $0x0  }
0x1f: {  	s9 =	smul.u32 $0xF7A, s1;
	s8 =	simm.s32 @!p0 $0x1BF5;
	p2 =	por !p2, p0  }
0x20: {  	[sflag:s8] =	ssyncset.s32 @!p0 $0xFFFFF086;
	s6 =	sadd.s32 @!p0 s3, s7;
	s7 =	simm.s32 @!p0 $0x108  }
0x21: {  	s3 =	sadd.s32 s3, s9;
	s6 =	sadd.s32 @!p0 $0x88, s6;
	s7 =	simm.s32 @p2 $0x1082  }
0x22: {  	[simem:s7], [sflag:s8] =	dma.local @!p0 [hbm:s6], $0xF7A  }
0x23: {  	s9 =	sor.u32 $0xD0000000, s2;
	s6 =	simm.s32 $0x108;
	_ =	swait.ge @!p0 [sflag:s8], $0x0  }
0x24: {  	s3 =	sadd.s32 $0x88, s3;
	s6 =	simm.s32 @!p1 $0x1082;
	[sflag:s4] =	ssyncset.s32 $0xFFFFF086  }
0x25: {  	[simem:s6], [sflag:s4] =	dma.local [hbm:s3], $0xF7A  }
0x26: {  	[smem:$0x3F92] =	sst s1;
	(tag) =	ssettag s2;
	_ =	strace s9  }
0x27: {  	s1 =	sld [smem:$0x3FA2]  }
0x28: {  	s2 =	sld [smem:$0x3FA3]  }
0x29: {  	s4 =	sld [smem:$0x3FA5]  }
0x2a: {  	p0 =	seq.s32 s5, $0x0;
	s5 =	sld [smem:$0x3FA6]  }
0x2b: {  	s6 =	sld [smem:$0x3FA7]  }
0x2c: {  	s7 =	sld [smem:$0x3FA8]  }
0x2d: {  	s3 =	simm.s32 $0x108;
	s8 =	sld [smem:$0x3FA9]  }
0x2e: {  	s3 =	simm.s32 @!p0 $0x1082;
	s9 =	sld [smem:$0x3FAA]  }
0x2f: {  	lr =	sadd.s32 s0, s3;
	s0 =	sld [smem:$0x3FA1]  }
0x30: {  	s3 =	sld [smem:$0x3FA4]  }
0x31: {  	[smem:$0x3FAD] =	sst s10  }
0x32: {  	s10 =	sld [smem:$0x3FAB];
	_ =	sdelay $0x3  }
0x33: {  	p0 =	seq.s32 s10, $0x1;
	s10 =	sld [smem:$0x3FAD];
	_ =	sdelay $0x3  }
0x34: {  	[smem:$0x3FAD] =	sst s10  }
0x35: {  	s10 =	sld [smem:$0x3FAC];
	_ =	sdelay $0x3  }
0x36: {  	p1 =	seq.s32 s10, $0x1;
	s10 =	sld [smem:$0x3FAD];
	_ =	sdelay $0x3  }
0x37: {  	[smem:$0x3FAD] =	sst s10  }
0x38: {  	s10 =	sld [smem:$0x3FAE]  }
0x39: {  	_ = 	snop;
	(pc) =	sbr.ind lr, $3  }
0x3a: {  	_ = 	snop  }
0x3b: {  	_ = 	snop  }
0x3c: {  	p2 =	seq.s32 s10, $0x1;
	s10 =	sld [smem:$0x3FAD]  }
0x3d: {  	_ =	shalt  }
0x3e: {  	_ =	shalt  }
0x3f: {  	_ =	shalt  }
0x40: {  	_ =	shalt  }
0x41: {  	_ =	shalt  }
0x42: {  	_ =	shalt  }
0x43: {  	_ =	shalt  }
0x44: {  	_ =	shalt  }
0x45: {  	_ =	shalt  }
0x46: {  	_ =	shalt  }
0x47: {  	_ =	shalt  }
0x48: {  	_ =	shalt  }
0x49: {  	_ =	shalt  }
0x4a: {  	_ =	shalt  }
0x4b: {  	_ =	shalt  }
0x4c: {  	_ =	shalt  }
0x4d: {  	_ =	shalt  }
0x4e: {  	_ =	shalt  }
0x4f: {  	_ =	shalt  }
0x50: {  	_ =	shalt  }
0x51: {  	_ =	shalt  }
0x52: {  	_ =	shalt  }
0x53: {  	_ =	shalt  }
0x54: {  	_ =	shalt  }
0x55: {  	_ =	shalt  }
0x56: {  	_ =	shalt  }
0x57: {  	_ =	shalt  }
0x58: {  	_ =	shalt  }
0x59: {  	_ =	shalt  }
0x5a: {  	_ =	shalt  }
0x5b: {  	_ =	shalt  }
0x5c: {  	_ =	shalt  }
0x5d: {  	_ =	shalt  }
0x5e: {  	_ =	shalt  }
0x5f: {  	_ =	shalt  }
0x60: {  	_ =	shalt  }
0x61: {  	_ =	shalt  }
0x62: {  	_ =	shalt  }
0x63: {  	_ =	shalt  }
0x64: {  	_ =	shalt  }
0x65: {  	_ =	shalt  }
0x66: {  	_ =	shalt  }
0x67: {  	_ =	shalt  }
0x68: {  	_ =	shalt  }
0x69: {  	_ =	shalt  }
0x6a: {  	_ =	shalt  }
0x6b: {  	_ =	shalt  }
0x6c: {  	_ =	shalt  }
0x6d: {  	_ =	shalt  }
0x6e: {  	_ =	shalt  }
0x6f: {  	_ =	shalt  }
0x70: {  	_ =	shalt  }
0x71: {  	_ =	shalt  }
0x72: {  	_ =	shalt  }
0x73: {  	_ =	shalt  }
0x74: {  	_ =	shalt  }
0x75: {  	_ =	shalt  }
0x76: {  	_ =	shalt  }
0x77: {  	_ =	shalt  }
0x78: {  	_ =	shalt  }
0x79: {  	_ =	shalt  }
0x7a: {  	_ =	shalt  }
0x7b: {  	_ =	shalt  }
0x7c: {  	_ =	shalt  }
0x7d: {  	_ =	shalt  }
0x7e: {  	_ =	shalt  }
0x7f: {  	_ =	shalt  }
0x80: {  	_ =	shalt  }
0x81: {  	_ =	shalt  }
0x82: {  	_ =	shalt  }
0x83: {  	_ =	shalt  }
0x84: {  	_ =	shalt  }
0x85: {  	_ =	shalt  }
0x86: {  	_ =	shalt  }
0x87: {  	_ =	shalt  }
.Lfunc_end0:
.L_simem_size_0:
called_computation.3_lowered:
.L_overlay_start_0:
0x88: {  	s2 =	sld [smem:$0x3FD9]  }
0x89: {  	s3 =	sld [smem:$0x3FFE];
	_ =	sdelay $0x1  }
0x8a: {  	s1 =	srdreg.scid  }
0x8b: {  	s0 =	sand.u32 $0x1, s1  }
0x8c: {  	s16 =	sshll.u32 s0, $0xA;
	s2 =	sadd.s32 s3, s2  }
0x8d: {  	s2 =	sadd.s32 s2, s16  }
0x8e: {  	[smem:$0x3FB9] =	sst s2  }
0x8f: {  	_ = 	snop  }
0x90: {  	(tm) =	ssettm $0x1  }
0x91: {  	s17 =	sld [smem:$0x3FFB];
	_ =	sdelay $0x3  }
0x92: {  	_ =	strace s17  }
0x93: {  	s2 =	sld [smem:$0x3FFC];
	_ =	sdelay $0x3  }
0x94: {  	_ =	strace s2  }
0x95: {  	s2 =	sld [smem:$0x3FFD];
	_ =	sdelay $0x3  }
0x96: {  	_ =	strace s2  }
0x97: {  	_ =	strace $0x8FFFFFFF  }
0x98: {  	s18 =	sld [smem:$0x3FDB];
	_ =	sdelay $0x1  }
0x99: {  	s19 =	simm.s32 $_scs_section_size  }
0x9a: {  	s4 =	simm.s32 $_size__tile_overlayer_lowered;
	s5 =	simm.s32 $_tile_overlayer_lowered  }
0x9b: {  	s22 =	simm.s32 $0x1BFF;
	s21 =	sshll.u32 s5, $0x1;
	s2 =	sadd.s32 s19, s18  }
0x9c: {  	s6 =	simm.s32 $0x0;
	s20 =	sshll.u32 s4, $0x1;
	s4 =	sadd.s32 s21, s2  }
0x9d: {  	[timem:s6], [sflag:s22] =	dma.local [hbm:s4], s20  }
0x9e: {  	_ =	swait.ge [sflag:s22], s20  }
0x9f: {  	s3 =	ssub.s32 $0x0, s20;
	[sflag:s22] =	ssyncset.done $0x0  }
0xa0: {  	[sflag:s22] =	ssyncadd.s32 s3;
	_ =	sdelay $0x1  }
0xa1: {  	s23 =	simm.s32 $0x1B8B  }
0xa2: {  	_ =	swait.ge [sflag:s23], $0x1  }
0xa3: {  	[sflag:s23] =	ssyncset.done $0x0  }
0xa4: {  	s25 =	simm.s32 $0x1B8E;
	s24 =	sld [smem:$0x3FFE];
	[sflag:s23] =	ssyncadd.s32 $0xFFFFFFFF  }
0xa5: {  	s26 =	simm.s32 $execute0_lowered;
	[smem:$0x3FD2] =	sst s25  }
0xa6: {  	s4 =	sshll.u32 s26, $0x1;
	_ =	strace $0x8000004F;
	[dreg:$0x1] =	wrdreg $0xFFFFFFFF  }
0xa7: {  	s28 =	simm.s32 $_size_execute0_lowered;
	s2 =	sadd.s32 s2, s4;
	[dreg:$0x0] =	wrdreg $0x0  }
0xa8: {  	s4 =	sshll.u32 s28, $0x1;
	[dreg:$0x2] =	wrdreg s2  }
0xa9: {  	[dreg:$0x3] =	wrdreg s4  }
0xaa: {  	[dreg:$0x4] =	wrdreg $0xC0  }
0xab: {  	_ =	task [dreg:s6], $0x5FFFF  }
0xac: {  	[dreg:$0x1] =	wrdreg $0xFFFFFFFF  }
0xad: {  	[dreg:$0x0] =	wrdreg $0x60  }
0xae: {  	[dreg:$0x2] =	wrdreg s24  }
0xaf: {  	[dreg:$0x3] =	wrdreg $0x9  }
0xb0: {  	_ =	task.clear_ibuf [dreg:s6], $0x4FFFF;
	_ =	strace $0x9000004F  }
0xb1: {  	s29 =	simm.s32 $0x9;
	_ =	strace $0x80000051  }
0xb2: {  	_ =	swait.ge [sflag:s29], $0x1  }
0xb3: {  	[sflag:s29] =	ssyncadd.s32 $0xFFFFFFFF  }
0xb4: {  	_ =	strace $0x90000051  }
0xb5: {  	_ =	sfence  }
0xb6: {  	s30 =	sld [smem:$0x0];
	_ =	sdelay $0x2  }
0xb7: {  	s31 =	sshll.u32 s1, $0xD;
	s1 =	sshrl.u32 s1, $0x2  }
0xb8: {  	s3 =	sand.u32 $0x4000, s31;
	s1 =	sadd.s32 s1, s30  }
0xb9: {  	s0 =	sor.u32 s3, s0;
	s1 =	sshll.u32 s1, $0x11  }
0xba: {  	s0 =	sor.u32 s1, s0  }
0xbb: {  	s0 =	sadd.s32 $0x8F2B, s0  }
0xbc: {  	[sflag:s0] =	ssyncadd.remote.s32 $0x1  }
0xbd: {  	_ =	sfence.sel $0xFFFF  }
0xbe: {  	[dreg:$0x0] =	wrdreg $0xFFFFFFFF;
	(pc) =	sbr.abs _section_cstart, $3  }
0xbf: {  	[dreg:$0x1] =	wrdreg $0xFFFFFFFF  }
0xc0: {  	_ =	task.clear_ibuf [dreg:s6], $0x2FFFF;
	_ =	strace $0x9FFFFFFF  }
0xc1: {  	(tm) =	ssettm $0x7FFFFFFF  }
tec
execute0_lowered:
.L_overlay_start_1:
0x0: {  	(tag) =	ssettag $0x1  }
0x1: {  	s1 =	srdreg.scid;
	s0 =	stileid.u32  }
0x2: {  	s21 =	sand.u32 $0x1, s1;
	s31 =	sshll.u32 s0, $0x1  }
0x3: {  	s9 =	rddreg [dreg:$0x0];
	s10 =	sor.u32 s21, s31  }
0x4: {  	s2 =	simm.s32 $0x0;
	s1 =	rddreg [dreg:$0x1];
	s3 =	sshll.u32 s10, $0x7  }
0x5: {  	[smem:$0x7FF] =	sst s2;
	s3 =	sadd.s32 s3, s9  }
0x6: {  	_ =	strace $0x80000050;
	s4 =	sadd.s32 $0x84600, s3;
	s3 =	simm.s32 $0x2  }
0x7: {  	[tilespmem:s2], [sflag:$0x2] =	stream.linear.gather [hbm4b:s4+s2], $0x400, $0x38;
	[tilespmem:$0x4400] =	vst v63  }
0x8: {  	_ =	swait.ge [sflag:s3], $0x400  }
0x9: {  	s6 =	simm.s32 $0x80;
	s7 =	simm.s32 $0x400;
	[sflag:s3] =	ssyncset.done $0x0  }
0xa: {  	s8 =	simm.s32 $0x1;
	s5 =	sadd.s32 $0x3400, s9;
	[sflag:s3] =	ssyncadd.s32 $0xFFFFFC00  }
0xb: {  	[tilespmem:s7], [sflag:$0x1] =	stream.indirect.gather [hbm4b:s5+s6], $0x80, s2, s6, $0xb8;
	[tilespmem:$0x4400] =	vst v63  }
0xc: {  	s10 =	sshll.u32 s10, $0xD;
	_ =	swait.ge [sflag:s8], $0x4000  }
0xd: {  	s22 =	sadd.s32 s10, s9;
	[sflag:s8] =	ssyncset.done $0x0  }
0xe: {  	s9 =	sadd.s32 $0x85600, s22;
	[sflag:s8] =	ssyncadd.s32 $0xFFFFC000  }
0xf: {  	[hbm4b:s9+s2] =	stream.linear.scatter [tilespmem:s7], [sflag:$0x2], $0x4000, $0x38;
	[tilespmem:$0x4400] =	vst v63  }
0x10: {  	_ =	swait.ge [sflag:s3], $0x4000  }
0x11: {  	[sflag:s3] =	ssyncset.done $0x0  }
0x12: {  	[sflag:s3] =	ssyncadd.s32 $0xFFFFC000  }
0x13: {  	[tilespmem:s7], [sflag:$0x1] =	stream.indirect.gather [hbm4b:s5+s6], $0x80, s6, s6, $0xb8;
	[tilespmem:$0x4400] =	vst v63  }
0x14: {  	_ =	swait.ge [sflag:s8], $0x4000  }
0x15: {  	[sflag:s8] =	ssyncset.done $0x0  }
0x16: {  	s10 =	sadd.s32 $0x85E00, s22;
	[sflag:s8] =	ssyncadd.s32 $0xFFFFC000  }
0x17: {  	[hbm4b:s10+s2] =	stream.linear.scatter [tilespmem:s7], [sflag:$0x2], $0x4000, $0x38;
	[tilespmem:$0x4400] =	vst v63  }
0x18: {  	_ =	swait.ge [sflag:s3], $0x4000  }
0x19: {  	[sflag:s3] =	ssyncset.done $0x0  }
0x1a: {  	s11 =	simm.s32 $0x100;
	[sflag:s3] =	ssyncadd.s32 $0xFFFFC000  }
0x1b: {  	[tilespmem:s7], [sflag:$0x1] =	stream.indirect.gather [hbm4b:s5+s6], $0x80, s11, s6, $0xb8;
	[tilespmem:$0x4400] =	vst v63  }
0x1c: {  	_ =	swait.ge [sflag:s8], $0x4000  }
0x1d: {  	[sflag:s8] =	ssyncset.done $0x0  }
0x1e: {  	s12 =	sadd.s32 $0x86600, s22;
	[sflag:s8] =	ssyncadd.s32 $0xFFFFC000  }
0x1f: {  	[hbm4b:s12+s2] =	stream.linear.scatter [tilespmem:s7], [sflag:$0x2], $0x4000, $0x38;
	[tilespmem:$0x4400] =	vst v63  }
0x20: {  	_ =	swait.ge [sflag:s3], $0x4000  }
0x21: {  	[sflag:s3] =	ssyncset.done $0x0  }
0x22: {  	s13 =	simm.s32 $0x180;
	[sflag:s3] =	ssyncadd.s32 $0xFFFFC000  }
0x23: {  	[tilespmem:s7], [sflag:$0x1] =	stream.indirect.gather [hbm4b:s5+s6], $0x80, s13, s6, $0xb8;
	[tilespmem:$0x4400] =	vst v63  }
0x24: {  	_ =	swait.ge [sflag:s8], $0x4000  }
0x25: {  	[sflag:s8] =	ssyncset.done $0x0  }
0x26: {  	s14 =	sadd.s32 $0x86E00, s22;
	[sflag:s8] =	ssyncadd.s32 $0xFFFFC000  }
0x27: {  	[hbm4b:s14+s2] =	stream.linear.scatter [tilespmem:s7], [sflag:$0x2], $0x4000, $0x38;
	[tilespmem:$0x4400] =	vst v63  }
0x28: {  	_ =	swait.ge [sflag:s3], $0x4000  }
0x29: {  	[sflag:s3] =	ssyncset.done $0x0  }
0x2a: {  	s15 =	simm.s32 $0x200;
	[sflag:s3] =	ssyncadd.s32 $0xFFFFC000  }
0x2b: {  	[tilespmem:s7], [sflag:$0x1] =	stream.indirect.gather [hbm4b:s5+s6], $0x80, s15, s6, $0xb8;
	[tilespmem:$0x4400] =	vst v63  }
0x2c: {  	_ =	swait.ge [sflag:s8], $0x4000  }
0x2d: {  	[sflag:s8] =	ssyncset.done $0x0  }
0x2e: {  	s16 =	sadd.s32 $0xC5600, s22;
	[sflag:s8] =	ssyncadd.s32 $0xFFFFC000  }
0x2f: {  	[hbm4b:s16+s2] =	stream.linear.scatter [tilespmem:s7], [sflag:$0x2], $0x4000, $0x38;
	[tilespmem:$0x4400] =	vst v63  }
0x30: {  	_ =	swait.ge [sflag:s3], $0x4000  }
0x31: {  	[sflag:s3] =	ssyncset.done $0x0  }
0x32: {  	s17 =	simm.s32 $0x280;
	[sflag:s3] =	ssyncadd.s32 $0xFFFFC000  }
0x33: {  	[tilespmem:s7], [sflag:$0x1] =	stream.indirect.gather [hbm4b:s5+s6], $0x80, s17, s6, $0xb8;
	[tilespmem:$0x4400] =	vst v63  }
0x34: {  	_ =	swait.ge [sflag:s8], $0x4000  }
0x35: {  	[sflag:s8] =	ssyncset.done $0x0  }
0x36: {  	s18 =	sadd.s32 $0xC5E00, s22;
	[sflag:s8] =	ssyncadd.s32 $0xFFFFC000  }
0x37: {  	[hbm4b:s18+s2] =	stream.linear.scatter [tilespmem:s7], [sflag:$0x2], $0x4000, $0x38;
	[tilespmem:$0x4400] =	vst v63  }
0x38: {  	_ =	swait.ge [sflag:s3], $0x4000  }
0x39: {  	[sflag:s3] =	ssyncset.done $0x0  }
0x3a: {  	s19 =	simm.s32 $0x300;
	[sflag:s3] =	ssyncadd.s32 $0xFFFFC000  }
0x3b: {  	[tilespmem:s7], [sflag:$0x1] =	stream.indirect.gather [hbm4b:s5+s6], $0x80, s19, s6, $0xb8;
	[tilespmem:$0x4400] =	vst v63  }
0x3c: {  	_ =	swait.ge [sflag:s8], $0x4000  }
0x3d: {  	[sflag:s8] =	ssyncset.done $0x0  }
0x3e: {  	s23 =	ssub.s32 $0x2, s21;
	s20 =	sadd.s32 $0xC6600, s22;
	[sflag:s8] =	ssyncadd.s32 $0xFFFFC000  }
0x3f: {  	[hbm4b:s20+s2] =	stream.linear.scatter [tilespmem:s7], [sflag:$0x2], $0x4000, $0x38;
	[tilespmem:$0x4400] =	vst v63  }
0x40: {  	s24 =	sshrl.u32 s23, $0x1;
	_ =	swait.ge [sflag:s3], $0x4000  }
0x41: {  	s23 =	ssub.s32 s23, s24;
	[sflag:s3] =	ssyncset.done $0x0  }
0x42: {  	s21 =	simm.s32 $0x380;
	s23 =	smax.u32 s23, $0x1;
	[sflag:s3] =	ssyncadd.s32 $0xFFFFC000  }
0x43: {  	[tilespmem:s7], [sflag:$0x1] =	stream.indirect.gather [hbm4b:s5+s6], $0x80, s21, s6, $0xb8;
	[tilespmem:$0x4400] =	vst v63  }
0x44: {  	p0 =	sne.s32 s23, $0x1;
	_ =	swait.ge [sflag:s8], $0x4000  }
.Ltmp0:
0x45: {  	[sflag:s8] =	ssyncset.done $0x0;
	(pc) =	sbr.rel @!p0 .LBB2_2-.Ltmp0, $4  }
0x46: {  	s22 =	sadd.s32 $0xC6E00, s22;
	[sflag:s8] =	ssyncadd.s32 $0xFFFFC000  }
0x47: {  	[hbm4b:s22+s2] =	stream.linear.scatter [tilespmem:s7], [sflag:$0x2], $0x4000, $0x38;
	[tilespmem:$0x4400] =	vst v63  }
0x48: {  	_ =	swait.ge [sflag:s3], $0x4000  }
0x49: {  	s23 =	sadd.s32 $0xFFFFFFFF, s23;
	[sflag:s3] =	ssyncset.done $0x0  }
.LBB2_1:
0x4a: {  	p0 =	sne.s32 s23, $0x1;
	s23 =	sadd.s32 $0xFFFFFFFF, s23;
	[sflag:s3] =	ssyncadd.s32 $0xFFFFC000  }
0x4b: {  	[tilespmem:s2], [sflag:$0x2] =	stream.linear.gather [hbm4b:s4+s2], $0x400, $0x38;
	[tilespmem:$0x4400] =	vst v63  }
0x4c: {  	_ =	swait.ge [sflag:s3], $0x400  }
0x4d: {  	[sflag:s3] =	ssyncset.done $0x0  }
0x4e: {  	[sflag:s3] =	ssyncadd.s32 $0xFFFFFC00  }
0x4f: {  	[tilespmem:s7], [sflag:$0x1] =	stream.indirect.gather [hbm4b:s5+s6], $0x80, s2, s6, $0xb8;
	[tilespmem:$0x4400] =	vst v63  }
0x50: {  	_ =	swait.ge [sflag:s8], $0x4000  }
0x51: {  	[sflag:s8] =	ssyncset.done $0x0  }
0x52: {  	[sflag:s8] =	ssyncadd.s32 $0xFFFFC000  }
0x53: {  	[hbm4b:s9+s2] =	stream.linear.scatter [tilespmem:s7], [sflag:$0x2], $0x4000, $0x38;
	[tilespmem:$0x4400] =	vst v63  }
0x54: {  	_ =	swait.ge [sflag:s3], $0x4000  }
0x55: {  	[sflag:s3] =	ssyncset.done $0x0  }
0x56: {  	[sflag:s3] =	ssyncadd.s32 $0xFFFFC000  }
0x57: {  	[tilespmem:s7], [sflag:$0x1] =	stream.indirect.gather [hbm4b:s5+s6], $0x80, s6, s6, $0xb8;
	[tilespmem:$0x4400] =	vst v63  }
0x58: {  	_ =	swait.ge [sflag:s8], $0x4000  }
0x59: {  	[sflag:s8] =	ssyncset.done $0x0  }
0x5a: {  	[sflag:s8] =	ssyncadd.s32 $0xFFFFC000  }
0x5b: {  	[hbm4b:s10+s2] =	stream.linear.scatter [tilespmem:s7], [sflag:$0x2], $0x4000, $0x38;
	[tilespmem:$0x4400] =	vst v63  }
0x5c: {  	_ =	swait.ge [sflag:s3], $0x4000  }
0x5d: {  	[sflag:s3] =	ssyncset.done $0x0  }
0x5e: {  	[sflag:s3] =	ssyncadd.s32 $0xFFFFC000  }
0x5f: {  	[tilespmem:s7], [sflag:$0x1] =	stream.indirect.gather [hbm4b:s5+s6], $0x80, s11, s6, $0xb8;
	[tilespmem:$0x4400] =	vst v63  }
0x60: {  	_ =	swait.ge [sflag:s8], $0x4000  }
0x61: {  	[sflag:s8] =	ssyncset.done $0x0  }
0x62: {  	[sflag:s8] =	ssyncadd.s32 $0xFFFFC000  }
0x63: {  	[hbm4b:s12+s2] =	stream.linear.scatter [tilespmem:s7], [sflag:$0x2], $0x4000, $0x38;
	[tilespmem:$0x4400] =	vst v63  }
0x64: {  	_ =	swait.ge [sflag:s3], $0x4000  }
0x65: {  	[sflag:s3] =	ssyncset.done $0x0  }
0x66: {  	[sflag:s3] =	ssyncadd.s32 $0xFFFFC000  }
0x67: {  	[tilespmem:s7], [sflag:$0x1] =	stream.indirect.gather [hbm4b:s5+s6], $0x80, s13, s6, $0xb8;
	[tilespmem:$0x4400] =	vst v63  }
0x68: {  	_ =	swait.ge [sflag:s8], $0x4000  }
0x69: {  	[sflag:s8] =	ssyncset.done $0x0  }
0x6a: {  	[sflag:s8] =	ssyncadd.s32 $0xFFFFC000  }
0x6b: {  	[hbm4b:s14+s2] =	stream.linear.scatter [tilespmem:s7], [sflag:$0x2], $0x4000, $0x38;
	[tilespmem:$0x4400] =	vst v63  }
0x6c: {  	_ =	swait.ge [sflag:s3], $0x4000  }
0x6d: {  	[sflag:s3] =	ssyncset.done $0x0  }
0x6e: {  	[sflag:s3] =	ssyncadd.s32 $0xFFFFC000  }
0x6f: {  	[tilespmem:s7], [sflag:$0x1] =	stream.indirect.gather [hbm4b:s5+s6], $0x80, s15, s6, $0xb8;
	[tilespmem:$0x4400] =	vst v63  }
0x70: {  	_ =	swait.ge [sflag:s8], $0x4000  }
0x71: {  	[sflag:s8] =	ssyncset.done $0x0  }
0x72: {  	[sflag:s8] =	ssyncadd.s32 $0xFFFFC000  }
0x73: {  	[hbm4b:s16+s2] =	stream.linear.scatter [tilespmem:s7], [sflag:$0x2], $0x4000, $0x38;
	[tilespmem:$0x4400] =	vst v63  }
0x74: {  	_ =	swait.ge [sflag:s3], $0x4000  }
0x75: {  	[sflag:s3] =	ssyncset.done $0x0  }
0x76: {  	[sflag:s3] =	ssyncadd.s32 $0xFFFFC000  }
0x77: {  	[tilespmem:s7], [sflag:$0x1] =	stream.indirect.gather [hbm4b:s5+s6], $0x80, s17, s6, $0xb8;
	[tilespmem:$0x4400] =	vst v63  }
0x78: {  	_ =	swait.ge [sflag:s8], $0x4000  }
0x79: {  	[sflag:s8] =	ssyncset.done $0x0  }
0x7a: {  	[sflag:s8] =	ssyncadd.s32 $0xFFFFC000  }
0x7b: {  	[hbm4b:s18+s2] =	stream.linear.scatter [tilespmem:s7], [sflag:$0x2], $0x4000, $0x38;
	[tilespmem:$0x4400] =	vst v63  }
0x7c: {  	_ =	swait.ge [sflag:s3], $0x4000  }
0x7d: {  	[sflag:s3] =	ssyncset.done $0x0  }
0x7e: {  	[sflag:s3] =	ssyncadd.s32 $0xFFFFC000  }
0x7f: {  	[tilespmem:s7], [sflag:$0x1] =	stream.indirect.gather [hbm4b:s5+s6], $0x80, s19, s6, $0xb8;
	[tilespmem:$0x4400] =	vst v63  }
0x80: {  	_ =	swait.ge [sflag:s8], $0x4000  }
0x81: {  	[sflag:s8] =	ssyncset.done $0x0  }
0x82: {  	[sflag:s8] =	ssyncadd.s32 $0xFFFFC000  }
0x83: {  	[hbm4b:s20+s2] =	stream.linear.scatter [tilespmem:s7], [sflag:$0x2], $0x4000, $0x38;
	[tilespmem:$0x4400] =	vst v63  }
0x84: {  	_ =	swait.ge [sflag:s3], $0x4000  }
0x85: {  	[sflag:s3] =	ssyncset.done $0x0  }
0x86: {  	[sflag:s3] =	ssyncadd.s32 $0xFFFFC000  }
0x87: {  	[tilespmem:s7], [sflag:$0x1] =	stream.indirect.gather [hbm4b:s5+s6], $0x80, s21, s6, $0xb8;
	[tilespmem:$0x4400] =	vst v63  }
0x88: {  	_ =	swait.ge [sflag:s8], $0x4000  }
.Ltmp1:
0x89: {  	[sflag:s8] =	ssyncset.done $0x0;
	(pc) =	sbr.rel @p0 .LBB2_1-.Ltmp1, $4  }
0x8a: {  	[sflag:s8] =	ssyncadd.s32 $0xFFFFC000  }
0x8b: {  	[hbm4b:s22+s2] =	stream.linear.scatter [tilespmem:s7], [sflag:$0x2], $0x4000, $0x38;
	[tilespmem:$0x4400] =	vst v63  }
0x8c: {  	_ =	swait.ge [sflag:s3], $0x4000  }
0x8d: {  	[sflag:s3] =	ssyncset.done $0x0  }
.LBB2_2:
0x8e: {  	[sflag:s3] =	ssyncadd.s32 $0xFFFFC000  }
0x8f: {  	_ =	sfence.sel $0x180000  }
0x90: {  	[bflag:$0x0] =	sbarrier.arrive $0xFFFF  }
0x91: {  	p0 =	sne.s32 s0, $0x0;
	_ =	strace $0x90000050  }
0x92: {  	s0 =	sadd.s32 @!p0 $0x100000, s1;
	[bflag:$0x2] =	sbarrier.arrive $0xFFFF  }
0x93: {  	[sflag:s0] =	ssyncadd.tile.s32 @!p0 $0x1;
	_ =	shalt  }
.Lfunc_end2:
_tile_overlayer_lowered:
.L_overlay_start_2:
0x94: {  	(tag) =	ssettag $0x2  }
0x95: {  	s0 =	rddreg [dreg:$0x0];
	s2 =	stileid.u32  }
0x96: {  	s1 =	rddreg [dreg:$0x1];
	p0 =	sne.s32 s2, $0x0  }
0x97: {  	s3 =	rddreg [dreg:$0x2];
	[bflag:$0x3] =	sbarrier.arrive $0xFFFF;
	s2 =	simm.s32 @!p0 $0x1C02  }
0x98: {  	[timem:s3], [sflag:s2] =	dma.local @!p0 [hbm:s0], s1  }
0x99: {  	s0 =	simm.s32 @!p0 $0x2  }
0x9a: {  	_ =	swait.ge @!p0 [sflag:s0], s1  }
0x9b: {  	s1 =	ssub.s32 @!p0 $0x0, s1;
	[sflag:s0] =	ssyncset.done @!p0 $0x0  }
0x9c: {  	[sflag:s0] =	ssyncadd.s32 @!p0 s1  }
0x9d: {  	[bflag:$0x3] =	sbarrier.arrive $0xFFFF  }
0x9e: {  	_ =	shalt  }

// kernel: sc_segsum.4.cloned.1.call-start
scs
__scs_entry_jumppad:
0x0: {  	(pc) =	sbr.rel $0x88, $3  }
0x1: {  	(tag) =	ssettag $0x0;
	lr =	simm.s32 $0x1  }
0x2: {  	[smem:$0x3F92] =	sst lr;
	_ =	strace $0xD0000000  }
0x3: {  	_ = 	snop  }
0x4: {  	_ = 	snop  }
0x5: {  	_ = 	snop  }
0x6: {  	_ = 	snop  }
0x7: {  	_ = 	snop  }
__scs_overlays_trampoline_lowered:
0x8: {  	[smem:$0x3FA1] =	sst s0  }
0x9: {  	[smem:$0x3FA2] =	sst s1  }
0xa: {  	[smem:$0x3FA3] =	sst s2  }
0xb: {  	[smem:$0x3FA4] =	sst s3  }
0xc: {  	[smem:$0x3FA5] =	sst s4  }
0xd: {  	[smem:$0x3FA6] =	sst s5  }
0xe: {  	[smem:$0x3FA7] =	sst s6  }
0xf: {  	[smem:$0x3FA8] =	sst s7  }
0x10: {  	[smem:$0x3FA9] =	sst s8  }
0x11: {  	[smem:$0x3FAA] =	sst s9;
	s0 =	simm.s32 @!p0 $0x0  }
0x12: {  	s1 =	sld [smem:$0x3F90];
	s0 =	simm.s32 @p0 $0x1  }
0x13: {  	[smem:$0x3FAB] =	sst s0;
	s0 =	simm.s32 @!p1 $0x0  }
0x14: {  	s2 =	sld [smem:$0x3F8F];
	s0 =	simm.s32 @p1 $0x1  }
0x15: {  	[smem:$0x3FAC] =	sst s0;
	s0 =	simm.s32 @!p2 $0x0  }
0x16: {  	s3 =	sld [smem:$0x3FDB];
	s0 =	simm.s32 @p2 $0x1  }
0x17: {  	s4 =	simm.s32 $0x1BF5;
	[smem:$0x3FAE] =	sst s0  }
0x18: {  	s0 =	sld [smem:$0x3F91];
	_ =	swait.ge [sflag:s4], $0x0  }
0x19: {  	s7 =	sld [smem:$0x3F92]  }
0x1a: {  	s8 =	sadd.s32 $0xFFFFE003, lr  }
0x1b: {  	s9 =	sadd.s32 $0xFFFFFEF7, lr;
	s5 =	simm.s32 $0xFFFFFFFF;
	p2 =	slt.u32 s8, $0xFFFFF086  }
0x1c: {  	p1 =	slt.u32 s9, $0xF7A;
	s5 =	simm.s32 @!p2 $0x0  }
0x1d: {  	s5 =	simm.s32 @p1 $0x1;
	p0 =	seq.s32 s7, s2  }
0x1e: {  	s7 =	smul.u32 @!p0 $0xF7A, s2;
	p2 =	seq.s32 @!p0 s5, $0x0  }
0x1f: {  	s9 =	smul.u32 $0xF7A, s1;
	s8 =	simm.s32 @!p0 $0x1BF5;
	p2 =	por !p2, p0  }
0x20: {  	[sflag:s8] =	ssyncset.s32 @!p0 $0xFFFFF086;
	s6 =	sadd.s32 @!p0 s3, s7;
	s7 =	simm.s32 @!p0 $0x108  }
0x21: {  	s3 =	sadd.s32 s3, s9;
	s6 =	sadd.s32 @!p0 $0x88, s6;
	s7 =	simm.s32 @p2 $0x1082  }
0x22: {  	[simem:s7], [sflag:s8] =	dma.local @!p0 [hbm:s6], $0xF7A  }
0x23: {  	s9 =	sor.u32 $0xD0000000, s2;
	s6 =	simm.s32 $0x108;
	_ =	swait.ge @!p0 [sflag:s8], $0x0  }
0x24: {  	s3 =	sadd.s32 $0x88, s3;
	s6 =	simm.s32 @!p1 $0x1082;
	[sflag:s4] =	ssyncset.s32 $0xFFFFF086  }
0x25: {  	[simem:s6], [sflag:s4] =	dma.local [hbm:s3], $0xF7A  }
0x26: {  	[smem:$0x3F92] =	sst s1;
	(tag) =	ssettag s2;
	_ =	strace s9  }
0x27: {  	s1 =	sld [smem:$0x3FA2]  }
0x28: {  	s2 =	sld [smem:$0x3FA3]  }
0x29: {  	s4 =	sld [smem:$0x3FA5]  }
0x2a: {  	p0 =	seq.s32 s5, $0x0;
	s5 =	sld [smem:$0x3FA6]  }
0x2b: {  	s6 =	sld [smem:$0x3FA7]  }
0x2c: {  	s7 =	sld [smem:$0x3FA8]  }
0x2d: {  	s3 =	simm.s32 $0x108;
	s8 =	sld [smem:$0x3FA9]  }
0x2e: {  	s3 =	simm.s32 @!p0 $0x1082;
	s9 =	sld [smem:$0x3FAA]  }
0x2f: {  	lr =	sadd.s32 s0, s3;
	s0 =	sld [smem:$0x3FA1]  }
0x30: {  	s3 =	sld [smem:$0x3FA4]  }
0x31: {  	[smem:$0x3FAD] =	sst s10  }
0x32: {  	s10 =	sld [smem:$0x3FAB];
	_ =	sdelay $0x3  }
0x33: {  	p0 =	seq.s32 s10, $0x1;
	s10 =	sld [smem:$0x3FAD];
	_ =	sdelay $0x3  }
0x34: {  	[smem:$0x3FAD] =	sst s10  }
0x35: {  	s10 =	sld [smem:$0x3FAC];
	_ =	sdelay $0x3  }
0x36: {  	p1 =	seq.s32 s10, $0x1;
	s10 =	sld [smem:$0x3FAD];
	_ =	sdelay $0x3  }
0x37: {  	[smem:$0x3FAD] =	sst s10  }
0x38: {  	s10 =	sld [smem:$0x3FAE]  }
0x39: {  	_ = 	snop;
	(pc) =	sbr.ind lr, $3  }
0x3a: {  	_ = 	snop  }
0x3b: {  	_ = 	snop  }
0x3c: {  	p2 =	seq.s32 s10, $0x1;
	s10 =	sld [smem:$0x3FAD]  }
0x3d: {  	_ =	shalt  }
0x3e: {  	_ =	shalt  }
0x3f: {  	_ =	shalt  }
0x40: {  	_ =	shalt  }
0x41: {  	_ =	shalt  }
0x42: {  	_ =	shalt  }
0x43: {  	_ =	shalt  }
0x44: {  	_ =	shalt  }
0x45: {  	_ =	shalt  }
0x46: {  	_ =	shalt  }
0x47: {  	_ =	shalt  }
0x48: {  	_ =	shalt  }
0x49: {  	_ =	shalt  }
0x4a: {  	_ =	shalt  }
0x4b: {  	_ =	shalt  }
0x4c: {  	_ =	shalt  }
0x4d: {  	_ =	shalt  }
0x4e: {  	_ =	shalt  }
0x4f: {  	_ =	shalt  }
0x50: {  	_ =	shalt  }
0x51: {  	_ =	shalt  }
0x52: {  	_ =	shalt  }
0x53: {  	_ =	shalt  }
0x54: {  	_ =	shalt  }
0x55: {  	_ =	shalt  }
0x56: {  	_ =	shalt  }
0x57: {  	_ =	shalt  }
0x58: {  	_ =	shalt  }
0x59: {  	_ =	shalt  }
0x5a: {  	_ =	shalt  }
0x5b: {  	_ =	shalt  }
0x5c: {  	_ =	shalt  }
0x5d: {  	_ =	shalt  }
0x5e: {  	_ =	shalt  }
0x5f: {  	_ =	shalt  }
0x60: {  	_ =	shalt  }
0x61: {  	_ =	shalt  }
0x62: {  	_ =	shalt  }
0x63: {  	_ =	shalt  }
0x64: {  	_ =	shalt  }
0x65: {  	_ =	shalt  }
0x66: {  	_ =	shalt  }
0x67: {  	_ =	shalt  }
0x68: {  	_ =	shalt  }
0x69: {  	_ =	shalt  }
0x6a: {  	_ =	shalt  }
0x6b: {  	_ =	shalt  }
0x6c: {  	_ =	shalt  }
0x6d: {  	_ =	shalt  }
0x6e: {  	_ =	shalt  }
0x6f: {  	_ =	shalt  }
0x70: {  	_ =	shalt  }
0x71: {  	_ =	shalt  }
0x72: {  	_ =	shalt  }
0x73: {  	_ =	shalt  }
0x74: {  	_ =	shalt  }
0x75: {  	_ =	shalt  }
0x76: {  	_ =	shalt  }
0x77: {  	_ =	shalt  }
0x78: {  	_ =	shalt  }
0x79: {  	_ =	shalt  }
0x7a: {  	_ =	shalt  }
0x7b: {  	_ =	shalt  }
0x7c: {  	_ =	shalt  }
0x7d: {  	_ =	shalt  }
0x7e: {  	_ =	shalt  }
0x7f: {  	_ =	shalt  }
0x80: {  	_ =	shalt  }
0x81: {  	_ =	shalt  }
0x82: {  	_ =	shalt  }
0x83: {  	_ =	shalt  }
0x84: {  	_ =	shalt  }
0x85: {  	_ =	shalt  }
0x86: {  	_ =	shalt  }
0x87: {  	_ =	shalt  }
.Lfunc_end0:
.L_simem_size_0:
called_computation.1_lowered:
.L_overlay_start_0:
0x88: {  	s2 =	sld [smem:$0x3FD9]  }
0x89: {  	s3 =	sld [smem:$0x3FFE];
	_ =	sdelay $0x1  }
0x8a: {  	s1 =	srdreg.scid  }
0x8b: {  	s0 =	sand.u32 $0x1, s1  }
0x8c: {  	s17 =	sshll.u32 s0, $0xA;
	s2 =	sadd.s32 s3, s2  }
0x8d: {  	s2 =	sadd.s32 s2, s17  }
0x8e: {  	[smem:$0x3FB9] =	sst s2  }
0x8f: {  	_ = 	snop  }
0x90: {  	s18 =	sld [smem:$0x3FC9];
	(tm) =	ssettm $0x1  }
0x91: {  	s19 =	sld [smem:$0x3FFB];
	_ =	sdelay $0x3  }
0x92: {  	_ =	strace s19  }
0x93: {  	s2 =	sld [smem:$0x3FFC];
	_ =	sdelay $0x3  }
0x94: {  	_ =	strace s2  }
0x95: {  	s2 =	sld [smem:$0x3FFD];
	_ =	sdelay $0x3  }
0x96: {  	_ =	strace s2  }
0x97: {  	_ =	strace $0x8FFFFFFF  }
0x98: {  	s20 =	sld [smem:$0x3FDB];
	_ =	sdelay $0x1  }
0x99: {  	s4 =	simm.s32 $_scs_section_size  }
0x9a: {  	s5 =	simm.s32 $_size__tile_overlayer_lowered;
	s6 =	simm.s32 $_tile_overlayer_lowered  }
0x9b: {  	s7 =	simm.s32 $0x1BFF;
	s21 =	sshll.u32 s6, $0x1;
	s4 =	sadd.s32 s4, s20  }
0x9c: {  	s22 =	simm.s32 $0x0;
	s5 =	sshll.u32 s5, $0x1;
	s6 =	sadd.s32 s21, s4  }
0x9d: {  	[timem:s22], [sflag:s7] =	dma.local [hbm:s6], s5  }
0x9e: {  	_ =	swait.ge [sflag:s7], s5  }
0x9f: {  	s5 =	ssub.s32 $0x0, s5;
	[sflag:s7] =	ssyncset.done $0x0  }
0xa0: {  	[sflag:s7] =	ssyncadd.s32 s5;
	_ =	sdelay $0x1  }
0xa1: {  	s23 =	simm.s32 $0x1B8B  }
0xa2: {  	_ =	swait.ge [sflag:s23], $0x1  }
0xa3: {  	[sflag:s23] =	ssyncset.done $0x0  }
0xa4: {  	[sflag:s23] =	ssyncadd.s32 $0xFFFFFFFF  }
0xa5: {  	s5 =	sld [smem:$0x0]  }
0xa6: {  	s6 =	sand.u32 $0xFFFFFFFE, s1  }
0xa7: {  	p0 =	sne.s32 s1, s6  }
0xa8: {  	s6 =	sshll.u32 @p0 s6, $0xE  }
0xa9: {  	s6 =	sadd.s32 @p0 $0x11B8D, s6;
	s7 =	sshll.u32 @p0 s5, $0x11  }
0xaa: {  	s6 =	sor.u32 @p0 s7, s6  }
0xab: {  	[sflag:s6] =	ssyncadd.remote.s32 @p0 $0x1;
	_ =	sdelay $0x1  }
0xac: {  	s6 =	simm.s32 @p0 $0x1B8D  }
0xad: {  	_ =	swait.eq @p0 [sflag:s6], $0x1  }
0xae: {  	[sflag:s6] =	ssyncadd.s32 @p0 $0xFFFFFFFF  }
0xaf: {  	s7 =	sshll.u32 @!p0 s1, $0xE  }
0xb0: {  	s7 =	sor.u32 @!p0 $0x4000, s7;
	s6 =	simm.s32 @!p0 $0x1B8D  }
0xb1: {  	s5 =	sshll.u32 @!p0 s5, $0x11;
	s7 =	sadd.s32 @!p0 $0x11B8D, s7;
	_ =	swait.eq @!p0 [sflag:s6], $0x1  }
0xb2: {  	s5 =	sor.u32 @!p0 s5, s7;
	[sflag:s6] =	ssyncadd.s32 @!p0 $0xFFFFFFFF  }
0xb3: {  	s25 =	simm.s32 $0x1B8E;
	s24 =	sld [smem:$0x3FFE];
	[sflag:s5] =	ssyncadd.remote.s32 @!p0 $0x1  }
0xb4: {  	s26 =	simm.s32 $execute0_lowered;
	[smem:$0x3FD2] =	sst s25  }
0xb5: {  	s6 =	sshll.u32 s26, $0x1;
	_ =	strace $0x80000049;
	[dreg:$0x1] =	wrdreg $0xFFFFFFFF  }
0xb6: {  	s28 =	simm.s32 $_size_execute0_lowered;
	s4 =	sadd.s32 s4, s6;
	[dreg:$0x0] =	wrdreg $0x0  }
0xb7: {  	s6 =	sshll.u32 s28, $0x1;
	[dreg:$0x2] =	wrdreg s4  }
0xb8: {  	[dreg:$0x3] =	wrdreg s6  }
0xb9: {  	[dreg:$0x4] =	wrdreg $0xC0  }
0xba: {  	_ =	task [dreg:s22], $0x5FFFF  }
0xbb: {  	[dreg:$0x1] =	wrdreg $0xFFFFFFFF  }
0xbc: {  	[dreg:$0x0] =	wrdreg $0x60  }
0xbd: {  	[dreg:$0x2] =	wrdreg s18  }
0xbe: {  	[dreg:$0x3] =	wrdreg s24  }
0xbf: {  	[dreg:$0x4] =	wrdreg $0xAA000  }
0xc0: {  	[dreg:$0x5] =	wrdreg $0xA  }
0xc1: {  	_ =	task.clear_ibuf [dreg:s22], $0x6FFFF;
	_ =	strace $0x90000049  }
0xc2: {  	s29 =	simm.s32 $0xA;
	_ =	strace $0x8000004B  }
0xc3: {  	_ =	swait.ge [sflag:s29], $0x1  }
0xc4: {  	[sflag:s29] =	ssyncadd.s32 $0xFFFFFFFF  }
0xc5: {  	_ =	strace $0x9000004B  }
0xc6: {  	_ =	sfence  }
0xc7: {  	s30 =	sld [smem:$0x0];
	_ =	sdelay $0x2  }
0xc8: {  	s31 =	sshll.u32 s1, $0xD;
	s1 =	sshrl.u32 s1, $0x2  }
0xc9: {  	s4 =	sand.u32 $0x4000, s31;
	s1 =	sadd.s32 s1, s30  }
0xca: {  	s0 =	sor.u32 s4, s0;
	s1 =	sshll.u32 s1, $0x11  }
0xcb: {  	s0 =	sor.u32 s1, s0  }
0xcc: {  	s0 =	sadd.s32 $0x8F2B, s0  }
0xcd: {  	[sflag:s0] =	ssyncadd.remote.s32 $0x1  }
0xce: {  	_ =	sfence.sel $0xFFFF  }
0xcf: {  	[dreg:$0x0] =	wrdreg $0xFFFFFFFF;
	(pc) =	sbr.abs _section_cstart, $3  }
0xd0: {  	[dreg:$0x1] =	wrdreg $0xFFFFFFFF  }
0xd1: {  	_ =	task.clear_ibuf [dreg:s22], $0x2FFFF;
	_ =	strace $0x9FFFFFFF  }
0xd2: {  	(tm) =	ssettm $0x7FFFFFFF  }
0xd3: {  	_ =	shalt  }
tec
execute0_lowered:
.L_overlay_start_1:
0x0: {  	(tag) =	ssettag $0x1  }
0x1: {  	s2 =	rddreg [dreg:$0x0]  }
0x2: {  	s1 =	srdreg.scid;
	s6 =	rddreg [dreg:$0x1]  }
0x3: {  	s0 =	stileid.u32;
	s3 =	rddreg [dreg:$0x2];
	s4 =	simm.s32 $0x0  }
0x4: {  	s13 =	simm.s32 $0x5;
	s14 =	simm.s32 $0x2800;
	s15 =	simm.s32 $0x80  }
0x5: {  	s16 =	simm.s32 $0xA800;
	s17 =	simm.s32 $0xA880;
	s18 =	simm.s32 $0x6800  }
0x6: {  	s19 =	simm.s32 $0x1;
	s20 =	simm.s32 $0xA900;
	s21 =	simm.s32 $0x2  }
0x7: {  	s22 =	simm.s32 $0xA980;
	s23 =	simm.s32 $0x3;
	s24 =	simm.s32 $0x4  }
0x8: {  	s25 =	simm.s32 $0x0;
	s5 =	sand.u32 $0x1, s1;
	s9 =	smul.u32 $0x14000, s0  }
0x9: {  	s28 =	sshll.u32 s0, $0x1;
	[smem:$0x7FF] =	sst s4;
	s10 =	smul.u32 $0x50000, s0  }
0xa: {  	s1 =	sor.u32 s5, s28;
	s8 =	smul.u32 $0x140000, s5;
	s29 =	ssub.s32 $0x2, s5  }
0xb: {  	s7 =	smul.u32 $0x500, s1;
	s1 =	rddreg [dreg:$0x3];
	_ =	strace $0x8000004A  }
0xc: {  	s30 =	sshrl.u32 s10, $0x2;
	s31 =	sshrl.u32 s29, $0x1;
	s8 =	sadd.s32 s9, s8  }
0xd: {  	s5 =	sadd.s32 s30, s3;
	s12 =	ssub.s32 s29, s31;
	s7 =	sadd.s32 s7, s6  }
0xe: {  	s8 =	sshrl.u32 s8, $0x3;
	s9 =	sadd.s32 $0xC000, s5;
	s10 =	sadd.s32 $0x10000, s5  }
0xf: {  	s12 =	smax.u32 s12, $0x1;
	s11 =	sadd.s32 s8, s6;
	s6 =	sadd.s32 $0x3400, s7  }
0x10: {  	v0 =	vimm.f32 $0.0e+00;
	s7 =	sadd.s32 $0x4000, s5;
	s8 =	sadd.s32 $0x8000, s5;
	s11 =	sadd.s32 $0x21400, s11  }
.LBB2_1:
0x11: {  	[tilespmem:s4], [sflag:$0x5] =	stream.linear.gather [hbm4b:s6+s4], $0x2800, $0x38;
	[tilespmem:$0x1EA00] =	vst v63  }
0x12: {  	_ =	swait.ge [sflag:s13], $0x2800  }
0x13: {  	[sflag:s13] =	ssyncset.done $0x0  }
0x14: {  	s26 =	simm.s32 $0x0;
	s28 =	simm.s32 $0x200;
	[sflag:s13] =	ssyncadd.s32 $0xFFFFD800  }
.LBB2_2:
0x15: {  	p0 =	sne.s32 s28, $0xFE00;
	[tilespmem:s26+$0x2870] =	vst v0  }
0x16: {  	[tilespmem:s26+$0x2800] =	vst v0  }
0x17: {  	[tilespmem:s26+$0x2810] =	vst v0  }
.Ltmp0:
0x18: {  	[tilespmem:s26+$0x2820] =	vst v0;
	(pc) =	sbr.rel @p0 .LBB2_2-.Ltmp0, $4  }
0x19: {  	[tilespmem:s26+$0x2830] =	vst v0  }
0x1a: {  	[tilespmem:s26+$0x2840] =	vst v0  }
0x1b: {  	[tilespmem:s26+$0x2850] =	vst v0  }
0x1c: {  	[tilespmem:s26+$0x2860] =	vst v0;
	s26 =	sshra.s32 s28, $0x2;
	s28 =	sadd.s32 $0x200, s28  }
0x1d: {  	[tilespmem:s26+$0x2870] =	vst v0  }
0x1e: {  	[tilespmem:s26+$0x2800] =	vst v0  }
0x1f: {  	[tilespmem:s26+$0x2810] =	vst v0  }
0x20: {  	[tilespmem:s26+$0x2820] =	vst v0  }
0x21: {  	[tilespmem:s26+$0x2830] =	vst v0  }
0x22: {  	[tilespmem:s26+$0x2840] =	vst v0  }
0x23: {  	[tilespmem:s26+$0x2850] =	vst v0  }
0x24: {  	[tilespmem:s26+$0x2860] =	vst v0  }
0x25: {  	[spmem:s5] =	stream.linear.scatter [tilespmem:s14], [sflag:$0x5], $0x4000, $0x38;
	[tilespmem:$0x1EA00] =	vst v63  }
0x26: {  	_ =	swait.ge [sflag:s13], $0x4000  }
0x27: {  	[sflag:s13] =	ssyncset.done $0x0  }
0x28: {  	[sflag:s13] =	ssyncadd.s32 $0xFFFFC000  }
0x29: {  	[spmem:s7] =	stream.linear.scatter [tilespmem:s14], [sflag:$0x5], $0x4000, $0x38;
	[tilespmem:$0x1EA00] =	vst v63  }
0x2a: {  	_ =	swait.ge [sflag:s13], $0x4000  }
0x2b: {  	[sflag:s13] =	ssyncset.done $0x0  }
0x2c: {  	[sflag:s13] =	ssyncadd.s32 $0xFFFFC000  }
0x2d: {  	[spmem:s8] =	stream.linear.scatter [tilespmem:s14], [sflag:$0x5], $0x4000, $0x38;
	[tilespmem:$0x1EA00] =	vst v63  }
0x2e: {  	_ =	swait.ge [sflag:s13], $0x4000  }
0x2f: {  	[sflag:s13] =	ssyncset.done $0x0  }
0x30: {  	[sflag:s13] =	ssyncadd.s32 $0xFFFFC000  }
0x31: {  	[spmem:s9] =	stream.linear.scatter [tilespmem:s14], [sflag:$0x5], $0x4000, $0x38;
	[tilespmem:$0x1EA00] =	vst v63  }
0x32: {  	_ =	swait.ge [sflag:s13], $0x4000  }
0x33: {  	[sflag:s13] =	ssyncset.done $0x0  }
0x34: {  	[sflag:s13] =	ssyncadd.s32 $0xFFFFC000  }
0x35: {  	[spmem:s10] =	stream.linear.scatter [tilespmem:s14], [sflag:$0x5], $0x4000, $0x38;
	[tilespmem:$0x1EA00] =	vst v63  }
0x36: {  	_ =	swait.ge [sflag:s13], $0x4000  }
0x37: {  	[sflag:s13] =	ssyncset.done $0x0  }
0x38: {  	[sflag:s13] =	ssyncadd.s32 $0xFFFFC000  }
0x39: {  	[bflag:$0x0] =	sbarrier.arrive $0xFFFF  }
0x3a: {  	v1 =	vld [tilespmem:$0x0];
	_ =	sdelay $0x1  }
0x3b: {  	v2 =	vld [tilespmem:$0x10];
	_ =	sdelay $0x1  }
0x3c: {  	v3 =	vld [tilespmem:$0x20]  }
0x3d: {  	v4 =	vand.u32 $0x3FFF, v1  }
0x3e: {  	v59 =	vld [tilespmem:$0x30];
	v1 =	vshrl.u32 v1, $0xE;
	[tilespmem:$0xA800] =	vst v4  }
0x3f: {  	[tilespmem:$0xA900] =	vst v1;
	v1 =	vand.u32 $0x3FFF, v2  }
0x40: {  	[tilespmem:$0xA810] =	vst v1;
	v1 =	vshrl.u32 v2, $0xE;
	v2 =	vld [tilespmem:$0x40]  }
0x41: {  	[tilespmem:$0xA910] =	vst v1;
	v1 =	vand.u32 $0x3FFF, v3  }
0x42: {  	[tilespmem:$0xA820] =	vst v1;
	v1 =	vshrl.u32 v3, $0xE;
	v3 =	vld [tilespmem:$0x50]  }
0x43: {  	[tilespmem:$0xA920] =	vst v1;
	v1 =	vand.u32 $0x3FFF, v59  }
0x44: {  	v60 =	vld [tilespmem:$0x60];
	[tilespmem:$0xA830] =	vst v1;
	v1 =	vshrl.u32 v59, $0xE  }
0x45: {  	[tilespmem:$0xA930] =	vst v1;
	v1 =	vand.u32 $0x3FFF, v2  }
0x46: {  	[tilespmem:$0xA840] =	vst v1;
	v1 =	vshrl.u32 v2, $0xE;
	v2 =	vld [tilespmem:$0x70]  }
0x47: {  	[tilespmem:$0xA940] =	vst v1;
	v1 =	vand.u32 $0x3FFF, v3  }
0x48: {  	[tilespmem:$0xA850] =	vst v1;
	v1 =	vshrl.u32 v3, $0xE  }
0x49: {  	[tilespmem:$0xA950] =	vst v1;
	v1 =	vand.u32 $0x3FFF, v60  }
0x4a: {  	[tilespmem:$0xA860] =	vst v1;
	v1 =	vshrl.u32 v60, $0xE  }
0x4b: {  	[tilespmem:$0xA960] =	vst v1;
	v1 =	vand.u32 $0x3FFF, v2  }
0x4c: {  	[tilespmem:$0xA870] =	vst v1;
	v1 =	vshrl.u32 v2, $0xE  }
0x4d: {  	[tilespmem:$0xA970] =	vst v1  }
0x4e: {  	[tilespmem:s14], [sflag:$0x1] =	stream.indirect.gather [hbm4b:s2+s15], $0x80, s16, s15, $0xb8;
	[tilespmem:$0x1EA00] =	vst v63  }
0x4f: {  	v1 =	vld [tilespmem:$0x80];
	_ =	sdelay $0x1  }
0x50: {  	v2 =	vld [tilespmem:$0x90];
	_ =	sdelay $0x1  }
0x51: {  	v3 =	vld [tilespmem:$0xA0]  }
0x52: {  	v61 =	vand.u32 $0x3FFF, v1  }
0x53: {  	v62 =	vld [tilespmem:$0xB0];
	v1 =	vshrl.u32 v1, $0xE;
	[tilespmem:$0xA880] =	vst v61  }
0x54: {  	[tilespmem:$0xA980] =	vst v1;
	v1 =	vand.u32 $0x3FFF, v2  }
0x55: {  	[tilespmem:$0xA890] =	vst v1;
	v1 =	vshrl.u32 v2, $0xE;
	v2 =	vld [tilespmem:$0xC0]  }
0x56: {  	[tilespmem:$0xA990] =	vst v1;
	v1 =	vand.u32 $0x3FFF, v3  }
0x57: {  	[tilespmem:$0xA8A0] =	vst v1;
	v1 =	vshrl.u32 v3, $0xE;
	v3 =	vld [tilespmem:$0xD0]  }
0x58: {  	[tilespmem:$0xA9A0] =	vst v1;
	v1 =	vand.u32 $0x3FFF, v62  }
0x59: {  	v63 =	vld [tilespmem:$0xE0];
	[tilespmem:$0xA8B0] =	vst v1;
	v1 =	vshrl.u32 v62, $0xE  }
0x5a: {  	[tilespmem:$0xA9B0] =	vst v1;
	v1 =	vand.u32 $0x3FFF, v2  }
0x5b: {  	[tilespmem:$0xA8C0] =	vst v1;
	v1 =	vshrl.u32 v2, $0xE;
	v2 =	vld [tilespmem:$0xF0]  }
0x5c: {  	[tilespmem:$0xA9C0] =	vst v1;
	v1 =	vand.u32 $0x3FFF, v3  }
0x5d: {  	[tilespmem:$0xA8D0] =	vst v1;
	v1 =	vshrl.u32 v3, $0xE  }
0x5e: {  	[tilespmem:$0xA9D0] =	vst v1;
	v1 =	vand.u32 $0x3FFF, v63  }
0x5f: {  	[tilespmem:$0xA8E0] =	vst v1;
	v1 =	vshrl.u32 v63, $0xE  }
0x60: {  	[tilespmem:$0xA9E0] =	vst v1;
	v1 =	vand.u32 $0x3FFF, v2  }
0x61: {  	[tilespmem:$0xA8F0] =	vst v1;
	v1 =	vshrl.u32 v2, $0xE  }
0x62: {  	[tilespmem:$0xA9F0] =	vst v1  }
0x63: {  	[tilespmem:s18], [sflag:$0x2] =	stream.indirect.gather [hbm4b:s2+s15], $0x80, s17, s15, $0xb8;
	[tilespmem:$0x1EA00] =	vst v63  }
0x64: {  	_ =	swait.ge [sflag:s19], $0x4000  }
0x65: {  	[sflag:s19] =	ssyncset.done $0x0  }
0x66: {  	[sflag:s19] =	ssyncadd.s32 $0xFFFFC000  }
0x67: {  	[spmem:s3] =	stream.indirect.scatter.add.f32 [tilespmem:s14], [sflag:$0x3], $0x80, s20, s15, $0xb8;
	[tilespmem:$0x1EA00] =	vst v63  }
0x68: {  	_ =	swait.ge [sflag:s21], $0x4000  }
0x69: {  	[sflag:s21] =	ssyncset.done $0x0  }
0x6a: {  	[sflag:s21] =	ssyncadd.s32 $0xFFFFC000  }
0x6b: {  	[spmem:s3] =	stream.indirect.scatter.add.f32 [tilespmem:s18], [sflag:$0x4], $0x80, s22, s15, $0xb8;
	[tilespmem:$0x1EA00] =	vst v63  }
0x6c: {  	_ =	swait.ge [sflag:s23], $0x4000  }
0x6d: {  	[sflag:s23] =	ssyncset.done $0x0  }
0x6e: {  	s28 =	simm.s32 $0x1F0;
	[sflag:s23] =	ssyncadd.s32 $0xFFFFC000  }
0x6f: {  	v1 =	vld [tilespmem:s28+$0xFFFFFF10];
	_ =	sdelay $0x4  }
0x70: {  	v2 =	vand.u32 $0x3FFF, v1  }
0x71: {  	v1 =	vshrl.u32 v1, $0xE;
	[tilespmem:$0xA800] =	vst v2  }
0x72: {  	[tilespmem:$0xA900] =	vst v1  }
0x73: {  	v1 =	vld [tilespmem:s28+$0xFFFFFF20];
	_ =	sdelay $0x4  }
0x74: {  	v2 =	vand.u32 $0x3FFF, v1  }
0x75: {  	v1 =	vshrl.u32 v1, $0xE;
	[tilespmem:$0xA810] =	vst v2  }
0x76: {  	[tilespmem:$0xA910] =	vst v1  }
0x77: {  	v1 =	vld [tilespmem:s28+$0xFFFFFF30];
	_ =	sdelay $0x4  }
0x78: {  	v2 =	vand.u32 $0x3FFF, v1  }
0x79: {  	v1 =	vshrl.u32 v1, $0xE;
	[tilespmem:$0xA820] =	vst v2  }
0x7a: {  	[tilespmem:$0xA920] =	vst v1  }
0x7b: {  	v1 =	vld [tilespmem:s28+$0xFFFFFF40];
	_ =	sdelay $0x4  }
0x7c: {  	v2 =	vand.u32 $0x3FFF, v1  }
0x7d: {  	v1 =	vshrl.u32 v1, $0xE;
	[tilespmem:$0xA830] =	vst v2  }
0x7e: {  	[tilespmem:$0xA930] =	vst v1  }
0x7f: {  	v1 =	vld [tilespmem:s28+$0xFFFFFF50];
	_ =	sdelay $0x4  }
0x80: {  	v2 =	vand.u32 $0x3FFF, v1  }
0x81: {  	v1 =	vshrl.u32 v1, $0xE;
	[tilespmem:$0xA840] =	vst v2  }
0x82: {  	[tilespmem:$0xA940] =	vst v1  }
0x83: {  	v1 =	vld [tilespmem:s28+$0xFFFFFF60];
	_ =	sdelay $0x4  }
0x84: {  	v2 =	vand.u32 $0x3FFF, v1  }
0x85: {  	v1 =	vshrl.u32 v1, $0xE;
	[tilespmem:$0xA850] =	vst v2  }
0x86: {  	[tilespmem:$0xA950] =	vst v1  }
0x87: {  	v1 =	vld [tilespmem:s28+$0xFFFFFF70];
	_ =	sdelay $0x4  }
0x88: {  	v2 =	vand.u32 $0x3FFF, v1  }
0x89: {  	v1 =	vshrl.u32 v1, $0xE;
	[tilespmem:$0xA860] =	vst v2  }
0x8a: {  	[tilespmem:$0xA960] =	vst v1  }
0x8b: {  	v1 =	vld [tilespmem:s28+$0xFFFFFF80];
	_ =	sdelay $0x4  }
0x8c: {  	v2 =	vand.u32 $0x3FFF, v1  }
0x8d: {  	v1 =	vshrl.u32 v1, $0xE;
	[tilespmem:$0xA870] =	vst v2  }
0x8e: {  	[tilespmem:$0xA970] =	vst v1  }
0x8f: {  	[tilespmem:s14], [sflag:$0x1] =	stream.indirect.gather [hbm4b:s2+s15], $0x80, s16, s15, $0xb8;
	[tilespmem:$0x1EA00] =	vst v63  }
0x90: {  	_ =	swait.ge [sflag:s24], $0x4000  }
0x91: {  	[sflag:s24] =	ssyncset.done $0x0  }
0x92: {  	[sflag:s24] =	ssyncadd.s32 $0xFFFFC000  }
0x93: {  	v1 =	vld [tilespmem:s28+$0xFFFFFF90];
	_ =	sdelay $0x4  }
0x94: {  	v2 =	vand.u32 $0x3FFF, v1  }
0x95: {  	v1 =	vshrl.u32 v1, $0xE;
	[tilespmem:$0xA880] =	vst v2  }
0x96: {  	[tilespmem:$0xA980] =	vst v1  }
0x97: {  	v1 =	vld [tilespmem:s28+$0xFFFFFFA0];
	_ =	sdelay $0x4  }
0x98: {  	v2 =	vand.u32 $0x3FFF, v1  }
0x99: {  	v1 =	vshrl.u32 v1, $0xE;
	[tilespmem:$0xA890] =	vst v2  }
0x9a: {  	[tilespmem:$0xA990] =	vst v1  }
0x9b: {  	v1 =	vld [tilespmem:s28+$0xFFFFFFB0];
	_ =	sdelay $0x4  }
0x9c: {  	v2 =	vand.u32 $0x3FFF, v1  }
0x9d: {  	v1 =	vshrl.u32 v1, $0xE;
	[tilespmem:$0xA8A0] =	vst v2  }
0x9e: {  	[tilespmem:$0xA9A0] =	vst v1  }
0x9f: {  	v1 =	vld [tilespmem:s28+$0xFFFFFFC0];
	_ =	sdelay $0x4  }
0xa0: {  	v2 =	vand.u32 $0x3FFF, v1  }
0xa1: {  	v1 =	vshrl.u32 v1, $0xE;
	[tilespmem:$0xA8B0] =	vst v2  }
0xa2: {  	[tilespmem:$0xA9B0] =	vst v1  }
0xa3: {  	v1 =	vld [tilespmem:s28+$0xFFFFFFD0];
	_ =	sdelay $0x4  }
0xa4: {  	v2 =	vand.u32 $0x3FFF, v1  }
0xa5: {  	v1 =	vshrl.u32 v1, $0xE;
	[tilespmem:$0xA8C0] =	vst v2  }
0xa6: {  	[tilespmem:$0xA9C0] =	vst v1  }
0xa7: {  	v1 =	vld [tilespmem:s28+$0xFFFFFFE0];
	_ =	sdelay $0x4  }
0xa8: {  	v2 =	vand.u32 $0x3FFF, v1  }
0xa9: {  	v1 =	vshrl.u32 v1, $0xE;
	[tilespmem:$0xA8D0] =	vst v2  }
0xaa: {  	[tilespmem:$0xA9D0] =	vst v1  }
0xab: {  	v1 =	vld [tilespmem:s28+$0xFFFFFFF0];
	_ =	sdelay $0x4  }
0xac: {  	v2 =	vand.u32 $0x3FFF, v1  }
0xad: {  	v1 =	vshrl.u32 v1, $0xE;
	[tilespmem:$0xA8E0] =	vst v2  }
0xae: {  	[tilespmem:$0xA9E0] =	vst v1  }
0xaf: {  	s26 =	simm.s32 $0xBC0;
	v1 =	vld [tilespmem:s28+$0x0]  }
.LBB2_4:
0xb0: {  	_ =	sdelay $0x1  }
0xb1: {  	p0 =	sne.s32 s26, $0x9FC0;
	s28 =	smov.u32 s26;
	s26 =	sadd.s32 $0x400, s26  }
0xb2: {  	_ = 	snop  }
0xb3: {  	v2 =	vand.u32 $0x3FFF, v1;
	v1 =	vshrl.u32 v1, $0xE  }
0xb4: {  	[tilespmem:$0xA8F0] =	vst v2  }
0xb5: {  	[tilespmem:$0xA9F0] =	vst v1  }
0xb6: {  	[tilespmem:s18], [sflag:$0x2] =	stream.indirect.gather [hbm4b:s2+s15], $0x80, s17, s15, $0xb8;
	[tilespmem:$0x1EA00] =	vst v63  }
0xb7: {  	_ =	swait.ge [sflag:s19], $0x4000  }
0xb8: {  	[sflag:s19] =	ssyncset.done $0x0  }
0xb9: {  	[sflag:s19] =	ssyncadd.s32 $0xFFFFC000  }
0xba: {  	[spmem:s3] =	stream.indirect.scatter.add.f32 [tilespmem:s14], [sflag:$0x3], $0x80, s20, s15, $0xb8;
	[tilespmem:$0x1EA00] =	vst v63  }
0xbb: {  	_ =	swait.ge [sflag:s21], $0x4000  }
0xbc: {  	[sflag:s21] =	ssyncset.done $0x0  }
0xbd: {  	[sflag:s21] =	ssyncadd.s32 $0xFFFFC000  }
0xbe: {  	[spmem:s3] =	stream.indirect.scatter.add.f32 [tilespmem:s18], [sflag:$0x4], $0x80, s22, s15, $0xb8;
	[tilespmem:$0x1EA00] =	vst v63  }
0xbf: {  	_ =	swait.ge [sflag:s23], $0x4000  }
0xc0: {  	[sflag:s23] =	ssyncset.done $0x0  }
0xc1: {  	s28 =	sshra.s32 s28, $0x2;
	[sflag:s23] =	ssyncadd.s32 $0xFFFFC000  }
0xc2: {  	v1 =	vld [tilespmem:s28+$0xFFFFFF10];
	_ =	sdelay $0x4  }
0xc3: {  	v2 =	vand.u32 $0x3FFF, v1;
	v1 =	vshrl.u32 v1, $0xE  }
0xc4: {  	[tilespmem:$0xA800] =	vst v2  }
0xc5: {  	[tilespmem:$0xA900] =	vst v1  }
0xc6: {  	v1 =	vld [tilespmem:s28+$0xFFFFFF20];
	_ =	sdelay $0x4  }
0xc7: {  	v2 =	vand.u32 $0x3FFF, v1;
	v1 =	vshrl.u32 v1, $0xE  }
0xc8: {  	[tilespmem:$0xA810] =	vst v2  }
0xc9: {  	[tilespmem:$0xA910] =	vst v1  }
0xca: {  	v1 =	vld [tilespmem:s28+$0xFFFFFF30];
	_ =	sdelay $0x4  }
0xcb: {  	v2 =	vand.u32 $0x3FFF, v1;
	v1 =	vshrl.u32 v1, $0xE  }
0xcc: {  	[tilespmem:$0xA820] =	vst v2  }
0xcd: {  	[tilespmem:$0xA920] =	vst v1  }
0xce: {  	v1 =	vld [tilespmem:s28+$0xFFFFFF40];
	_ =	sdelay $0x4  }
0xcf: {  	v2 =	vand.u32 $0x3FFF, v1;
	v1 =	vshrl.u32 v1, $0xE  }
0xd0: {  	[tilespmem:$0xA830] =	vst v2  }
0xd1: {  	[tilespmem:$0xA930] =	vst v1  }
0xd2: {  	v1 =	vld [tilespmem:s28+$0xFFFFFF50];
	_ =	sdelay $0x4  }
0xd3: {  	v2 =	vand.u32 $0x3FFF, v1;
	v1 =	vshrl.u32 v1, $0xE  }
0xd4: {  	[tilespmem:$0xA840] =	vst v2  }
0xd5: {  	[tilespmem:$0xA940] =	vst v1  }
0xd6: {  	v1 =	vld [tilespmem:s28+$0xFFFFFF60];
	_ =	sdelay $0x4  }
0xd7: {  	v2 =	vand.u32 $0x3FFF, v1;
	v1 =	vshrl.u32 v1, $0xE  }
0xd8: {  	[tilespmem:$0xA850] =	vst v2  }
0xd9: {  	[tilespmem:$0xA950] =	vst v1  }
0xda: {  	v1 =	vld [tilespmem:s28+$0xFFFFFF70];
	_ =	sdelay $0x4  }
0xdb: {  	v2 =	vand.u32 $0x3FFF, v1;
	v1 =	vshrl.u32 v1, $0xE  }
0xdc: {  	[tilespmem:$0xA860] =	vst v2  }
0xdd: {  	[tilespmem:$0xA960] =	vst v1  }
0xde: {  	v1 =	vld [tilespmem:s28+$0xFFFFFF80];
	_ =	sdelay $0x4  }
0xdf: {  	v2 =	vand.u32 $0x3FFF, v1;
	v1 =	vshrl.u32 v1, $0xE  }
0xe0: {  	[tilespmem:$0xA870] =	vst v2  }
0xe1: {  	[tilespmem:$0xA970] =	vst v1  }
0xe2: {  	[tilespmem:s14], [sflag:$0x1] =	stream.indirect.gather [hbm4b:s2+s15], $0x80, s16, s15, $0xb8;
	[tilespmem:$0x1EA00] =	vst v63  }
0xe3: {  	_ =	swait.ge [sflag:s24], $0x4000  }
0xe4: {  	[sflag:s24] =	ssyncset.done $0x0  }
0xe5: {  	[sflag:s24] =	ssyncadd.s32 $0xFFFFC000  }
0xe6: {  	v1 =	vld [tilespmem:s28+$0xFFFFFF90];
	_ =	sdelay $0x4  }
0xe7: {  	v2 =	vand.u32 $0x3FFF, v1;
	v1 =	vshrl.u32 v1, $0xE  }
0xe8: {  	[tilespmem:$0xA880] =	vst v2  }
0xe9: {  	[tilespmem:$0xA980] =	vst v1  }
0xea: {  	v1 =	vld [tilespmem:s28+$0xFFFFFFA0];
	_ =	sdelay $0x4  }
0xeb: {  	v2 =	vand.u32 $0x3FFF, v1;
	v1 =	vshrl.u32 v1, $0xE  }
0xec: {  	[tilespmem:$0xA890] =	vst v2  }
0xed: {  	[tilespmem:$0xA990] =	vst v1  }
0xee: {  	v1 =	vld [tilespmem:s28+$0xFFFFFFB0];
	_ =	sdelay $0x4  }
0xef: {  	v2 =	vand.u32 $0x3FFF, v1;
	v1 =	vshrl.u32 v1, $0xE  }
0xf0: {  	[tilespmem:$0xA8A0] =	vst v2  }
0xf1: {  	[tilespmem:$0xA9A0] =	vst v1  }
0xf2: {  	v1 =	vld [tilespmem:s28+$0xFFFFFFC0];
	_ =	sdelay $0x4  }
0xf3: {  	v2 =	vand.u32 $0x3FFF, v1;
	v1 =	vshrl.u32 v1, $0xE  }
0xf4: {  	[tilespmem:$0xA8B0] =	vst v2  }
0xf5: {  	[tilespmem:$0xA9B0] =	vst v1  }
0xf6: {  	v1 =	vld [tilespmem:s28+$0xFFFFFFD0];
	_ =	sdelay $0x4  }
0xf7: {  	v2 =	vand.u32 $0x3FFF, v1;
	v1 =	vshrl.u32 v1, $0xE  }
0xf8: {  	[tilespmem:$0xA8C0] =	vst v2  }
0xf9: {  	[tilespmem:$0xA9C0] =	vst v1  }
0xfa: {  	v1 =	vld [tilespmem:s28+$0xFFFFFFE0];
	_ =	sdelay $0x4  }
0xfb: {  	v2 =	vand.u32 $0x3FFF, v1;
	v1 =	vshrl.u32 v1, $0xE  }
0xfc: {  	[tilespmem:$0xA8D0] =	vst v2  }
0xfd: {  	[tilespmem:$0xA9D0] =	vst v1  }
0xfe: {  	v1 =	vld [tilespmem:s28+$0xFFFFFFF0];
	_ =	sdelay $0x3  }
.Ltmp1:
0xff: {  	(pc) =	sbr.rel @p0 .LBB2_4-.Ltmp1, $4  }
0x100: {  	v2 =	vand.u32 $0x3FFF, v1;
	v1 =	vshrl.u32 v1, $0xE  }
0x101: {  	[tilespmem:$0xA8E0] =	vst v2  }
0x102: {  	[tilespmem:$0xA9E0] =	vst v1  }
0x103: {  	v1 =	vld [tilespmem:s28+$0x0]  }
0x104: {  	_ =	sdelay $0x3  }
0x105: {  	v2 =	vand.u32 $0x3FFF, v1  }
0x106: {  	v1 =	vshrl.u32 v1, $0xE;
	[tilespmem:$0xA8F0] =	vst v2  }
0x107: {  	[tilespmem:$0xA9F0] =	vst v1  }
0x108: {  	[tilespmem:s18], [sflag:$0x2] =	stream.indirect.gather [hbm4b:s2+s15], $0x80, s17, s15, $0xb8;
	[tilespmem:$0x1EA00] =	vst v63  }
0x109: {  	_ =	swait.ge [sflag:s19], $0x4000  }
0x10a: {  	[sflag:s19] =	ssyncset.done $0x0  }
0x10b: {  	[sflag:s19] =	ssyncadd.s32 $0xFFFFC000  }
0x10c: {  	[spmem:s3] =	stream.indirect.scatter.add.f32 [tilespmem:s14], [sflag:$0x3], $0x80, s20, s15, $0xb8;
	[tilespmem:$0x1EA00] =	vst v63  }
0x10d: {  	_ =	swait.ge [sflag:s21], $0x4000  }
0x10e: {  	[sflag:s21] =	ssyncset.done $0x0  }
0x10f: {  	[sflag:s21] =	ssyncadd.s32 $0xFFFFC000  }
0x110: {  	[spmem:s3] =	stream.indirect.scatter.add.f32 [tilespmem:s18], [sflag:$0x4], $0x80, s22, s15, $0xb8;
	[tilespmem:$0x1EA00] =	vst v63  }
0x111: {  	_ =	swait.ge [sflag:s23], $0x4000  }
0x112: {  	[sflag:s23] =	ssyncset.done $0x0  }
0x113: {  	[sflag:s23] =	ssyncadd.s32 $0xFFFFC000  }
0x114: {  	_ =	swait.ge [sflag:s24], $0x4000  }
0x115: {  	s26 =	sshll.u32 s0, $0x6;
	s25 =	sadd.s32 $0x1, s25;
	[sflag:s24] =	ssyncset.done $0x0  }
0x116: {  	s28 =	sshrl.u32 s5, $0x3;
	p0 =	sne.s32 s25, s12;
	[sflag:s24] =	ssyncadd.s32 $0xFFFFC000  }
.Ltmp2:
0x117: {  	s26 =	sor.u32 $0x1C05, s26;
	[bflag:$0x0] =	sbarrier.arrive $0xFFFF;
	(pc) =	sbr.rel @p0 .LBB2_1-.Ltmp2, $4  }
0x118: {  	[hbm:s11], [sflag:s26] =	dma.local [spmem:s28], $0x2800  }
0x119: {  	_ =	swait.ge [sflag:s13], $0x2800  }
0x11a: {  	[sflag:s13] =	ssyncset.done $0x0  }
0x11b: {  	[sflag:s13] =	ssyncadd.s32 $0xFFFFD800  }
0x11c: {  	_ =	sfence.sel $0x180000  }
0x11d: {  	[bflag:$0x0] =	sbarrier.arrive $0xFFFF  }
0x11e: {  	p0 =	sne.s32 s0, $0x0;
	_ =	strace $0x9000004A  }
0x11f: {  	s0 =	sadd.s32 @!p0 $0x100000, s1;
	[bflag:$0x2] =	sbarrier.arrive $0xFFFF  }
0x120: {  	[sflag:s0] =	ssyncadd.tile.s32 @!p0 $0x1;
	_ =	shalt  }
.Lfunc_end2:
_tile_overlayer_lowered:
.L_overlay_start_2:
0x121: {  	(tag) =	ssettag $0x2  }
0x122: {  	s0 =	rddreg [dreg:$0x0];
	s2 =	stileid.u32  }
0x123: {  	s1 =	rddreg [dreg:$0x1];
	p0 =	sne.s32 s2, $0x0  }
0x124: {  	s3 =	rddreg [dreg:$0x2];
	[bflag:$0x3] =	sbarrier.arrive $0xFFFF;
	s2 =	simm.s32 @!p0 $0x1C05  }
0x125: {  	[timem:s3], [sflag:s2] =	dma.local @!p0 [hbm:s0], s1  }
0x126: {  	s0 =	simm.s32 @!p0 $0x5  }
0x127: {  	_ =	swait.ge @!p0 [sflag:s0], s1  }
0x128: {  	s1 =	ssub.s32 @!p0 $0x0, s1;
	[sflag:s0] =	ssyncset.done @!p0 $0x0  }
0x129: {  	[sflag:s0] =	ssyncadd.s32 @!p0 s1  }
0x12a: {  	[bflag:$0x3] =	sbarrier.arrive $0xFFFF  }
0x12b: {  	_ =	shalt  }

// kernel: sc_segsum.7.cloned.1.call-start
scs
__scs_entry_jumppad:
0x0: {  	(pc) =	sbr.rel $0x88, $3  }
0x1: {  	(tag) =	ssettag $0x0;
	lr =	simm.s32 $0x1  }
0x2: {  	[smem:$0x3F92] =	sst lr;
	_ =	strace $0xD0000000  }
0x3: {  	_ = 	snop  }
0x4: {  	_ = 	snop  }
0x5: {  	_ = 	snop  }
0x6: {  	_ = 	snop  }
0x7: {  	_ = 	snop  }
__scs_overlays_trampoline_lowered:
0x8: {  	[smem:$0x3FA1] =	sst s0  }
0x9: {  	[smem:$0x3FA2] =	sst s1  }
0xa: {  	[smem:$0x3FA3] =	sst s2  }
0xb: {  	[smem:$0x3FA4] =	sst s3  }
0xc: {  	[smem:$0x3FA5] =	sst s4  }
0xd: {  	[smem:$0x3FA6] =	sst s5  }
0xe: {  	[smem:$0x3FA7] =	sst s6  }
0xf: {  	[smem:$0x3FA8] =	sst s7  }
0x10: {  	[smem:$0x3FA9] =	sst s8  }
0x11: {  	[smem:$0x3FAA] =	sst s9;
	s0 =	simm.s32 @!p0 $0x0  }
0x12: {  	s1 =	sld [smem:$0x3F90];
	s0 =	simm.s32 @p0 $0x1  }
0x13: {  	[smem:$0x3FAB] =	sst s0;
	s0 =	simm.s32 @!p1 $0x0  }
0x14: {  	s2 =	sld [smem:$0x3F8F];
	s0 =	simm.s32 @p1 $0x1  }
0x15: {  	[smem:$0x3FAC] =	sst s0;
	s0 =	simm.s32 @!p2 $0x0  }
0x16: {  	s3 =	sld [smem:$0x3FDB];
	s0 =	simm.s32 @p2 $0x1  }
0x17: {  	s4 =	simm.s32 $0x1BF5;
	[smem:$0x3FAE] =	sst s0  }
0x18: {  	s0 =	sld [smem:$0x3F91];
	_ =	swait.ge [sflag:s4], $0x0  }
0x19: {  	s7 =	sld [smem:$0x3F92]  }
0x1a: {  	s8 =	sadd.s32 $0xFFFFE003, lr  }
0x1b: {  	s9 =	sadd.s32 $0xFFFFFEF7, lr;
	s5 =	simm.s32 $0xFFFFFFFF;
	p2 =	slt.u32 s8, $0xFFFFF086  }
0x1c: {  	p1 =	slt.u32 s9, $0xF7A;
	s5 =	simm.s32 @!p2 $0x0  }
0x1d: {  	s5 =	simm.s32 @p1 $0x1;
	p0 =	seq.s32 s7, s2  }
0x1e: {  	s7 =	smul.u32 @!p0 $0xF7A, s2;
	p2 =	seq.s32 @!p0 s5, $0x0  }
0x1f: {  	s9 =	smul.u32 $0xF7A, s1;
	s8 =	simm.s32 @!p0 $0x1BF5;
	p2 =	por !p2, p0  }
0x20: {  	[sflag:s8] =	ssyncset.s32 @!p0 $0xFFFFF086;
	s6 =	sadd.s32 @!p0 s3, s7;
	s7 =	simm.s32 @!p0 $0x108  }
0x21: {  	s3 =	sadd.s32 s3, s9;
	s6 =	sadd.s32 @!p0 $0x88, s6;
	s7 =	simm.s32 @p2 $0x1082  }
0x22: {  	[simem:s7], [sflag:s8] =	dma.local @!p0 [hbm:s6], $0xF7A  }
0x23: {  	s9 =	sor.u32 $0xD0000000, s2;
	s6 =	simm.s32 $0x108;
	_ =	swait.ge @!p0 [sflag:s8], $0x0  }
0x24: {  	s3 =	sadd.s32 $0x88, s3;
	s6 =	simm.s32 @!p1 $0x1082;
	[sflag:s4] =	ssyncset.s32 $0xFFFFF086  }
0x25: {  	[simem:s6], [sflag:s4] =	dma.local [hbm:s3], $0xF7A  }
0x26: {  	[smem:$0x3F92] =	sst s1;
	(tag) =	ssettag s2;
	_ =	strace s9  }
0x27: {  	s1 =	sld [smem:$0x3FA2]  }
0x28: {  	s2 =	sld [smem:$0x3FA3]  }
0x29: {  	s4 =	sld [smem:$0x3FA5]  }
0x2a: {  	p0 =	seq.s32 s5, $0x0;
	s5 =	sld [smem:$0x3FA6]  }
0x2b: {  	s6 =	sld [smem:$0x3FA7]  }
0x2c: {  	s7 =	sld [smem:$0x3FA8]  }
0x2d: {  	s3 =	simm.s32 $0x108;
	s8 =	sld [smem:$0x3FA9]  }
0x2e: {  	s3 =	simm.s32 @!p0 $0x1082;
	s9 =	sld [smem:$0x3FAA]  }
0x2f: {  	lr =	sadd.s32 s0, s3;
	s0 =	sld [smem:$0x3FA1]  }
0x30: {  	s3 =	sld [smem:$0x3FA4]  }
0x31: {  	[smem:$0x3FAD] =	sst s10  }
0x32: {  	s10 =	sld [smem:$0x3FAB];
	_ =	sdelay $0x3  }
0x33: {  	p0 =	seq.s32 s10, $0x1;
	s10 =	sld [smem:$0x3FAD];
	_ =	sdelay $0x3  }
0x34: {  	[smem:$0x3FAD] =	sst s10  }
0x35: {  	s10 =	sld [smem:$0x3FAC];
	_ =	sdelay $0x3  }
0x36: {  	p1 =	seq.s32 s10, $0x1;
	s10 =	sld [smem:$0x3FAD];
	_ =	sdelay $0x3  }
0x37: {  	[smem:$0x3FAD] =	sst s10  }
0x38: {  	s10 =	sld [smem:$0x3FAE]  }
0x39: {  	_ = 	snop;
	(pc) =	sbr.ind lr, $3  }
0x3a: {  	_ = 	snop  }
0x3b: {  	_ = 	snop  }
0x3c: {  	p2 =	seq.s32 s10, $0x1;
	s10 =	sld [smem:$0x3FAD]  }
0x3d: {  	_ =	shalt  }
0x3e: {  	_ =	shalt  }
0x3f: {  	_ =	shalt  }
0x40: {  	_ =	shalt  }
0x41: {  	_ =	shalt  }
0x42: {  	_ =	shalt  }
0x43: {  	_ =	shalt  }
0x44: {  	_ =	shalt  }
0x45: {  	_ =	shalt  }
0x46: {  	_ =	shalt  }
0x47: {  	_ =	shalt  }
0x48: {  	_ =	shalt  }
0x49: {  	_ =	shalt  }
0x4a: {  	_ =	shalt  }
0x4b: {  	_ =	shalt  }
0x4c: {  	_ =	shalt  }
0x4d: {  	_ =	shalt  }
0x4e: {  	_ =	shalt  }
0x4f: {  	_ =	shalt  }
0x50: {  	_ =	shalt  }
0x51: {  	_ =	shalt  }
0x52: {  	_ =	shalt  }
0x53: {  	_ =	shalt  }
0x54: {  	_ =	shalt  }
0x55: {  	_ =	shalt  }
0x56: {  	_ =	shalt  }
0x57: {  	_ =	shalt  }
0x58: {  	_ =	shalt  }
0x59: {  	_ =	shalt  }
0x5a: {  	_ =	shalt  }
0x5b: {  	_ =	shalt  }
0x5c: {  	_ =	shalt  }
0x5d: {  	_ =	shalt  }
0x5e: {  	_ =	shalt  }
0x5f: {  	_ =	shalt  }
0x60: {  	_ =	shalt  }
0x61: {  	_ =	shalt  }
0x62: {  	_ =	shalt  }
0x63: {  	_ =	shalt  }
0x64: {  	_ =	shalt  }
0x65: {  	_ =	shalt  }
0x66: {  	_ =	shalt  }
0x67: {  	_ =	shalt  }
0x68: {  	_ =	shalt  }
0x69: {  	_ =	shalt  }
0x6a: {  	_ =	shalt  }
0x6b: {  	_ =	shalt  }
0x6c: {  	_ =	shalt  }
0x6d: {  	_ =	shalt  }
0x6e: {  	_ =	shalt  }
0x6f: {  	_ =	shalt  }
0x70: {  	_ =	shalt  }
0x71: {  	_ =	shalt  }
0x72: {  	_ =	shalt  }
0x73: {  	_ =	shalt  }
0x74: {  	_ =	shalt  }
0x75: {  	_ =	shalt  }
0x76: {  	_ =	shalt  }
0x77: {  	_ =	shalt  }
0x78: {  	_ =	shalt  }
0x79: {  	_ =	shalt  }
0x7a: {  	_ =	shalt  }
0x7b: {  	_ =	shalt  }
0x7c: {  	_ =	shalt  }
0x7d: {  	_ =	shalt  }
0x7e: {  	_ =	shalt  }
0x7f: {  	_ =	shalt  }
0x80: {  	_ =	shalt  }
0x81: {  	_ =	shalt  }
0x82: {  	_ =	shalt  }
0x83: {  	_ =	shalt  }
0x84: {  	_ =	shalt  }
0x85: {  	_ =	shalt  }
0x86: {  	_ =	shalt  }
0x87: {  	_ =	shalt  }
.Lfunc_end0:
.L_simem_size_0:
called_computation.2_lowered:
.L_overlay_start_0:
0x88: {  	s2 =	sld [smem:$0x3FD9]  }
0x89: {  	s3 =	sld [smem:$0x3FFE];
	_ =	sdelay $0x1  }
0x8a: {  	s1 =	srdreg.scid  }
0x8b: {  	s0 =	sand.u32 $0x1, s1  }
0x8c: {  	s16 =	sshll.u32 s0, $0xA;
	s2 =	sadd.s32 s3, s2  }
0x8d: {  	s2 =	sadd.s32 s2, s16  }
0x8e: {  	[smem:$0x3FB9] =	sst s2  }
0x8f: {  	_ = 	snop  }
0x90: {  	(tm) =	ssettm $0x1  }
0x91: {  	s17 =	sld [smem:$0x3FFB];
	_ =	sdelay $0x3  }
0x92: {  	_ =	strace s17  }
0x93: {  	s2 =	sld [smem:$0x3FFC];
	_ =	sdelay $0x3  }
0x94: {  	_ =	strace s2  }
0x95: {  	s2 =	sld [smem:$0x3FFD];
	_ =	sdelay $0x3  }
0x96: {  	_ =	strace s2  }
0x97: {  	_ =	strace $0x8FFFFFFF  }
0x98: {  	s18 =	sld [smem:$0x3FDB];
	_ =	sdelay $0x1  }
0x99: {  	s19 =	simm.s32 $_scs_section_size  }
0x9a: {  	s4 =	simm.s32 $_size__tile_overlayer_lowered;
	s5 =	simm.s32 $_tile_overlayer_lowered  }
0x9b: {  	s22 =	simm.s32 $0x1BFF;
	s21 =	sshll.u32 s5, $0x1;
	s2 =	sadd.s32 s19, s18  }
0x9c: {  	s6 =	simm.s32 $0x0;
	s20 =	sshll.u32 s4, $0x1;
	s4 =	sadd.s32 s21, s2  }
0x9d: {  	[timem:s6], [sflag:s22] =	dma.local [hbm:s4], s20  }
0x9e: {  	_ =	swait.ge [sflag:s22], s20  }
0x9f: {  	s3 =	ssub.s32 $0x0, s20;
	[sflag:s22] =	ssyncset.done $0x0  }
0xa0: {  	[sflag:s22] =	ssyncadd.s32 s3;
	_ =	sdelay $0x1  }
0xa1: {  	s23 =	simm.s32 $0x1B8B  }
0xa2: {  	_ =	swait.ge [sflag:s23], $0x1  }
0xa3: {  	[sflag:s23] =	ssyncset.done $0x0  }
0xa4: {  	s25 =	simm.s32 $0x1B8E;
	s24 =	sld [smem:$0x3FFE];
	[sflag:s23] =	ssyncadd.s32 $0xFFFFFFFF  }
0xa5: {  	s26 =	simm.s32 $execute0_lowered;
	[smem:$0x3FD2] =	sst s25  }
0xa6: {  	s4 =	sshll.u32 s26, $0x1;
	_ =	strace $0x8000004C;
	[dreg:$0x1] =	wrdreg $0xFFFFFFFF  }
0xa7: {  	s28 =	simm.s32 $_size_execute0_lowered;
	s2 =	sadd.s32 s2, s4;
	[dreg:$0x0] =	wrdreg $0x0  }
0xa8: {  	s4 =	sshll.u32 s28, $0x1;
	[dreg:$0x2] =	wrdreg s2  }
0xa9: {  	[dreg:$0x3] =	wrdreg s4  }
0xaa: {  	[dreg:$0x4] =	wrdreg $0xC0  }
0xab: {  	_ =	task [dreg:s6], $0x5FFFF  }
0xac: {  	[dreg:$0x1] =	wrdreg $0xFFFFFFFF  }
0xad: {  	[dreg:$0x0] =	wrdreg $0x60  }
0xae: {  	[dreg:$0x2] =	wrdreg s24  }
0xaf: {  	[dreg:$0x3] =	wrdreg $0xAA000  }
0xb0: {  	[dreg:$0x4] =	wrdreg $0x9  }
0xb1: {  	_ =	task.clear_ibuf [dreg:s6], $0x5FFFF;
	_ =	strace $0x9000004C  }
0xb2: {  	s29 =	simm.s32 $0x9;
	_ =	strace $0x8000004E  }
0xb3: {  	_ =	swait.ge [sflag:s29], $0x1  }
0xb4: {  	[sflag:s29] =	ssyncadd.s32 $0xFFFFFFFF  }
0xb5: {  	_ =	strace $0x9000004E  }
0xb6: {  	_ =	sfence  }
0xb7: {  	s30 =	sld [smem:$0x0];
	_ =	sdelay $0x2  }
0xb8: {  	s31 =	sshll.u32 s1, $0xD;
	s1 =	sshrl.u32 s1, $0x2  }
0xb9: {  	s3 =	sand.u32 $0x4000, s31;
	s1 =	sadd.s32 s1, s30  }
0xba: {  	s0 =	sor.u32 s3, s0;
	s1 =	sshll.u32 s1, $0x11  }
0xbb: {  	s0 =	sor.u32 s1, s0  }
0xbc: {  	s0 =	sadd.s32 $0x8F2B, s0  }
0xbd: {  	[sflag:s0] =	ssyncadd.remote.s32 $0x1  }
0xbe: {  	_ =	sfence.sel $0xFFFF  }
0xbf: {  	[dreg:$0x0] =	wrdreg $0xFFFFFFFF;
	(pc) =	sbr.abs _section_cstart, $3  }
0xc0: {  	[dreg:$0x1] =	wrdreg $0xFFFFFFFF  }
0xc1: {  	_ =	task.clear_ibuf [dreg:s6], $0x2FFFF;
	_ =	strace $0x9FFFFFFF  }
0xc2: {  	(tm) =	ssettm $0x7FFFFFFF  }
0xc3: {  	_ =	shalt  }
tec
execute0_lowered:
.L_overlay_start_1:
0x0: {  	(tag) =	ssettag $0x1  }
0x1: {  	s1 =	srdreg.scid  }
0x2: {  	s0 =	stileid.u32;
	s6 =	rddreg [dreg:$0x0]  }
0x3: {  	s2 =	rddreg [dreg:$0x1];
	s3 =	simm.s32 $0x0;
	s13 =	simm.s32 $0x5  }
0x4: {  	s14 =	simm.s32 $0x2800;
	s15 =	simm.s32 $0x80;
	s16 =	simm.s32 $0xA800  }
0x5: {  	s17 =	simm.s32 $0xA880;
	s18 =	simm.s32 $0x6800;
	s19 =	simm.s32 $0x1  }
0x6: {  	s20 =	simm.s32 $0xA900;
	s21 =	simm.s32 $0x2;
	s22 =	simm.s32 $0xA980  }
0x7: {  	s23 =	simm.s32 $0x3;
	s24 =	simm.s32 $0x4;
	s25 =	simm.s32 $0x0  }
0x8: {  	s5 =	sand.u32 $0x1, s1;
	s28 =	sshll.u32 s0, $0x1;
	s9 =	smul.u32 $0x14000, s0  }
0x9: {  	[smem:$0x7FF] =	sst s3;
	s10 =	smul.u32 $0x50000, s0;
	s4 =	sadd.s32 $0xD400, s6  }
0xa: {  	s1 =	sor.u32 s5, s28;
	s8 =	smul.u32 $0x140000, s5;
	s29 =	ssub.s32 $0x2, s5  }
0xb: {  	s7 =	smul.u32 $0x500, s1;
	s1 =	rddreg [dreg:$0x2];
	_ =	strace $0x8000004D  }
0xc: {  	s30 =	sshrl.u32 s10, $0x2;
	s31 =	sshrl.u32 s29, $0x1;
	s8 =	sadd.s32 s9, s8  }
0xd: {  	s5 =	sadd.s32 s30, s2;
	s12 =	ssub.s32 s29, s31;
	s7 =	sadd.s32 s7, s6  }
0xe: {  	s8 =	sshrl.u32 s8, $0x3;
	s9 =	sadd.s32 $0xC000, s5;
	s10 =	sadd.s32 $0x10000, s5  }
0xf: {  	s12 =	smax.u32 s12, $0x1;
	s11 =	sadd.s32 s8, s6;
	s6 =	sadd.s32 $0x3400, s7  }
0x10: {  	v0 =	vimm.f32 $0.0e+00;
	s7 =	sadd.s32 $0x4000, s5;
	s8 =	sadd.s32 $0x8000, s5;
	s11 =	sadd.s32 $0x34600, s11  }
.LBB2_1:
0x11: {  	[tilespmem:s3], [sflag:$0x5] =	stream.linear.gather [hbm4b:s6+s3], $0x2800, $0x38;
	[tilespmem:$0x1EA00] =	vst v63  }
0x12: {  	_ =	swait.ge [sflag:s13], $0x2800  }
0x13: {  	[sflag:s13] =	ssyncset.done $0x0  }
0x14: {  	s26 =	simm.s32 $0x0;
	s28 =	simm.s32 $0x200;
	[sflag:s13] =	ssyncadd.s32 $0xFFFFD800  }
.LBB2_2:
0x15: {  	p0 =	sne.s32 s28, $0xFE00;
	[tilespmem:s26+$0x2870] =	vst v0  }
0x16: {  	[tilespmem:s26+$0x2800] =	vst v0  }
0x17: {  	[tilespmem:s26+$0x2810] =	vst v0  }
.Ltmp0:
0x18: {  	[tilespmem:s26+$0x2820] =	vst v0;
	(pc) =	sbr.rel @p0 .LBB2_2-.Ltmp0, $4  }
0x19: {  	[tilespmem:s26+$0x2830] =	vst v0  }
0x1a: {  	[tilespmem:s26+$0x2840] =	vst v0  }
0x1b: {  	[tilespmem:s26+$0x2850] =	vst v0  }
0x1c: {  	[tilespmem:s26+$0x2860] =	vst v0;
	s26 =	sshra.s32 s28, $0x2;
	s28 =	sadd.s32 $0x200, s28  }
0x1d: {  	[tilespmem:s26+$0x2870] =	vst v0  }
0x1e: {  	[tilespmem:s26+$0x2800] =	vst v0  }
0x1f: {  	[tilespmem:s26+$0x2810] =	vst v0  }
0x20: {  	[tilespmem:s26+$0x2820] =	vst v0  }
0x21: {  	[tilespmem:s26+$0x2830] =	vst v0  }
0x22: {  	[tilespmem:s26+$0x2840] =	vst v0  }
0x23: {  	[tilespmem:s26+$0x2850] =	vst v0  }
0x24: {  	[tilespmem:s26+$0x2860] =	vst v0  }
0x25: {  	[spmem:s5] =	stream.linear.scatter [tilespmem:s14], [sflag:$0x5], $0x4000, $0x38;
	[tilespmem:$0x1EA00] =	vst v63  }
0x26: {  	_ =	swait.ge [sflag:s13], $0x4000  }
0x27: {  	[sflag:s13] =	ssyncset.done $0x0  }
0x28: {  	[sflag:s13] =	ssyncadd.s32 $0xFFFFC000  }
0x29: {  	[spmem:s7] =	stream.linear.scatter [tilespmem:s14], [sflag:$0x5], $0x4000, $0x38;
	[tilespmem:$0x1EA00] =	vst v63  }
0x2a: {  	_ =	swait.ge [sflag:s13], $0x4000  }
0x2b: {  	[sflag:s13] =	ssyncset.done $0x0  }
0x2c: {  	[sflag:s13] =	ssyncadd.s32 $0xFFFFC000  }
0x2d: {  	[spmem:s8] =	stream.linear.scatter [tilespmem:s14], [sflag:$0x5], $0x4000, $0x38;
	[tilespmem:$0x1EA00] =	vst v63  }
0x2e: {  	_ =	swait.ge [sflag:s13], $0x4000  }
0x2f: {  	[sflag:s13] =	ssyncset.done $0x0  }
0x30: {  	[sflag:s13] =	ssyncadd.s32 $0xFFFFC000  }
0x31: {  	[spmem:s9] =	stream.linear.scatter [tilespmem:s14], [sflag:$0x5], $0x4000, $0x38;
	[tilespmem:$0x1EA00] =	vst v63  }
0x32: {  	_ =	swait.ge [sflag:s13], $0x4000  }
0x33: {  	[sflag:s13] =	ssyncset.done $0x0  }
0x34: {  	[sflag:s13] =	ssyncadd.s32 $0xFFFFC000  }
0x35: {  	[spmem:s10] =	stream.linear.scatter [tilespmem:s14], [sflag:$0x5], $0x4000, $0x38;
	[tilespmem:$0x1EA00] =	vst v63  }
0x36: {  	_ =	swait.ge [sflag:s13], $0x4000  }
0x37: {  	[sflag:s13] =	ssyncset.done $0x0  }
0x38: {  	[sflag:s13] =	ssyncadd.s32 $0xFFFFC000  }
0x39: {  	[bflag:$0x0] =	sbarrier.arrive $0xFFFF  }
0x3a: {  	v1 =	vld [tilespmem:$0x0];
	_ =	sdelay $0x1  }
0x3b: {  	v2 =	vld [tilespmem:$0x10];
	_ =	sdelay $0x1  }
0x3c: {  	v3 =	vld [tilespmem:$0x20]  }
0x3d: {  	v4 =	vand.u32 $0x3FFF, v1  }
0x3e: {  	v59 =	vld [tilespmem:$0x30];
	v1 =	vshrl.u32 v1, $0xE;
	[tilespmem:$0xA800] =	vst v4  }
0x3f: {  	[tilespmem:$0xA900] =	vst v1;
	v1 =	vand.u32 $0x3FFF, v2  }
0x40: {  	[tilespmem:$0xA810] =	vst v1;
	v1 =	vshrl.u32 v2, $0xE;
	v2 =	vld [tilespmem:$0x40]  }
0x41: {  	[tilespmem:$0xA910] =	vst v1;
	v1 =	vand.u32 $0x3FFF, v3  }
0x42: {  	[tilespmem:$0xA820] =	vst v1;
	v1 =	vshrl.u32 v3, $0xE;
	v3 =	vld [tilespmem:$0x50]  }
0x43: {  	[tilespmem:$0xA920] =	vst v1;
	v1 =	vand.u32 $0x3FFF, v59  }
0x44: {  	v60 =	vld [tilespmem:$0x60];
	[tilespmem:$0xA830] =	vst v1;
	v1 =	vshrl.u32 v59, $0xE  }
0x45: {  	[tilespmem:$0xA930] =	vst v1;
	v1 =	vand.u32 $0x3FFF, v2  }
0x46: {  	[tilespmem:$0xA840] =	vst v1;
	v1 =	vshrl.u32 v2, $0xE;
	v2 =	vld [tilespmem:$0x70]  }
0x47: {  	[tilespmem:$0xA940] =	vst v1;
	v1 =	vand.u32 $0x3FFF, v3  }
0x48: {  	[tilespmem:$0xA850] =	vst v1;
	v1 =	vshrl.u32 v3, $0xE  }
0x49: {  	[tilespmem:$0xA950] =	vst v1;
	v1 =	vand.u32 $0x3FFF, v60  }
0x4a: {  	[tilespmem:$0xA860] =	vst v1;
	v1 =	vshrl.u32 v60, $0xE  }
0x4b: {  	[tilespmem:$0xA960] =	vst v1;
	v1 =	vand.u32 $0x3FFF, v2  }
0x4c: {  	[tilespmem:$0xA870] =	vst v1;
	v1 =	vshrl.u32 v2, $0xE  }
0x4d: {  	[tilespmem:$0xA970] =	vst v1  }
0x4e: {  	[tilespmem:s14], [sflag:$0x1] =	stream.indirect.gather [hbm4b:s4+s15], $0x80, s16, s15, $0xb8;
	[tilespmem:$0x1EA00] =	vst v63  }
0x4f: {  	v1 =	vld [tilespmem:$0x80];
	_ =	sdelay $0x1  }
0x50: {  	v2 =	vld [tilespmem:$0x90];
	_ =	sdelay $0x1  }
0x51: {  	v3 =	vld [tilespmem:$0xA0]  }
0x52: {  	v61 =	vand.u32 $0x3FFF, v1  }
0x53: {  	v62 =	vld [tilespmem:$0xB0];
	v1 =	vshrl.u32 v1, $0xE;
	[tilespmem:$0xA880] =	vst v61  }
0x54: {  	[tilespmem:$0xA980] =	vst v1;
	v1 =	vand.u32 $0x3FFF, v2  }
0x55: {  	[tilespmem:$0xA890] =	vst v1;
	v1 =	vshrl.u32 v2, $0xE;
	v2 =	vld [tilespmem:$0xC0]  }
0x56: {  	[tilespmem:$0xA990] =	vst v1;
	v1 =	vand.u32 $0x3FFF, v3  }
0x57: {  	[tilespmem:$0xA8A0] =	vst v1;
	v1 =	vshrl.u32 v3, $0xE;
	v3 =	vld [tilespmem:$0xD0]  }
0x58: {  	[tilespmem:$0xA9A0] =	vst v1;
	v1 =	vand.u32 $0x3FFF, v62  }
0x59: {  	v63 =	vld [tilespmem:$0xE0];
	[tilespmem:$0xA8B0] =	vst v1;
	v1 =	vshrl.u32 v62, $0xE  }
0x5a: {  	[tilespmem:$0xA9B0] =	vst v1;
	v1 =	vand.u32 $0x3FFF, v2  }
0x5b: {  	[tilespmem:$0xA8C0] =	vst v1;
	v1 =	vshrl.u32 v2, $0xE;
	v2 =	vld [tilespmem:$0xF0]  }
0x5c: {  	[tilespmem:$0xA9C0] =	vst v1;
	v1 =	vand.u32 $0x3FFF, v3  }
0x5d: {  	[tilespmem:$0xA8D0] =	vst v1;
	v1 =	vshrl.u32 v3, $0xE  }
0x5e: {  	[tilespmem:$0xA9D0] =	vst v1;
	v1 =	vand.u32 $0x3FFF, v63  }
0x5f: {  	[tilespmem:$0xA8E0] =	vst v1;
	v1 =	vshrl.u32 v63, $0xE  }
0x60: {  	[tilespmem:$0xA9E0] =	vst v1;
	v1 =	vand.u32 $0x3FFF, v2  }
0x61: {  	[tilespmem:$0xA8F0] =	vst v1;
	v1 =	vshrl.u32 v2, $0xE  }
0x62: {  	[tilespmem:$0xA9F0] =	vst v1  }
0x63: {  	[tilespmem:s18], [sflag:$0x2] =	stream.indirect.gather [hbm4b:s4+s15], $0x80, s17, s15, $0xb8;
	[tilespmem:$0x1EA00] =	vst v63  }
0x64: {  	_ =	swait.ge [sflag:s19], $0x4000  }
0x65: {  	[sflag:s19] =	ssyncset.done $0x0  }
0x66: {  	[sflag:s19] =	ssyncadd.s32 $0xFFFFC000  }
0x67: {  	[spmem:s2] =	stream.indirect.scatter.add.f32 [tilespmem:s14], [sflag:$0x3], $0x80, s20, s15, $0xb8;
	[tilespmem:$0x1EA00] =	vst v63  }
0x68: {  	_ =	swait.ge [sflag:s21], $0x4000  }
0x69: {  	[sflag:s21] =	ssyncset.done $0x0  }
0x6a: {  	[sflag:s21] =	ssyncadd.s32 $0xFFFFC000  }
0x6b: {  	[spmem:s2] =	stream.indirect.scatter.add.f32 [tilespmem:s18], [sflag:$0x4], $0x80, s22, s15, $0xb8;
	[tilespmem:$0x1EA00] =	vst v63  }
0x6c: {  	_ =	swait.ge [sflag:s23], $0x4000  }
0x6d: {  	[sflag:s23] =	ssyncset.done $0x0  }
0x6e: {  	s28 =	simm.s32 $0x1F0;
	[sflag:s23] =	ssyncadd.s32 $0xFFFFC000  }
0x6f: {  	v1 =	vld [tilespmem:s28+$0xFFFFFF10];
	_ =	sdelay $0x4  }
0x70: {  	v2 =	vand.u32 $0x3FFF, v1  }
0x71: {  	v1 =	vshrl.u32 v1, $0xE;
	[tilespmem:$0xA800] =	vst v2  }
0x72: {  	[tilespmem:$0xA900] =	vst v1  }
0x73: {  	v1 =	vld [tilespmem:s28+$0xFFFFFF20];
	_ =	sdelay $0x4  }
0x74: {  	v2 =	vand.u32 $0x3FFF, v1  }
0x75: {  	v1 =	vshrl.u32 v1, $0xE;
	[tilespmem:$0xA810] =	vst v2  }
0x76: {  	[tilespmem:$0xA910] =	vst v1  }
0x77: {  	v1 =	vld [tilespmem:s28+$0xFFFFFF30];
	_ =	sdelay $0x4  }
0x78: {  	v2 =	vand.u32 $0x3FFF, v1  }
0x79: {  	v1 =	vshrl.u32 v1, $0xE;
	[tilespmem:$0xA820] =	vst v2  }
0x7a: {  	[tilespmem:$0xA920] =	vst v1  }
0x7b: {  	v1 =	vld [tilespmem:s28+$0xFFFFFF40];
	_ =	sdelay $0x4  }
0x7c: {  	v2 =	vand.u32 $0x3FFF, v1  }
0x7d: {  	v1 =	vshrl.u32 v1, $0xE;
	[tilespmem:$0xA830] =	vst v2  }
0x7e: {  	[tilespmem:$0xA930] =	vst v1  }
0x7f: {  	v1 =	vld [tilespmem:s28+$0xFFFFFF50];
	_ =	sdelay $0x4  }
0x80: {  	v2 =	vand.u32 $0x3FFF, v1  }
0x81: {  	v1 =	vshrl.u32 v1, $0xE;
	[tilespmem:$0xA840] =	vst v2  }
0x82: {  	[tilespmem:$0xA940] =	vst v1  }
0x83: {  	v1 =	vld [tilespmem:s28+$0xFFFFFF60];
	_ =	sdelay $0x4  }
0x84: {  	v2 =	vand.u32 $0x3FFF, v1  }
0x85: {  	v1 =	vshrl.u32 v1, $0xE;
	[tilespmem:$0xA850] =	vst v2  }
0x86: {  	[tilespmem:$0xA950] =	vst v1  }
0x87: {  	v1 =	vld [tilespmem:s28+$0xFFFFFF70];
	_ =	sdelay $0x4  }
0x88: {  	v2 =	vand.u32 $0x3FFF, v1  }
0x89: {  	v1 =	vshrl.u32 v1, $0xE;
	[tilespmem:$0xA860] =	vst v2  }
0x8a: {  	[tilespmem:$0xA960] =	vst v1  }
0x8b: {  	v1 =	vld [tilespmem:s28+$0xFFFFFF80];
	_ =	sdelay $0x4  }
0x8c: {  	v2 =	vand.u32 $0x3FFF, v1  }
0x8d: {  	v1 =	vshrl.u32 v1, $0xE;
	[tilespmem:$0xA870] =	vst v2  }
0x8e: {  	[tilespmem:$0xA970] =	vst v1  }
0x8f: {  	[tilespmem:s14], [sflag:$0x1] =	stream.indirect.gather [hbm4b:s4+s15], $0x80, s16, s15, $0xb8;
	[tilespmem:$0x1EA00] =	vst v63  }
0x90: {  	_ =	swait.ge [sflag:s24], $0x4000  }
0x91: {  	[sflag:s24] =	ssyncset.done $0x0  }
0x92: {  	[sflag:s24] =	ssyncadd.s32 $0xFFFFC000  }
0x93: {  	v1 =	vld [tilespmem:s28+$0xFFFFFF90];
	_ =	sdelay $0x4  }
0x94: {  	v2 =	vand.u32 $0x3FFF, v1  }
0x95: {  	v1 =	vshrl.u32 v1, $0xE;
	[tilespmem:$0xA880] =	vst v2  }
0x96: {  	[tilespmem:$0xA980] =	vst v1  }
0x97: {  	v1 =	vld [tilespmem:s28+$0xFFFFFFA0];
	_ =	sdelay $0x4  }
0x98: {  	v2 =	vand.u32 $0x3FFF, v1  }
0x99: {  	v1 =	vshrl.u32 v1, $0xE;
	[tilespmem:$0xA890] =	vst v2  }
0x9a: {  	[tilespmem:$0xA990] =	vst v1  }
0x9b: {  	v1 =	vld [tilespmem:s28+$0xFFFFFFB0];
	_ =	sdelay $0x4  }
0x9c: {  	v2 =	vand.u32 $0x3FFF, v1  }
0x9d: {  	v1 =	vshrl.u32 v1, $0xE;
	[tilespmem:$0xA8A0] =	vst v2  }
0x9e: {  	[tilespmem:$0xA9A0] =	vst v1  }
0x9f: {  	v1 =	vld [tilespmem:s28+$0xFFFFFFC0];
	_ =	sdelay $0x4  }
0xa0: {  	v2 =	vand.u32 $0x3FFF, v1  }
0xa1: {  	v1 =	vshrl.u32 v1, $0xE;
	[tilespmem:$0xA8B0] =	vst v2  }
0xa2: {  	[tilespmem:$0xA9B0] =	vst v1  }
0xa3: {  	v1 =	vld [tilespmem:s28+$0xFFFFFFD0];
	_ =	sdelay $0x4  }
0xa4: {  	v2 =	vand.u32 $0x3FFF, v1  }
0xa5: {  	v1 =	vshrl.u32 v1, $0xE;
	[tilespmem:$0xA8C0] =	vst v2  }
0xa6: {  	[tilespmem:$0xA9C0] =	vst v1  }
0xa7: {  	v1 =	vld [tilespmem:s28+$0xFFFFFFE0];
	_ =	sdelay $0x4  }
0xa8: {  	v2 =	vand.u32 $0x3FFF, v1  }
0xa9: {  	v1 =	vshrl.u32 v1, $0xE;
	[tilespmem:$0xA8D0] =	vst v2  }
0xaa: {  	[tilespmem:$0xA9D0] =	vst v1  }
0xab: {  	v1 =	vld [tilespmem:s28+$0xFFFFFFF0];
	_ =	sdelay $0x4  }
0xac: {  	v2 =	vand.u32 $0x3FFF, v1  }
0xad: {  	v1 =	vshrl.u32 v1, $0xE;
	[tilespmem:$0xA8E0] =	vst v2  }
0xae: {  	[tilespmem:$0xA9E0] =	vst v1  }
0xaf: {  	s26 =	simm.s32 $0xBC0;
	v1 =	vld [tilespmem:s28+$0x0]  }
.LBB2_4:
0xb0: {  	_ =	sdelay $0x1  }
0xb1: {  	p0 =	sne.s32 s26, $0x9FC0;
	s28 =	smov.u32 s26;
	s26 =	sadd.s32 $0x400, s26  }
0xb2: {  	_ = 	snop  }
0xb3: {  	v2 =	vand.u32 $0x3FFF, v1;
	v1 =	vshrl.u32 v1, $0xE  }
0xb4: {  	[tilespmem:$0xA8F0] =	vst v2  }
0xb5: {  	[tilespmem:$0xA9F0] =	vst v1  }
0xb6: {  	[tilespmem:s18], [sflag:$0x2] =	stream.indirect.gather [hbm4b:s4+s15], $0x80, s17, s15, $0xb8;
	[tilespmem:$0x1EA00] =	vst v63  }
0xb7: {  	_ =	swait.ge [sflag:s19], $0x4000  }
0xb8: {  	[sflag:s19] =	ssyncset.done $0x0  }
0xb9: {  	[sflag:s19] =	ssyncadd.s32 $0xFFFFC000  }
0xba: {  	[spmem:s2] =	stream.indirect.scatter.add.f32 [tilespmem:s14], [sflag:$0x3], $0x80, s20, s15, $0xb8;
	[tilespmem:$0x1EA00] =	vst v63  }
0xbb: {  	_ =	swait.ge [sflag:s21], $0x4000  }
0xbc: {  	[sflag:s21] =	ssyncset.done $0x0  }
0xbd: {  	[sflag:s21] =	ssyncadd.s32 $0xFFFFC000  }
0xbe: {  	[spmem:s2] =	stream.indirect.scatter.add.f32 [tilespmem:s18], [sflag:$0x4], $0x80, s22, s15, $0xb8;
	[tilespmem:$0x1EA00] =	vst v63  }
0xbf: {  	_ =	swait.ge [sflag:s23], $0x4000  }
0xc0: {  	[sflag:s23] =	ssyncset.done $0x0  }
0xc1: {  	s28 =	sshra.s32 s28, $0x2;
	[sflag:s23] =	ssyncadd.s32 $0xFFFFC000  }
0xc2: {  	v1 =	vld [tilespmem:s28+$0xFFFFFF10];
	_ =	sdelay $0x4  }
0xc3: {  	v2 =	vand.u32 $0x3FFF, v1;
	v1 =	vshrl.u32 v1, $0xE  }
0xc4: {  	[tilespmem:$0xA800] =	vst v2  }
0xc5: {  	[tilespmem:$0xA900] =	vst v1  }
0xc6: {  	v1 =	vld [tilespmem:s28+$0xFFFFFF20];
	_ =	sdelay $0x4  }
0xc7: {  	v2 =	vand.u32 $0x3FFF, v1;
	v1 =	vshrl.u32 v1, $0xE  }
0xc8: {  	[tilespmem:$0xA810] =	vst v2  }
0xc9: {  	[tilespmem:$0xA910] =	vst v1  }
0xca: {  	v1 =	vld [tilespmem:s28+$0xFFFFFF30];
	_ =	sdelay $0x4  }
0xcb: {  	v2 =	vand.u32 $0x3FFF, v1;
	v1 =	vshrl.u32 v1, $0xE  }
0xcc: {  	[tilespmem:$0xA820] =	vst v2  }
0xcd: {  	[tilespmem:$0xA920] =	vst v1  }
0xce: {  	v1 =	vld [tilespmem:s28+$0xFFFFFF40];
	_ =	sdelay $0x4  }
0xcf: {  	v2 =	vand.u32 $0x3FFF, v1;
	v1 =	vshrl.u32 v1, $0xE  }
0xd0: {  	[tilespmem:$0xA830] =	vst v2  }
0xd1: {  	[tilespmem:$0xA930] =	vst v1  }
0xd2: {  	v1 =	vld [tilespmem:s28+$0xFFFFFF50];
	_ =	sdelay $0x4  }
0xd3: {  	v2 =	vand.u32 $0x3FFF, v1;
	v1 =	vshrl.u32 v1, $0xE  }
0xd4: {  	[tilespmem:$0xA840] =	vst v2  }
0xd5: {  	[tilespmem:$0xA940] =	vst v1  }
0xd6: {  	v1 =	vld [tilespmem:s28+$0xFFFFFF60];
	_ =	sdelay $0x4  }
0xd7: {  	v2 =	vand.u32 $0x3FFF, v1;
	v1 =	vshrl.u32 v1, $0xE  }
0xd8: {  	[tilespmem:$0xA850] =	vst v2  }
0xd9: {  	[tilespmem:$0xA950] =	vst v1  }
0xda: {  	v1 =	vld [tilespmem:s28+$0xFFFFFF70];
	_ =	sdelay $0x4  }
0xdb: {  	v2 =	vand.u32 $0x3FFF, v1;
	v1 =	vshrl.u32 v1, $0xE  }
0xdc: {  	[tilespmem:$0xA860] =	vst v2  }
0xdd: {  	[tilespmem:$0xA960] =	vst v1  }
0xde: {  	v1 =	vld [tilespmem:s28+$0xFFFFFF80];
	_ =	sdelay $0x4  }
0xdf: {  	v2 =	vand.u32 $0x3FFF, v1;
	v1 =	vshrl.u32 v1, $0xE  }
0xe0: {  	[tilespmem:$0xA870] =	vst v2  }
0xe1: {  	[tilespmem:$0xA970] =	vst v1  }
0xe2: {  	[tilespmem:s14], [sflag:$0x1] =	stream.indirect.gather [hbm4b:s4+s15], $0x80, s16, s15, $0xb8;
	[tilespmem:$0x1EA00] =	vst v63  }
0xe3: {  	_ =	swait.ge [sflag:s24], $0x4000  }
0xe4: {  	[sflag:s24] =	ssyncset.done $0x0  }
0xe5: {  	[sflag:s24] =	ssyncadd.s32 $0xFFFFC000  }
0xe6: {  	v1 =	vld [tilespmem:s28+$0xFFFFFF90];
	_ =	sdelay $0x4  }
0xe7: {  	v2 =	vand.u32 $0x3FFF, v1;
	v1 =	vshrl.u32 v1, $0xE  }
0xe8: {  	[tilespmem:$0xA880] =	vst v2  }
0xe9: {  	[tilespmem:$0xA980] =	vst v1  }
0xea: {  	v1 =	vld [tilespmem:s28+$0xFFFFFFA0];
	_ =	sdelay $0x4  }
0xeb: {  	v2 =	vand.u32 $0x3FFF, v1;
	v1 =	vshrl.u32 v1, $0xE  }
0xec: {  	[tilespmem:$0xA890] =	vst v2  }
0xed: {  	[tilespmem:$0xA990] =	vst v1  }
0xee: {  	v1 =	vld [tilespmem:s28+$0xFFFFFFB0];
	_ =	sdelay $0x4  }
0xef: {  	v2 =	vand.u32 $0x3FFF, v1;
	v1 =	vshrl.u32 v1, $0xE  }
0xf0: {  	[tilespmem:$0xA8A0] =	vst v2  }
0xf1: {  	[tilespmem:$0xA9A0] =	vst v1  }
0xf2: {  	v1 =	vld [tilespmem:s28+$0xFFFFFFC0];
	_ =	sdelay $0x4  }
0xf3: {  	v2 =	vand.u32 $0x3FFF, v1;
	v1 =	vshrl.u32 v1, $0xE  }
0xf4: {  	[tilespmem:$0xA8B0] =	vst v2  }
0xf5: {  	[tilespmem:$0xA9B0] =	vst v1  }
0xf6: {  	v1 =	vld [tilespmem:s28+$0xFFFFFFD0];
	_ =	sdelay $0x4  }
0xf7: {  	v2 =	vand.u32 $0x3FFF, v1;
	v1 =	vshrl.u32 v1, $0xE  }
0xf8: {  	[tilespmem:$0xA8C0] =	vst v2  }
0xf9: {  	[tilespmem:$0xA9C0] =	vst v1  }
0xfa: {  	v1 =	vld [tilespmem:s28+$0xFFFFFFE0];
	_ =	sdelay $0x4  }
0xfb: {  	v2 =	vand.u32 $0x3FFF, v1;
	v1 =	vshrl.u32 v1, $0xE  }
0xfc: {  	[tilespmem:$0xA8D0] =	vst v2  }
0xfd: {  	[tilespmem:$0xA9D0] =	vst v1  }
0xfe: {  	v1 =	vld [tilespmem:s28+$0xFFFFFFF0];
	_ =	sdelay $0x3  }
.Ltmp1:
0xff: {  	(pc) =	sbr.rel @p0 .LBB2_4-.Ltmp1, $4  }
0x100: {  	v2 =	vand.u32 $0x3FFF, v1;
	v1 =	vshrl.u32 v1, $0xE  }
0x101: {  	[tilespmem:$0xA8E0] =	vst v2  }
0x102: {  	[tilespmem:$0xA9E0] =	vst v1  }
0x103: {  	v1 =	vld [tilespmem:s28+$0x0]  }
0x104: {  	_ =	sdelay $0x3  }
0x105: {  	v2 =	vand.u32 $0x3FFF, v1  }
0x106: {  	v1 =	vshrl.u32 v1, $0xE;
	[tilespmem:$0xA8F0] =	vst v2  }
0x107: {  	[tilespmem:$0xA9F0] =	vst v1  }
0x108: {  	[tilespmem:s18], [sflag:$0x2] =	stream.indirect.gather [hbm4b:s4+s15], $0x80, s17, s15, $0xb8;
	[tilespmem:$0x1EA00] =	vst v63  }
0x109: {  	_ =	swait.ge [sflag:s19], $0x4000  }
0x10a: {  	[sflag:s19] =	ssyncset.done $0x0  }
0x10b: {  	[sflag:s19] =	ssyncadd.s32 $0xFFFFC000  }
0x10c: {  	[spmem:s2] =	stream.indirect.scatter.add.f32 [tilespmem:s14], [sflag:$0x3], $0x80, s20, s15, $0xb8;
	[tilespmem:$0x1EA00] =	vst v63  }
0x10d: {  	_ =	swait.ge [sflag:s21], $0x4000  }
0x10e: {  	[sflag:s21] =	ssyncset.done $0x0  }
0x10f: {  	[sflag:s21] =	ssyncadd.s32 $0xFFFFC000  }
0x110: {  	[spmem:s2] =	stream.indirect.scatter.add.f32 [tilespmem:s18], [sflag:$0x4], $0x80, s22, s15, $0xb8;
	[tilespmem:$0x1EA00] =	vst v63  }
0x111: {  	_ =	swait.ge [sflag:s23], $0x4000  }
0x112: {  	[sflag:s23] =	ssyncset.done $0x0  }
0x113: {  	[sflag:s23] =	ssyncadd.s32 $0xFFFFC000  }
0x114: {  	_ =	swait.ge [sflag:s24], $0x4000  }
0x115: {  	s26 =	sshll.u32 s0, $0x6;
	s25 =	sadd.s32 $0x1, s25;
	[sflag:s24] =	ssyncset.done $0x0  }
0x116: {  	s28 =	sshrl.u32 s5, $0x3;
	p0 =	sne.s32 s25, s12;
	[sflag:s24] =	ssyncadd.s32 $0xFFFFC000  }
.Ltmp2:
0x117: {  	s26 =	sor.u32 $0x1C05, s26;
	[bflag:$0x0] =	sbarrier.arrive $0xFFFF;
	(pc) =	sbr.rel @p0 .LBB2_1-.Ltmp2, $4  }
0x118: {  	[hbm:s11], [sflag:s26] =	dma.local [spmem:s28], $0x2800  }
0x119: {  	_ =	swait.ge [sflag:s13], $0x2800  }
0x11a: {  	[sflag:s13] =	ssyncset.done $0x0  }
0x11b: {  	[sflag:s13] =	ssyncadd.s32 $0xFFFFD800  }
0x11c: {  	_ =	sfence.sel $0x180000  }
0x11d: {  	[bflag:$0x0] =	sbarrier.arrive $0xFFFF  }
0x11e: {  	p0 =	sne.s32 s0, $0x0;
	_ =	strace $0x9000004D  }
0x11f: {  	s0 =	sadd.s32 @!p0 $0x100000, s1;
	[bflag:$0x2] =	sbarrier.arrive $0xFFFF  }
0x120: {  	[sflag:s0] =	ssyncadd.tile.s32 @!p0 $0x1;
	_ =	shalt  }
.Lfunc_end2:
_tile_overlayer_lowered:
.L_overlay_start_2:
0x121: {  	(tag) =	ssettag $0x2  }
0x122: {  	s0 =	rddreg [dreg:$0x0];
	s2 =	stileid.u32  }
0x123: {  	s1 =	rddreg [dreg:$0x1];
	p0 =	sne.s32 s2, $0x0  }
0x124: {  	s3 =	rddreg [dreg:$0x2];
	[bflag:$0x3] =	sbarrier.arrive $0xFFFF;
	s2 =	simm.s32 @!p0 $0x1C05  }
0x125: {  	[timem:s3], [sflag:s2] =	dma.local @!p0 [hbm:s0], s1  }
0x126: {  	s0 =	simm.s32 @!p0 $0x5  }
0x127: {  	_ =	swait.ge @!p0 [sflag:s0], s1  }
0x128: {  	s1 =	ssub.s32 @!p0 $0x0, s1;
	[sflag:s0] =	ssyncset.done @!p0 $0x0  }
0x129: {  	[sflag:s0] =	ssyncadd.s32 @!p0 s1  }
0x12a: {  	[bflag:$0x3] =	sbarrier.arrive $0xFFFF  }
0x12b: {  	_ =	shalt  }

</sc_bundles>
